<compile_context>
chip_gen: v7x
topology: tpu7x:2x2x1
jax: 0.10.2.dev20260603
libtpu: 0.0.44.dev20260713+nightly
codegen_flags: <defaults>
</compile_context>

<pallas_src>
import functools

import jax
import jax.numpy as jnp
from jax import lax
from jax.experimental import pallas as pl
from jax.experimental.pallas import tpu as pltpu
from jax.experimental.pallas import tpu_sc as plsc

K = 16
N = 1024
BIG_IDX = 2048.0
INF = float("inf")


def _knn_body(pts_ref, outx_ref, dist_ref, idx_ref, cur_ref):
    i = pl.program_id(1)

    @pl.when(i == 0)
    def _init():
        cur_ref[...] = pts_ref[0, 0]

    kT = jnp.transpose(pts_ref[0, 0], (1, 0))
    kx = kT[0:1, :]
    ky = kT[1:2, :]
    kz = kT[2:3, :]
    qx = cur_ref[:, 0:1]
    qy = cur_ref[:, 1:2]
    qz = cur_ref[:, 2:3]

    dx = qx - kx
    dy = qy - ky
    dz = qz - kz
    d = dx * dx + dy * dy
    d = d + dz * dz

    iota = jax.lax.broadcasted_iota(jnp.int32, (1, N), 1).astype(jnp.float32)

    for j in range(K):
        m = jnp.min(d, axis=1, keepdims=True)
        cand = jnp.where(d == m, iota, BIG_IDX)
        a = jnp.min(cand, axis=1, keepdims=True)
        dist_ref[0, 0, :, j : j + 1] = m
        idx_ref[0, 0, :, j : j + 1] = a.astype(jnp.int32)
        onehot = cand == a
        if j == 0:
            xc = jnp.min(jnp.where(onehot, kx, INF), axis=1, keepdims=True)
            yc = jnp.min(jnp.where(onehot, ky, INF), axis=1, keepdims=True)
            zc = jnp.min(jnp.where(onehot, kz, INF), axis=1, keepdims=True)
            cur_ref[:, 0:1] = xc
            cur_ref[:, 1:2] = yc
            cur_ref[:, 2:3] = zc
            outx_ref[0, 0, :, 0:1] = xc
            outx_ref[0, 0, :, 1:2] = yc
            outx_ref[0, 0, :, 2:3] = zc
        if j < K - 1:
            d = jnp.where(onehot, INF, d)


def _knn_topk(point_seq):
    b, t, n, c = point_seq.shape
    grid = (b, t)
    out_shapes = (
        jax.ShapeDtypeStruct((b, t, n, c), jnp.float32),
        jax.ShapeDtypeStruct((b, t, n, K), jnp.float32),
        jax.ShapeDtypeStruct((b, t, n, K), jnp.int32),
    )
    return pl.pallas_call(
        _knn_body,
        grid=grid,
        in_specs=[
            pl.BlockSpec((1, 1, n, c), lambda bi, ti: (bi, ti, 0, 0)),
        ],
        out_specs=(
            pl.BlockSpec((1, 1, n, c), lambda bi, ti: (bi, ti, 0, 0)),
            pl.BlockSpec((1, 1, n, K), lambda bi, ti: (bi, ti, 0, 0)),
            pl.BlockSpec((1, 1, n, K), lambda bi, ti: (bi, ti, 0, 0)),
        ),
        out_shape=out_shapes,
        scratch_shapes=[pltpu.VMEM((n, c), jnp.float32)],
        compiler_params=pltpu.CompilerParams(
            dimension_semantics=("arbitrary", "arbitrary"),
        ),
    )(point_seq)


def _sc_gather(pts_flat, idx_flat, b, t, n):
    npairs = b * t
    pairs_per_w = npairs // 32
    mesh = plsc.VectorSubcoreMesh(core_axis_name="c", subcore_axis_name="s")
    row_out = n * K * 3

    @functools.partial(
        pl.kernel,
        mesh=mesh,
        out_type=(
            jax.ShapeDtypeStruct((npairs, row_out), jnp.float32),
            jax.ShapeDtypeStruct((npairs, row_out), jnp.float32),
        ),
        scratch_types=[
            pltpu.VMEM((3 * n,), jnp.float32),
            pltpu.VMEM((3 * n,), jnp.float32),
            pltpu.VMEM((n * K,), jnp.int32),
            pltpu.VMEM((row_out,), jnp.float32),
            pltpu.VMEM((row_out,), jnp.float32),
        ],
        compiler_params=pltpu.CompilerParams(needs_layout_passes=False),
    )
    def sc_kern(pts_hbm, idx_hbm, pp_hbm, pf_hbm, cur_v, prev_v, idx_v, pp_v, pf_v):
        wid = lax.axis_index("s") * 2 + lax.axis_index("c")
        jota3 = lax.iota(jnp.int32, 16) * 3

        for p in range(pairs_per_w):
            pair = wid * pairs_per_w + p
            ti = lax.rem(pair, t)
            prev_pair = jnp.where(ti == 0, pair, pair - 1)
            pltpu.sync_copy(pts_hbm.at[pair], cur_v)
            pltpu.sync_copy(pts_hbm.at[prev_pair], prev_v)
            pltpu.sync_copy(idx_hbm.at[pair], idx_v)

            def q_body(q2, _):
                for u in range(2):
                    q = q2 * 2 + u
                    iv0 = idx_v[pl.ds(q * K, 16)]
                    iv3 = iv0 * 3
                    qbase = q * (K * 3)
                    for ci in range(3):
                        iv = iv3 + ci if ci else iv3
                        sidx = jota3 + (qbase + ci)
                        vals = plsc.load_gather(cur_v, [iv])
                        plsc.store_scatter(pp_v, [sidx], vals)
                        fvals = plsc.load_gather(prev_v, [iv])
                        plsc.store_scatter(pf_v, [sidx], fvals)
                return _

            lax.fori_loop(0, n // 2, q_body, None)
            pltpu.sync_copy(pp_v, pp_hbm.at[pair])
            pltpu.sync_copy(pf_v, pf_hbm.at[pair])

    return sc_kern(pts_flat, idx_flat)


def kernel(point_seq):
    b, t, n, c = point_seq.shape
    out_x, distances, idxs = _knn_topk(point_seq)

    pts_flat = point_seq.reshape(b * t, n * c)
    idx_flat = idxs.reshape(b * t, n * K)
    pp, pf = _sc_gather(pts_flat, idx_flat, b, t, n)
    patchlet_points = pp.reshape(b, t, n, K, c)
    patchlet_feats = pf.reshape(b, t, n, K, c)
    return out_x, distances, idxs, patchlet_points, patchlet_feats

# --- scband reference (transcript-rebuilt; emitter-appended) ---
"""Pipeline reference for scband-t-patch-traj-7078106104301 (READ-ONLY COPY).

The authoritative reference and input builder live on the scoring server;
editing this copy changes nothing except your own understanding.
"""

import jax, jax.numpy as jnp
import numpy as np

K = 16

def setup_inputs(seed: int = 0) -> dict:
    key = jax.random.key(seed)
    point_seq = jax.random.normal(key, (8, 32, 1024, 3), dtype=jnp.float32)
    return {"point_seq": point_seq}

def _knn(x1, x2, k):
    # x1: [b, n, 3] queries; x2: [b, m, 3] keys
    d = jnp.sum((x1[:, :, None, :] - x2[:, None, :, :]) ** 2, axis=-1)  # [b, n, m]
    neg_d, idxs = jax.lax.top_k(-d, k)  # smallest distances first
    return -neg_d, idxs

def _index_points(points, idx):
    # points: [b, m, c]; idx: [b, n, k] -> [b, n, k, c]
    return jax.vmap(lambda p, i: p[i])(points, idx)

def reference(point_seq):
    k = K
    b, t, n, d = point_seq.shape
    feat_seq = point_seq  # feat_seq is None in torch forward -> uses points as feats
    x2 = jnp.concatenate([point_seq[:, :1], point_seq], axis=1)[:, :-1]
    feat_seq_2 = jnp.concatenate([feat_seq[:, :1], feat_seq], axis=1)[:, :-1]
    x_current = x2[:, 0]
    out_x_l, dist_l, idx_l, pp_l, pf_l = [], [], [], [], []
    for i in range(t):
        x_next = point_seq[:, i]
        distances, idxs = _knn(x_current[..., 0:3], x_next[..., 0:3], k)
        # sample_mode == 'nn': track nearest neighbor as new centroid
        x_current = _index_points(x_next, idxs)[:, :, 0, :]
        out_x_l.append(x_current)
        dist_l.append(distances)
        idx_l.append(idxs)
        pp_l.append(_index_points(x_next, idxs))
        pf_l.append(_index_points(feat_seq_2[:, i], idxs))
    out_x = jnp.stack(out_x_l, axis=1)                # [b, t, n, 3]
    distances = jnp.stack(dist_l, axis=1)             # [b, t, n, k]
    idxs = jnp.stack(idx_l, axis=1)                   # [b, t, n, k] int
    patchlet_points = jnp.stack(pp_l, axis=1)         # [b, t, n, k, 3]
    patchlet_feats = jnp.stack(pf_l, axis=1)          # [b, t, n, k, 3]
    return out_x, distances, idxs, patchlet_points, patchlet_feats

if __name__ == "__main__":
    import jax
    _d = setup_inputs()
    print(jax.jit(kernel)(*tuple(_d.values())))

</pallas_src>

<mosaic_0001>
#map = affine_map<(d0, d1) -> (0, 0)>
module attributes {stable_mosaic.version = 14 : i64} {
  func.func @sc_kern(%arg0: i32, %arg1: i32, %arg2: memref<256x3072xf32, #tpu.memory_space<hbm>>, %arg3: memref<256x16384xi32, #tpu.memory_space<hbm>>, %arg4: memref<256x49152xf32, #tpu.memory_space<hbm>>, %arg5: memref<256x49152xf32, #tpu.memory_space<hbm>>, %arg6: memref<3072xf32, #tpu.memory_space<vmem>>, %arg7: memref<3072xf32, #tpu.memory_space<vmem>>, %arg8: memref<16384xi32, #tpu.memory_space<vmem>>, %arg9: memref<49152xf32, #tpu.memory_space<vmem>>, %arg10: memref<49152xf32, #tpu.memory_space<vmem>>) attributes {dimension_semantics = [#tpu.dimension_semantics<core_parallel>, #tpu.dimension_semantics<subcore_parallel>], iteration_bounds = array<i64: 2, 16>, scalar_prefetch = 0 : i64, scratch_operands = 5 : i64, tpu.core_type = #tpu.core_type<sc_vector_subcore>, window_params = [{transform_indices = #map}, {transform_indices = #map}, {transform_indices = #map}, {transform_indices = #map}]} {
    %mul3A = arith.constant 2 : i32
    %mul3A_0 = arith.muli %arg1, %mul3A : i32
    %add3A = arith.addi %mul3A_0, %arg0 : i32
    %iota3A = tpu.iota {dimensions = array<i32: 0>} : vector<16xi32>
    %mul3A_1 = arith.constant 3 : i32
    %mul3A_2 = vector.broadcast %mul3A_1 : i32 to vector<16xi32>
    %mul3A_3 = arith.muli %iota3A, %mul3A_2 : vector<16xi32>
    %mul3A_4 = arith.constant 8 : i32
    %mul3A_5 = arith.muli %add3A, %mul3A_4 : i32
    %add3A_6 = arith.constant 0 : i32
    %add3A_7 = arith.addi %mul3A_5, %add3A_6 : i32
    %rem3A = arith.constant 32 : i32
    %rem3A_8 = arith.remsi %add3A_7, %rem3A : i32
    %eq3A = arith.constant 0 : i32
    %eq3A_9 = arith.cmpi eq, %rem3A_8, %eq3A : i32
    %sub3A = arith.constant 1 : i32
    %sub3A_10 = arith.subi %add3A_7, %sub3A : i32
    %select_n3A = arith.select %eq3A_9, %add3A_7, %sub3A_10 : i32
    "tpu.region"() ({
      %run_scoped3A = tpu.sem_alloc : memref<!tpu.dma_semaphore, #tpu.memory_space<semaphore_mem>>
      %dma_start3A = arith.constant 0 : i32
      %dma_start3A_127 = tpu.memref_slice %arg2[%add3A_7, %dma_start3A] : memref<256x3072xf32, #tpu.memory_space<hbm>> -> memref<1x3072xf32, #tpu.memory_space<hbm>>
      %dma_start3A_128 = tpu.memref_squeeze %dma_start3A_127 : memref<1x3072xf32, #tpu.memory_space<hbm>> -> memref<3072xf32, #tpu.memory_space<hbm>>
      %dma_start3A_129 = arith.constant 0 : i32
      %dma_start3A_130 = tpu.memref_slice %arg2[%add3A_7, %dma_start3A_129] : memref<256x3072xf32, #tpu.memory_space<hbm>> -> memref<1x3072xf32, #tpu.memory_space<hbm>>
      %dma_start3A_131 = tpu.memref_squeeze %dma_start3A_130 : memref<1x3072xf32, #tpu.memory_space<hbm>> -> memref<3072xf32, #tpu.memory_space<hbm>>
      tpu.enqueue_dma source(%dma_start3A_131 : memref<3072xf32, #tpu.memory_space<hbm>>) target(%arg6 : memref<3072xf32, #tpu.memory_space<vmem>>) target_semaphore(%run_scoped3A : memref<!tpu.dma_semaphore, #tpu.memory_space<semaphore_mem>>)
      %dma_wait3A = arith.constant 0 : i32
      %dma_wait3A_132 = tpu.memref_slice %arg2[%add3A_7, %dma_wait3A] : memref<256x3072xf32, #tpu.memory_space<hbm>> -> memref<1x3072xf32, #tpu.memory_space<hbm>>
      %dma_wait3A_133 = tpu.memref_squeeze %dma_wait3A_132 : memref<1x3072xf32, #tpu.memory_space<hbm>> -> memref<3072xf32, #tpu.memory_space<hbm>>
      %dma_wait3A_134 = arith.constant 0 : i32
      %dma_wait3A_135 = tpu.memref_slice %arg2[%add3A_7, %dma_wait3A_134] : memref<256x3072xf32, #tpu.memory_space<hbm>> -> memref<1x3072xf32, #tpu.memory_space<hbm>>
      %dma_wait3A_136 = tpu.memref_squeeze %dma_wait3A_135 : memref<1x3072xf32, #tpu.memory_space<hbm>> -> memref<3072xf32, #tpu.memory_space<hbm>>
      tpu.wait_dma2 semaphore(%run_scoped3A : memref<!tpu.dma_semaphore, #tpu.memory_space<semaphore_mem>>) src(%dma_wait3A_136 : memref<3072xf32, #tpu.memory_space<hbm>>) dst(%arg6 : memref<3072xf32, #tpu.memory_space<vmem>>)
      tpu.yield
    }) : () -> ()
    "tpu.region"() ({
      %run_scoped3A = tpu.sem_alloc : memref<!tpu.dma_semaphore, #tpu.memory_space<semaphore_mem>>
      %dma_start3A = arith.constant 0 : i32
      %dma_start3A_127 = tpu.memref_slice %arg2[%select_n3A, %dma_start3A] : memref<256x3072xf32, #tpu.memory_space<hbm>> -> memref<1x3072xf32, #tpu.memory_space<hbm>>
      %dma_start3A_128 = tpu.memref_squeeze %dma_start3A_127 : memref<1x3072xf32, #tpu.memory_space<hbm>> -> memref<3072xf32, #tpu.memory_space<hbm>>
      %dma_start3A_129 = arith.constant 0 : i32
      %dma_start3A_130 = tpu.memref_slice %arg2[%select_n3A, %dma_start3A_129] : memref<256x3072xf32, #tpu.memory_space<hbm>> -> memref<1x3072xf32, #tpu.memory_space<hbm>>
      %dma_start3A_131 = tpu.memref_squeeze %dma_start3A_130 : memref<1x3072xf32, #tpu.memory_space<hbm>> -> memref<3072xf32, #tpu.memory_space<hbm>>
      tpu.enqueue_dma source(%dma_start3A_131 : memref<3072xf32, #tpu.memory_space<hbm>>) target(%arg7 : memref<3072xf32, #tpu.memory_space<vmem>>) target_semaphore(%run_scoped3A : memref<!tpu.dma_semaphore, #tpu.memory_space<semaphore_mem>>)
      %dma_wait3A = arith.constant 0 : i32
      %dma_wait3A_132 = tpu.memref_slice %arg2[%select_n3A, %dma_wait3A] : memref<256x3072xf32, #tpu.memory_space<hbm>> -> memref<1x3072xf32, #tpu.memory_space<hbm>>
      %dma_wait3A_133 = tpu.memref_squeeze %dma_wait3A_132 : memref<1x3072xf32, #tpu.memory_space<hbm>> -> memref<3072xf32, #tpu.memory_space<hbm>>
      %dma_wait3A_134 = arith.constant 0 : i32
      %dma_wait3A_135 = tpu.memref_slice %arg2[%select_n3A, %dma_wait3A_134] : memref<256x3072xf32, #tpu.memory_space<hbm>> -> memref<1x3072xf32, #tpu.memory_space<hbm>>
      %dma_wait3A_136 = tpu.memref_squeeze %dma_wait3A_135 : memref<1x3072xf32, #tpu.memory_space<hbm>> -> memref<3072xf32, #tpu.memory_space<hbm>>
      tpu.wait_dma2 semaphore(%run_scoped3A : memref<!tpu.dma_semaphore, #tpu.memory_space<semaphore_mem>>) src(%dma_wait3A_136 : memref<3072xf32, #tpu.memory_space<hbm>>) dst(%arg7 : memref<3072xf32, #tpu.memory_space<vmem>>)
      tpu.yield
    }) : () -> ()
    "tpu.region"() ({
      %run_scoped3A = tpu.sem_alloc : memref<!tpu.dma_semaphore, #tpu.memory_space<semaphore_mem>>
      %dma_start3A = arith.constant 0 : i32
      %dma_start3A_127 = tpu.memref_slice %arg3[%add3A_7, %dma_start3A] : memref<256x16384xi32, #tpu.memory_space<hbm>> -> memref<1x16384xi32, #tpu.memory_space<hbm>>
      %dma_start3A_128 = tpu.memref_squeeze %dma_start3A_127 : memref<1x16384xi32, #tpu.memory_space<hbm>> -> memref<16384xi32, #tpu.memory_space<hbm>>
      %dma_start3A_129 = arith.constant 0 : i32
      %dma_start3A_130 = tpu.memref_slice %arg3[%add3A_7, %dma_start3A_129] : memref<256x16384xi32, #tpu.memory_space<hbm>> -> memref<1x16384xi32, #tpu.memory_space<hbm>>
      %dma_start3A_131 = tpu.memref_squeeze %dma_start3A_130 : memref<1x16384xi32, #tpu.memory_space<hbm>> -> memref<16384xi32, #tpu.memory_space<hbm>>
      tpu.enqueue_dma source(%dma_start3A_131 : memref<16384xi32, #tpu.memory_space<hbm>>) target(%arg8 : memref<16384xi32, #tpu.memory_space<vmem>>) target_semaphore(%run_scoped3A : memref<!tpu.dma_semaphore, #tpu.memory_space<semaphore_mem>>)
      %dma_wait3A = arith.constant 0 : i32
      %dma_wait3A_132 = tpu.memref_slice %arg3[%add3A_7, %dma_wait3A] : memref<256x16384xi32, #tpu.memory_space<hbm>> -> memref<1x16384xi32, #tpu.memory_space<hbm>>
      %dma_wait3A_133 = tpu.memref_squeeze %dma_wait3A_132 : memref<1x16384xi32, #tpu.memory_space<hbm>> -> memref<16384xi32, #tpu.memory_space<hbm>>
      %dma_wait3A_134 = arith.constant 0 : i32
      %dma_wait3A_135 = tpu.memref_slice %arg3[%add3A_7, %dma_wait3A_134] : memref<256x16384xi32, #tpu.memory_space<hbm>> -> memref<1x16384xi32, #tpu.memory_space<hbm>>
      %dma_wait3A_136 = tpu.memref_squeeze %dma_wait3A_135 : memref<1x16384xi32, #tpu.memory_space<hbm>> -> memref<16384xi32, #tpu.memory_space<hbm>>
      tpu.wait_dma2 semaphore(%run_scoped3A : memref<!tpu.dma_semaphore, #tpu.memory_space<semaphore_mem>>) src(%dma_wait3A_136 : memref<16384xi32, #tpu.memory_space<hbm>>) dst(%arg8 : memref<16384xi32, #tpu.memory_space<vmem>>)
      tpu.yield
    }) : () -> ()
    %scan3A = arith.constant 0 : i32
    %scan3A_11 = arith.constant 512 : i32
    %scan3A_12 = arith.addi %scan3A, %scan3A_11 : i32
    %scan3A_13 = arith.constant 1 : i32
    scf.for %scan3A_127 = %scan3A to %scan3A_12 step %scan3A_13  : i32 {
      %mul3A_128 = arith.constant 2 : i32
      %mul3A_129 = arith.muli %scan3A_127, %mul3A_128 : i32
      %add3A_130 = arith.constant 0 : i32
      %add3A_131 = arith.addi %mul3A_129, %add3A_130 : i32
      %mul3A_132 = arith.constant 16 : i32
      %mul3A_133 = arith.muli %add3A_131, %mul3A_132 : i32
      %get3A = arith.index_cast %mul3A_133 : i32 to index
      %get3A_134 = tpu.vector_load %arg8[%get3A] {strides = array<i32>} : memref<16384xi32, #tpu.memory_space<vmem>>, vector<16xi32>,
      %mul3A_135 = arith.constant 3 : i32
      %mul3A_136 = vector.broadcast %mul3A_135 : i32 to vector<16xi32>
      %mul3A_137 = arith.muli %get3A_134, %mul3A_136 : vector<16xi32>
      %mul3A_138 = arith.constant 48 : i32
      %mul3A_139 = arith.muli %add3A_131, %mul3A_138 : i32
      %add3A_140 = arith.constant 0 : i32
      %add3A_141 = arith.addi %mul3A_139, %add3A_140 : i32
      %add3A_142 = vector.broadcast %add3A_141 : i32 to vector<16xi32>
      %add3A_143 = arith.addi %mul3A_3, %add3A_142 : vector<16xi32>
      %gather3A = tpu.vector_load_idx %arg6[%mul3A_137] : memref<3072xf32, #tpu.memory_space<vmem>>[vector<16xi32>], vector<16xf32>,
      tpu.vector_store_idx %arg9[%add3A_143], %gather3A : memref<49152xf32, #tpu.memory_space<vmem>>[vector<16xi32>], vector<16xf32>,
      %gather3A_144 = tpu.vector_load_idx %arg7[%mul3A_137] : memref<3072xf32, #tpu.memory_space<vmem>>[vector<16xi32>], vector<16xf32>,
      tpu.vector_store_idx %arg10[%add3A_143], %gather3A_144 : memref<49152xf32, #tpu.memory_space<vmem>>[vector<16xi32>], vector<16xf32>,
      %add3A_145 = arith.constant 1 : i32
      %add3A_146 = vector.broadcast %add3A_145 : i32 to vector<16xi32>
      %add3A_147 = arith.addi %mul3A_137, %add3A_146 : vector<16xi32>
      %add3A_148 = arith.constant 1 : i32
      %add3A_149 = arith.addi %mul3A_139, %add3A_148 : i32
      %add3A_150 = vector.broadcast %add3A_149 : i32 to vector<16xi32>
      %add3A_151 = arith.addi %mul3A_3, %add3A_150 : vector<16xi32>
      %gather3A_152 = tpu.vector_load_idx %arg6[%add3A_147] : memref<3072xf32, #tpu.memory_space<vmem>>[vector<16xi32>], vector<16xf32>,
      tpu.vector_store_idx %arg9[%add3A_151], %gather3A_152 : memref<49152xf32, #tpu.memory_space<vmem>>[vector<16xi32>], vector<16xf32>,
      %gather3A_153 = tpu.vector_load_idx %arg7[%add3A_147] : memref<3072xf32, #tpu.memory_space<vmem>>[vector<16xi32>], vector<16xf32>,
      tpu.vector_store_idx %arg10[%add3A_151], %gather3A_153 : memref<49152xf32, #tpu.memory_space<vmem>>[vector<16xi32>], vector<16xf32>,
      %add3A_154 = arith.constant 2 : i32
      %add3A_155 = vector.broadcast %add3A_154 : i32 to vector<16xi32>
      %add3A_156 = arith.addi %mul3A_137, %add3A_155 : vector<16xi32>
      %add3A_157 = arith.constant 2 : i32
      %add3A_158 = arith.addi %mul3A_139, %add3A_157 : i32
      %add3A_159 = vector.broadcast %add3A_158 : i32 to vector<16xi32>
      %add3A_160 = arith.addi %mul3A_3, %add3A_159 : vector<16xi32>
      %gather3A_161 = tpu.vector_load_idx %arg6[%add3A_156] : memref<3072xf32, #tpu.memory_space<vmem>>[vector<16xi32>], vector<16xf32>,
      tpu.vector_store_idx %arg9[%add3A_160], %gather3A_161 : memref<49152xf32, #tpu.memory_space<vmem>>[vector<16xi32>], vector<16xf32>,
      %gather3A_162 = tpu.vector_load_idx %arg7[%add3A_156] : memref<3072xf32, #tpu.memory_space<vmem>>[vector<16xi32>], vector<16xf32>,
      tpu.vector_store_idx %arg10[%add3A_160], %gather3A_162 : memref<49152xf32, #tpu.memory_space<vmem>>[vector<16xi32>], vector<16xf32>,
      %mul3A_163 = arith.constant 2 : i32
      %mul3A_164 = arith.muli %scan3A_127, %mul3A_163 : i32
      %add3A_165 = arith.constant 1 : i32
      %add3A_166 = arith.addi %mul3A_164, %add3A_165 : i32
      %mul3A_167 = arith.constant 16 : i32
      %mul3A_168 = arith.muli %add3A_166, %mul3A_167 : i32
      %get3A_169 = arith.index_cast %mul3A_168 : i32 to index
      %get3A_170 = tpu.vector_load %arg8[%get3A_169] {strides = array<i32>} : memref<16384xi32, #tpu.memory_space<vmem>>, vector<16xi32>,
      %mul3A_171 = arith.constant 3 : i32
      %mul3A_172 = vector.broadcast %mul3A_171 : i32 to vector<16xi32>
      %mul3A_173 = arith.muli %get3A_170, %mul3A_172 : vector<16xi32>
      %mul3A_174 = arith.constant 48 : i32
      %mul3A_175 = arith.muli %add3A_166, %mul3A_174 : i32
      %add3A_176 = arith.constant 0 : i32
      %add3A_177 = arith.addi %mul3A_175, %add3A_176 : i32
      %add3A_178 = vector.broadcast %add3A_177 : i32 to vector<16xi32>
      %add3A_179 = arith.addi %mul3A_3, %add3A_178 : vector<16xi32>
      %gather3A_180 = tpu.vector_load_idx %arg6[%mul3A_173] : memref<3072xf32, #tpu.memory_space<vmem>>[vector<16xi32>], vector<16xf32>,
      tpu.vector_store_idx %arg9[%add3A_179], %gather3A_180 : memref<49152xf32, #tpu.memory_space<vmem>>[vector<16xi32>], vector<16xf32>,
      %gather3A_181 = tpu.vector_load_idx %arg7[%mul3A_173] : memref<3072xf32, #tpu.memory_space<vmem>>[vector<16xi32>], vector<16xf32>,
      tpu.vector_store_idx %arg10[%add3A_179], %gather3A_181 : memref<49152xf32, #tpu.memory_space<vmem>>[vector<16xi32>], vector<16xf32>,
      %add3A_182 = arith.constant 1 : i32
      %add3A_183 = vector.broadcast %add3A_182 : i32 to vector<16xi32>
      %add3A_184 = arith.addi %mul3A_173, %add3A_183 : vector<16xi32>
      %add3A_185 = arith.constant 1 : i32
      %add3A_186 = arith.addi %mul3A_175, %add3A_185 : i32
      %add3A_187 = vector.broadcast %add3A_186 : i32 to vector<16xi32>
      %add3A_188 = arith.addi %mul3A_3, %add3A_187 : vector<16xi32>
      %gather3A_189 = tpu.vector_load_idx %arg6[%add3A_184] : memref<3072xf32, #tpu.memory_space<vmem>>[vector<16xi32>], vector<16xf32>,
      tpu.vector_store_idx %arg9[%add3A_188], %gather3A_189 : memref<49152xf32, #tpu.memory_space<vmem>>[vector<16xi32>], vector<16xf32>,
      %gather3A_190 = tpu.vector_load_idx %arg7[%add3A_184] : memref<3072xf32, #tpu.memory_space<vmem>>[vector<16xi32>], vector<16xf32>,
      tpu.vector_store_idx %arg10[%add3A_188], %gather3A_190 : memref<49152xf32, #tpu.memory_space<vmem>>[vector<16xi32>], vector<16xf32>,
      %add3A_191 = arith.constant 2 : i32
      %add3A_192 = vector.broadcast %add3A_191 : i32 to vector<16xi32>
      %add3A_193 = arith.addi %mul3A_173, %add3A_192 : vector<16xi32>
      %add3A_194 = arith.constant 2 : i32
      %add3A_195 = arith.addi %mul3A_175, %add3A_194 : i32
      %add3A_196 = vector.broadcast %add3A_195 : i32 to vector<16xi32>
      %add3A_197 = arith.addi %mul3A_3, %add3A_196 : vector<16xi32>
      %gather3A_198 = tpu.vector_load_idx %arg6[%add3A_193] : memref<3072xf32, #tpu.memory_space<vmem>>[vector<16xi32>], vector<16xf32>,
      tpu.vector_store_idx %arg9[%add3A_197], %gather3A_198 : memref<49152xf32, #tpu.memory_space<vmem>>[vector<16xi32>], vector<16xf32>,
      %gather3A_199 = tpu.vector_load_idx %arg7[%add3A_193] : memref<3072xf32, #tpu.memory_space<vmem>>[vector<16xi32>], vector<16xf32>,
      tpu.vector_store_idx %arg10[%add3A_197], %gather3A_199 : memref<49152xf32, #tpu.memory_space<vmem>>[vector<16xi32>], vector<16xf32>,
    }
    %scan3A_14 = arith.constant 512 : i32
    "tpu.region"() ({
      %run_scoped3A = tpu.sem_alloc : memref<!tpu.dma_semaphore, #tpu.memory_space<semaphore_mem>>
      %dma_start3A = arith.constant 0 : i32
      %dma_start3A_127 = tpu.memref_slice %arg4[%add3A_7, %dma_start3A] : memref<256x49152xf32, #tpu.memory_space<hbm>> -> memref<1x49152xf32, #tpu.memory_space<hbm>>
      %dma_start3A_128 = tpu.memref_squeeze %dma_start3A_127 : memref<1x49152xf32, #tpu.memory_space<hbm>> -> memref<49152xf32, #tpu.memory_space<hbm>>
      %dma_start3A_129 = arith.constant 0 : i32
      %dma_start3A_130 = tpu.memref_slice %arg4[%add3A_7, %dma_start3A_129] : memref<256x49152xf32, #tpu.memory_space<hbm>> -> memref<1x49152xf32, #tpu.memory_space<hbm>>
      %dma_start3A_131 = tpu.memref_squeeze %dma_start3A_130 : memref<1x49152xf32, #tpu.memory_space<hbm>> -> memref<49152xf32, #tpu.memory_space<hbm>>
      tpu.enqueue_dma source(%arg9 : memref<49152xf32, #tpu.memory_space<vmem>>) target(%dma_start3A_131 : memref<49152xf32, #tpu.memory_space<hbm>>) target_semaphore(%run_scoped3A : memref<!tpu.dma_semaphore, #tpu.memory_space<semaphore_mem>>)
      %dma_wait3A = arith.constant 0 : i32
      %dma_wait3A_132 = tpu.memref_slice %arg4[%add3A_7, %dma_wait3A] : memref<256x49152xf32, #tpu.memory_space<hbm>> -> memref<1x49152xf32, #tpu.memory_space<hbm>>
      %dma_wait3A_133 = tpu.memref_squeeze %dma_wait3A_132 : memref<1x49152xf32, #tpu.memory_space<hbm>> -> memref<49152xf32, #tpu.memory_space<hbm>>
      %dma_wait3A_134 = arith.constant 0 : i32
      %dma_wait3A_135 = tpu.memref_slice %arg4[%add3A_7, %dma_wait3A_134] : memref<256x49152xf32, #tpu.memory_space<hbm>> -> memref<1x49152xf32, #tpu.memory_space<hbm>>
      %dma_wait3A_136 = tpu.memref_squeeze %dma_wait3A_135 : memref<1x49152xf32, #tpu.memory_space<hbm>> -> memref<49152xf32, #tpu.memory_space<hbm>>
      tpu.wait_dma2 semaphore(%run_scoped3A : memref<!tpu.dma_semaphore, #tpu.memory_space<semaphore_mem>>) src(%arg9 : memref<49152xf32, #tpu.memory_space<vmem>>) dst(%dma_wait3A_136 : memref<49152xf32, #tpu.memory_space<hbm>>)
      tpu.yield
    }) : () -> ()
    "tpu.region"() ({
      %run_scoped3A = tpu.sem_alloc : memref<!tpu.dma_semaphore, #tpu.memory_space<semaphore_mem>>
      %dma_start3A = arith.constant 0 : i32
      %dma_start3A_127 = tpu.memref_slice %arg5[%add3A_7, %dma_start3A] : memref<256x49152xf32, #tpu.memory_space<hbm>> -> memref<1x49152xf32, #tpu.memory_space<hbm>>
      %dma_start3A_128 = tpu.memref_squeeze %dma_start3A_127 : memref<1x49152xf32, #tpu.memory_space<hbm>> -> memref<49152xf32, #tpu.memory_space<hbm>>
      %dma_start3A_129 = arith.constant 0 : i32
      %dma_start3A_130 = tpu.memref_slice %arg5[%add3A_7, %dma_start3A_129] : memref<256x49152xf32, #tpu.memory_space<hbm>> -> memref<1x49152xf32, #tpu.memory_space<hbm>>
      %dma_start3A_131 = tpu.memref_squeeze %dma_start3A_130 : memref<1x49152xf32, #tpu.memory_space<hbm>> -> memref<49152xf32, #tpu.memory_space<hbm>>
      tpu.enqueue_dma source(%arg10 : memref<49152xf32, #tpu.memory_space<vmem>>) target(%dma_start3A_131 : memref<49152xf32, #tpu.memory_space<hbm>>) target_semaphore(%run_scoped3A : memref<!tpu.dma_semaphore, #tpu.memory_space<semaphore_mem>>)
      %dma_wait3A = arith.constant 0 : i32
      %dma_wait3A_132 = tpu.memref_slice %arg5[%add3A_7, %dma_wait3A] : memref<256x49152xf32, #tpu.memory_space<hbm>> -> memref<1x49152xf32, #tpu.memory_space<hbm>>
      %dma_wait3A_133 = tpu.memref_squeeze %dma_wait3A_132 : memref<1x49152xf32, #tpu.memory_space<hbm>> -> memref<49152xf32, #tpu.memory_space<hbm>>
      %dma_wait3A_134 = arith.constant 0 : i32
      %dma_wait3A_135 = tpu.memref_slice %arg5[%add3A_7, %dma_wait3A_134] : memref<256x49152xf32, #tpu.memory_space<hbm>> -> memref<1x49152xf32, #tpu.memory_space<hbm>>
      %dma_wait3A_136 = tpu.memref_squeeze %dma_wait3A_135 : memref<1x49152xf32, #tpu.memory_space<hbm>> -> memref<49152xf32, #tpu.memory_space<hbm>>
      tpu.wait_dma2 semaphore(%run_scoped3A : memref<!tpu.dma_semaphore, #tpu.memory_space<semaphore_mem>>) src(%arg10 : memref<49152xf32, #tpu.memory_space<vmem>>) dst(%dma_wait3A_136 : memref<49152xf32, #tpu.memory_space<hbm>>)
      tpu.yield
    }) : () -> ()
    %mul3A_15 = arith.constant 8 : i32
    %mul3A_16 = arith.muli %add3A, %mul3A_15 : i32
    %add3A_17 = arith.constant 1 : i32
    %add3A_18 = arith.addi %mul3A_16, %add3A_17 : i32
    %rem3A_19 = arith.constant 32 : i32
    %rem3A_20 = arith.remsi %add3A_18, %rem3A_19 : i32
    %eq3A_21 = arith.constant 0 : i32
    %eq3A_22 = arith.cmpi eq, %rem3A_20, %eq3A_21 : i32
    %sub3A_23 = arith.constant 1 : i32
    %sub3A_24 = arith.subi %add3A_18, %sub3A_23 : i32
    %select_n3A_25 = arith.select %eq3A_22, %add3A_18, %sub3A_24 : i32
    "tpu.region"() ({
      %run_scoped3A = tpu.sem_alloc : memref<!tpu.dma_semaphore, #tpu.memory_space<semaphore_mem>>
      %dma_start3A = arith.constant 0 : i32
      %dma_start3A_127 = tpu.memref_slice %arg2[%add3A_18, %dma_start3A] : memref<256x3072xf32, #tpu.memory_space<hbm>> -> memref<1x3072xf32, #tpu.memory_space<hbm>>
      %dma_start3A_128 = tpu.memref_squeeze %dma_start3A_127 : memref<1x3072xf32, #tpu.memory_space<hbm>> -> memref<3072xf32, #tpu.memory_space<hbm>>
      %dma_start3A_129 = arith.constant 0 : i32
      %dma_start3A_130 = tpu.memref_slice %arg2[%add3A_18, %dma_start3A_129] : memref<256x3072xf32, #tpu.memory_space<hbm>> -> memref<1x3072xf32, #tpu.memory_space<hbm>>
      %dma_start3A_131 = tpu.memref_squeeze %dma_start3A_130 : memref<1x3072xf32, #tpu.memory_space<hbm>> -> memref<3072xf32, #tpu.memory_space<hbm>>
      tpu.enqueue_dma source(%dma_start3A_131 : memref<3072xf32, #tpu.memory_space<hbm>>) target(%arg6 : memref<3072xf32, #tpu.memory_space<vmem>>) target_semaphore(%run_scoped3A : memref<!tpu.dma_semaphore, #tpu.memory_space<semaphore_mem>>)
      %dma_wait3A = arith.constant 0 : i32
      %dma_wait3A_132 = tpu.memref_slice %arg2[%add3A_18, %dma_wait3A] : memref<256x3072xf32, #tpu.memory_space<hbm>> -> memref<1x3072xf32, #tpu.memory_space<hbm>>
      %dma_wait3A_133 = tpu.memref_squeeze %dma_wait3A_132 : memref<1x3072xf32, #tpu.memory_space<hbm>> -> memref<3072xf32, #tpu.memory_space<hbm>>
      %dma_wait3A_134 = arith.constant 0 : i32
      %dma_wait3A_135 = tpu.memref_slice %arg2[%add3A_18, %dma_wait3A_134] : memref<256x3072xf32, #tpu.memory_space<hbm>> -> memref<1x3072xf32, #tpu.memory_space<hbm>>
      %dma_wait3A_136 = tpu.memref_squeeze %dma_wait3A_135 : memref<1x3072xf32, #tpu.memory_space<hbm>> -> memref<3072xf32, #tpu.memory_space<hbm>>
      tpu.wait_dma2 semaphore(%run_scoped3A : memref<!tpu.dma_semaphore, #tpu.memory_space<semaphore_mem>>) src(%dma_wait3A_136 : memref<3072xf32, #tpu.memory_space<hbm>>) dst(%arg6 : memref<3072xf32, #tpu.memory_space<vmem>>)
      tpu.yield
    }) : () -> ()
    "tpu.region"() ({
      %run_scoped3A = tpu.sem_alloc : memref<!tpu.dma_semaphore, #tpu.memory_space<semaphore_mem>>
      %dma_start3A = arith.constant 0 : i32
      %dma_start3A_127 = tpu.memref_slice %arg2[%select_n3A_25, %dma_start3A] : memref<256x3072xf32, #tpu.memory_space<hbm>> -> memref<1x3072xf32, #tpu.memory_space<hbm>>
      %dma_start3A_128 = tpu.memref_squeeze %dma_start3A_127 : memref<1x3072xf32, #tpu.memory_space<hbm>> -> memref<3072xf32, #tpu.memory_space<hbm>>
      %dma_start3A_129 = arith.constant 0 : i32
      %dma_start3A_130 = tpu.memref_slice %arg2[%select_n3A_25, %dma_start3A_129] : memref<256x3072xf32, #tpu.memory_space<hbm>> -> memref<1x3072xf32, #tpu.memory_space<hbm>>
      %dma_start3A_131 = tpu.memref_squeeze %dma_start3A_130 : memref<1x3072xf32, #tpu.memory_space<hbm>> -> memref<3072xf32, #tpu.memory_space<hbm>>
      tpu.enqueue_dma source(%dma_start3A_131 : memref<3072xf32, #tpu.memory_space<hbm>>) target(%arg7 : memref<3072xf32, #tpu.memory_space<vmem>>) target_semaphore(%run_scoped3A : memref<!tpu.dma_semaphore, #tpu.memory_space<semaphore_mem>>)
      %dma_wait3A = arith.constant 0 : i32
      %dma_wait3A_132 = tpu.memref_slice %arg2[%select_n3A_25, %dma_wait3A] : memref<256x3072xf32, #tpu.memory_space<hbm>> -> memref<1x3072xf32, #tpu.memory_space<hbm>>
      %dma_wait3A_133 = tpu.memref_squeeze %dma_wait3A_132 : memref<1x3072xf32, #tpu.memory_space<hbm>> -> memref<3072xf32, #tpu.memory_space<hbm>>
      %dma_wait3A_134 = arith.constant 0 : i32
      %dma_wait3A_135 = tpu.memref_slice %arg2[%select_n3A_25, %dma_wait3A_134] : memref<256x3072xf32, #tpu.memory_space<hbm>> -> memref<1x3072xf32, #tpu.memory_space<hbm>>
      %dma_wait3A_136 = tpu.memref_squeeze %dma_wait3A_135 : memref<1x3072xf32, #tpu.memory_space<hbm>> -> memref<3072xf32, #tpu.memory_space<hbm>>
      tpu.wait_dma2 semaphore(%run_scoped3A : memref<!tpu.dma_semaphore, #tpu.memory_space<semaphore_mem>>) src(%dma_wait3A_136 : memref<3072xf32, #tpu.memory_space<hbm>>) dst(%arg7 : memref<3072xf32, #tpu.memory_space<vmem>>)
      tpu.yield
    }) : () -> ()
    "tpu.region"() ({
      %run_scoped3A = tpu.sem_alloc : memref<!tpu.dma_semaphore, #tpu.memory_space<semaphore_mem>>
      %dma_start3A = arith.constant 0 : i32
      %dma_start3A_127 = tpu.memref_slice %arg3[%add3A_18, %dma_start3A] : memref<256x16384xi32, #tpu.memory_space<hbm>> -> memref<1x16384xi32, #tpu.memory_space<hbm>>
      %dma_start3A_128 = tpu.memref_squeeze %dma_start3A_127 : memref<1x16384xi32, #tpu.memory_space<hbm>> -> memref<16384xi32, #tpu.memory_space<hbm>>
      %dma_start3A_129 = arith.constant 0 : i32
      %dma_start3A_130 = tpu.memref_slice %arg3[%add3A_18, %dma_start3A_129] : memref<256x16384xi32, #tpu.memory_space<hbm>> -> memref<1x16384xi32, #tpu.memory_space<hbm>>
      %dma_start3A_131 = tpu.memref_squeeze %dma_start3A_130 : memref<1x16384xi32, #tpu.memory_space<hbm>> -> memref<16384xi32, #tpu.memory_space<hbm>>
      tpu.enqueue_dma source(%dma_start3A_131 : memref<16384xi32, #tpu.memory_space<hbm>>) target(%arg8 : memref<16384xi32, #tpu.memory_space<vmem>>) target_semaphore(%run_scoped3A : memref<!tpu.dma_semaphore, #tpu.memory_space<semaphore_mem>>)
      %dma_wait3A = arith.constant 0 : i32
      %dma_wait3A_132 = tpu.memref_slice %arg3[%add3A_18, %dma_wait3A] : memref<256x16384xi32, #tpu.memory_space<hbm>> -> memref<1x16384xi32, #tpu.memory_space<hbm>>
      %dma_wait3A_133 = tpu.memref_squeeze %dma_wait3A_132 : memref<1x16384xi32, #tpu.memory_space<hbm>> -> memref<16384xi32, #tpu.memory_space<hbm>>
      %dma_wait3A_134 = arith.constant 0 : i32
      %dma_wait3A_135 = tpu.memref_slice %arg3[%add3A_18, %dma_wait3A_134] : memref<256x16384xi32, #tpu.memory_space<hbm>> -> memref<1x16384xi32, #tpu.memory_space<hbm>>
      %dma_wait3A_136 = tpu.memref_squeeze %dma_wait3A_135 : memref<1x16384xi32, #tpu.memory_space<hbm>> -> memref<16384xi32, #tpu.memory_space<hbm>>
      tpu.wait_dma2 semaphore(%run_scoped3A : memref<!tpu.dma_semaphore, #tpu.memory_space<semaphore_mem>>) src(%dma_wait3A_136 : memref<16384xi32, #tpu.memory_space<hbm>>) dst(%arg8 : memref<16384xi32, #tpu.memory_space<vmem>>)
      tpu.yield
    }) : () -> ()
    %scan3A_26 = arith.constant 0 : i32
    %scan3A_27 = arith.constant 512 : i32
    %scan3A_28 = arith.addi %scan3A_26, %scan3A_27 : i32
    %scan3A_29 = arith.constant 1 : i32
    scf.for %scan3A_127 = %scan3A_26 to %scan3A_28 step %scan3A_29  : i32 {
      %mul3A_128 = arith.constant 2 : i32
      %mul3A_129 = arith.muli %scan3A_127, %mul3A_128 : i32
      %add3A_130 = arith.constant 0 : i32
      %add3A_131 = arith.addi %mul3A_129, %add3A_130 : i32
      %mul3A_132 = arith.constant 16 : i32
      %mul3A_133 = arith.muli %add3A_131, %mul3A_132 : i32
      %get3A = arith.index_cast %mul3A_133 : i32 to index
      %get3A_134 = tpu.vector_load %arg8[%get3A] {strides = array<i32>} : memref<16384xi32, #tpu.memory_space<vmem>>, vector<16xi32>,
      %mul3A_135 = arith.constant 3 : i32
      %mul3A_136 = vector.broadcast %mul3A_135 : i32 to vector<16xi32>
      %mul3A_137 = arith.muli %get3A_134, %mul3A_136 : vector<16xi32>
      %mul3A_138 = arith.constant 48 : i32
      %mul3A_139 = arith.muli %add3A_131, %mul3A_138 : i32
      %add3A_140 = arith.constant 0 : i32
      %add3A_141 = arith.addi %mul3A_139, %add3A_140 : i32
      %add3A_142 = vector.broadcast %add3A_141 : i32 to vector<16xi32>
      %add3A_143 = arith.addi %mul3A_3, %add3A_142 : vector<16xi32>
      %gather3A = tpu.vector_load_idx %arg6[%mul3A_137] : memref<3072xf32, #tpu.memory_space<vmem>>[vector<16xi32>], vector<16xf32>,
      tpu.vector_store_idx %arg9[%add3A_143], %gather3A : memref<49152xf32, #tpu.memory_space<vmem>>[vector<16xi32>], vector<16xf32>,
      %gather3A_144 = tpu.vector_load_idx %arg7[%mul3A_137] : memref<3072xf32, #tpu.memory_space<vmem>>[vector<16xi32>], vector<16xf32>,
      tpu.vector_store_idx %arg10[%add3A_143], %gather3A_144 : memref<49152xf32, #tpu.memory_space<vmem>>[vector<16xi32>], vector<16xf32>,
      %add3A_145 = arith.constant 1 : i32
      %add3A_146 = vector.broadcast %add3A_145 : i32 to vector<16xi32>
      %add3A_147 = arith.addi %mul3A_137, %add3A_146 : vector<16xi32>
      %add3A_148 = arith.constant 1 : i32
      %add3A_149 = arith.addi %mul3A_139, %add3A_148 : i32
      %add3A_150 = vector.broadcast %add3A_149 : i32 to vector<16xi32>
      %add3A_151 = arith.addi %mul3A_3, %add3A_150 : vector<16xi32>
      %gather3A_152 = tpu.vector_load_idx %arg6[%add3A_147] : memref<3072xf32, #tpu.memory_space<vmem>>[vector<16xi32>], vector<16xf32>,
      tpu.vector_store_idx %arg9[%add3A_151], %gather3A_152 : memref<49152xf32, #tpu.memory_space<vmem>>[vector<16xi32>], vector<16xf32>,
      %gather3A_153 = tpu.vector_load_idx %arg7[%add3A_147] : memref<3072xf32, #tpu.memory_space<vmem>>[vector<16xi32>], vector<16xf32>,
      tpu.vector_store_idx %arg10[%add3A_151], %gather3A_153 : memref<49152xf32, #tpu.memory_space<vmem>>[vector<16xi32>], vector<16xf32>,
      %add3A_154 = arith.constant 2 : i32
      %add3A_155 = vector.broadcast %add3A_154 : i32 to vector<16xi32>
      %add3A_156 = arith.addi %mul3A_137, %add3A_155 : vector<16xi32>
      %add3A_157 = arith.constant 2 : i32
      %add3A_158 = arith.addi %mul3A_139, %add3A_157 : i32
      %add3A_159 = vector.broadcast %add3A_158 : i32 to vector<16xi32>
      %add3A_160 = arith.addi %mul3A_3, %add3A_159 : vector<16xi32>
      %gather3A_161 = tpu.vector_load_idx %arg6[%add3A_156] : memref<3072xf32, #tpu.memory_space<vmem>>[vector<16xi32>], vector<16xf32>,
      tpu.vector_store_idx %arg9[%add3A_160], %gather3A_161 : memref<49152xf32, #tpu.memory_space<vmem>>[vector<16xi32>], vector<16xf32>,
      %gather3A_162 = tpu.vector_load_idx %arg7[%add3A_156] : memref<3072xf32, #tpu.memory_space<vmem>>[vector<16xi32>], vector<16xf32>,
      tpu.vector_store_idx %arg10[%add3A_160], %gather3A_162 : memref<49152xf32, #tpu.memory_space<vmem>>[vector<16xi32>], vector<16xf32>,
      %mul3A_163 = arith.constant 2 : i32
      %mul3A_164 = arith.muli %scan3A_127, %mul3A_163 : i32
      %add3A_165 = arith.constant 1 : i32
      %add3A_166 = arith.addi %mul3A_164, %add3A_165 : i32
      %mul3A_167 = arith.constant 16 : i32
      %mul3A_168 = arith.muli %add3A_166, %mul3A_167 : i32
      %get3A_169 = arith.index_cast %mul3A_168 : i32 to index
      %get3A_170 = tpu.vector_load %arg8[%get3A_169] {strides = array<i32>} : memref<16384xi32, #tpu.memory_space<vmem>>, vector<16xi32>,
      %mul3A_171 = arith.constant 3 : i32
      %mul3A_172 = vector.broadcast %mul3A_171 : i32 to vector<16xi32>
      %mul3A_173 = arith.muli %get3A_170, %mul3A_172 : vector<16xi32>
      %mul3A_174 = arith.constant 48 : i32
      %mul3A_175 = arith.muli %add3A_166, %mul3A_174 : i32
      %add3A_176 = arith.constant 0 : i32
      %add3A_177 = arith.addi %mul3A_175, %add3A_176 : i32
      %add3A_178 = vector.broadcast %add3A_177 : i32 to vector<16xi32>
      %add3A_179 = arith.addi %mul3A_3, %add3A_178 : vector<16xi32>
      %gather3A_180 = tpu.vector_load_idx %arg6[%mul3A_173] : memref<3072xf32, #tpu.memory_space<vmem>>[vector<16xi32>], vector<16xf32>,
      tpu.vector_store_idx %arg9[%add3A_179], %gather3A_180 : memref<49152xf32, #tpu.memory_space<vmem>>[vector<16xi32>], vector<16xf32>,
      %gather3A_181 = tpu.vector_load_idx %arg7[%mul3A_173] : memref<3072xf32, #tpu.memory_space<vmem>>[vector<16xi32>], vector<16xf32>,
      tpu.vector_store_idx %arg10[%add3A_179], %gather3A_181 : memref<49152xf32, #tpu.memory_space<vmem>>[vector<16xi32>], vector<16xf32>,
      %add3A_182 = arith.constant 1 : i32
      %add3A_183 = vector.broadcast %add3A_182 : i32 to vector<16xi32>
      %add3A_184 = arith.addi %mul3A_173, %add3A_183 : vector<16xi32>
      %add3A_185 = arith.constant 1 : i32
      %add3A_186 = arith.addi %mul3A_175, %add3A_185 : i32
      %add3A_187 = vector.broadcast %add3A_186 : i32 to vector<16xi32>
      %add3A_188 = arith.addi %mul3A_3, %add3A_187 : vector<16xi32>
      %gather3A_189 = tpu.vector_load_idx %arg6[%add3A_184] : memref<3072xf32, #tpu.memory_space<vmem>>[vector<16xi32>], vector<16xf32>,
      tpu.vector_store_idx %arg9[%add3A_188], %gather3A_189 : memref<49152xf32, #tpu.memory_space<vmem>>[vector<16xi32>], vector<16xf32>,
      %gather3A_190 = tpu.vector_load_idx %arg7[%add3A_184] : memref<3072xf32, #tpu.memory_space<vmem>>[vector<16xi32>], vector<16xf32>,
      tpu.vector_store_idx %arg10[%add3A_188], %gather3A_190 : memref<49152xf32, #tpu.memory_space<vmem>>[vector<16xi32>], vector<16xf32>,
      %add3A_191 = arith.constant 2 : i32
      %add3A_192 = vector.broadcast %add3A_191 : i32 to vector<16xi32>
      %add3A_193 = arith.addi %mul3A_173, %add3A_192 : vector<16xi32>
      %add3A_194 = arith.constant 2 : i32
      %add3A_195 = arith.addi %mul3A_175, %add3A_194 : i32
      %add3A_196 = vector.broadcast %add3A_195 : i32 to vector<16xi32>
      %add3A_197 = arith.addi %mul3A_3, %add3A_196 : vector<16xi32>
      %gather3A_198 = tpu.vector_load_idx %arg6[%add3A_193] : memref<3072xf32, #tpu.memory_space<vmem>>[vector<16xi32>], vector<16xf32>,
      tpu.vector_store_idx %arg9[%add3A_197], %gather3A_198 : memref<49152xf32, #tpu.memory_space<vmem>>[vector<16xi32>], vector<16xf32>,
      %gather3A_199 = tpu.vector_load_idx %arg7[%add3A_193] : memref<3072xf32, #tpu.memory_space<vmem>>[vector<16xi32>], vector<16xf32>,
      tpu.vector_store_idx %arg10[%add3A_197], %gather3A_199 : memref<49152xf32, #tpu.memory_space<vmem>>[vector<16xi32>], vector<16xf32>,
    }
    %scan3A_30 = arith.constant 512 : i32
    "tpu.region"() ({
      %run_scoped3A = tpu.sem_alloc : memref<!tpu.dma_semaphore, #tpu.memory_space<semaphore_mem>>
      %dma_start3A = arith.constant 0 : i32
      %dma_start3A_127 = tpu.memref_slice %arg4[%add3A_18, %dma_start3A] : memref<256x49152xf32, #tpu.memory_space<hbm>> -> memref<1x49152xf32, #tpu.memory_space<hbm>>
      %dma_start3A_128 = tpu.memref_squeeze %dma_start3A_127 : memref<1x49152xf32, #tpu.memory_space<hbm>> -> memref<49152xf32, #tpu.memory_space<hbm>>
      %dma_start3A_129 = arith.constant 0 : i32
      %dma_start3A_130 = tpu.memref_slice %arg4[%add3A_18, %dma_start3A_129] : memref<256x49152xf32, #tpu.memory_space<hbm>> -> memref<1x49152xf32, #tpu.memory_space<hbm>>
      %dma_start3A_131 = tpu.memref_squeeze %dma_start3A_130 : memref<1x49152xf32, #tpu.memory_space<hbm>> -> memref<49152xf32, #tpu.memory_space<hbm>>
      tpu.enqueue_dma source(%arg9 : memref<49152xf32, #tpu.memory_space<vmem>>) target(%dma_start3A_131 : memref<49152xf32, #tpu.memory_space<hbm>>) target_semaphore(%run_scoped3A : memref<!tpu.dma_semaphore, #tpu.memory_space<semaphore_mem>>)
      %dma_wait3A = arith.constant 0 : i32
      %dma_wait3A_132 = tpu.memref_slice %arg4[%add3A_18, %dma_wait3A] : memref<256x49152xf32, #tpu.memory_space<hbm>> -> memref<1x49152xf32, #tpu.memory_space<hbm>>
      %dma_wait3A_133 = tpu.memref_squeeze %dma_wait3A_132 : memref<1x49152xf32, #tpu.memory_space<hbm>> -> memref<49152xf32, #tpu.memory_space<hbm>>
      %dma_wait3A_134 = arith.constant 0 : i32
      %dma_wait3A_135 = tpu.memref_slice %arg4[%add3A_18, %dma_wait3A_134] : memref<256x49152xf32, #tpu.memory_space<hbm>> -> memref<1x49152xf32, #tpu.memory_space<hbm>>
      %dma_wait3A_136 = tpu.memref_squeeze %dma_wait3A_135 : memref<1x49152xf32, #tpu.memory_space<hbm>> -> memref<49152xf32, #tpu.memory_space<hbm>>
      tpu.wait_dma2 semaphore(%run_scoped3A : memref<!tpu.dma_semaphore, #tpu.memory_space<semaphore_mem>>) src(%arg9 : memref<49152xf32, #tpu.memory_space<vmem>>) dst(%dma_wait3A_136 : memref<49152xf32, #tpu.memory_space<hbm>>)
      tpu.yield
    }) : () -> ()
    "tpu.region"() ({
      %run_scoped3A = tpu.sem_alloc : memref<!tpu.dma_semaphore, #tpu.memory_space<semaphore_mem>>
      %dma_start3A = arith.constant 0 : i32
      %dma_start3A_127 = tpu.memref_slice %arg5[%add3A_18, %dma_start3A] : memref<256x49152xf32, #tpu.memory_space<hbm>> -> memref<1x49152xf32, #tpu.memory_space<hbm>>
      %dma_start3A_128 = tpu.memref_squeeze %dma_start3A_127 : memref<1x49152xf32, #tpu.memory_space<hbm>> -> memref<49152xf32, #tpu.memory_space<hbm>>
      %dma_start3A_129 = arith.constant 0 : i32
      %dma_start3A_130 = tpu.memref_slice %arg5[%add3A_18, %dma_start3A_129] : memref<256x49152xf32, #tpu.memory_space<hbm>> -> memref<1x49152xf32, #tpu.memory_space<hbm>>
      %dma_start3A_131 = tpu.memref_squeeze %dma_start3A_130 : memref<1x49152xf32, #tpu.memory_space<hbm>> -> memref<49152xf32, #tpu.memory_space<hbm>>
      tpu.enqueue_dma source(%arg10 : memref<49152xf32, #tpu.memory_space<vmem>>) target(%dma_start3A_131 : memref<49152xf32, #tpu.memory_space<hbm>>) target_semaphore(%run_scoped3A : memref<!tpu.dma_semaphore, #tpu.memory_space<semaphore_mem>>)
      %dma_wait3A = arith.constant 0 : i32
      %dma_wait3A_132 = tpu.memref_slice %arg5[%add3A_18, %dma_wait3A] : memref<256x49152xf32, #tpu.memory_space<hbm>> -> memref<1x49152xf32, #tpu.memory_space<hbm>>
      %dma_wait3A_133 = tpu.memref_squeeze %dma_wait3A_132 : memref<1x49152xf32, #tpu.memory_space<hbm>> -> memref<49152xf32, #tpu.memory_space<hbm>>
      %dma_wait3A_134 = arith.constant 0 : i32
      %dma_wait3A_135 = tpu.memref_slice %arg5[%add3A_18, %dma_wait3A_134] : memref<256x49152xf32, #tpu.memory_space<hbm>> -> memref<1x49152xf32, #tpu.memory_space<hbm>>
      %dma_wait3A_136 = tpu.memref_squeeze %dma_wait3A_135 : memref<1x49152xf32, #tpu.memory_space<hbm>> -> memref<49152xf32, #tpu.memory_space<hbm>>
      tpu.wait_dma2 semaphore(%run_scoped3A : memref<!tpu.dma_semaphore, #tpu.memory_space<semaphore_mem>>) src(%arg10 : memref<49152xf32, #tpu.memory_space<vmem>>) dst(%dma_wait3A_136 : memref<49152xf32, #tpu.memory_space<hbm>>)
      tpu.yield
    }) : () -> ()
    %mul3A_31 = arith.constant 8 : i32
    %mul3A_32 = arith.muli %add3A, %mul3A_31 : i32
    %add3A_33 = arith.constant 2 : i32
    %add3A_34 = arith.addi %mul3A_32, %add3A_33 : i32
    %rem3A_35 = arith.constant 32 : i32
    %rem3A_36 = arith.remsi %add3A_34, %rem3A_35 : i32
    %eq3A_37 = arith.constant 0 : i32
    %eq3A_38 = arith.cmpi eq, %rem3A_36, %eq3A_37 : i32
    %sub3A_39 = arith.constant 1 : i32
    %sub3A_40 = arith.subi %add3A_34, %sub3A_39 : i32
    %select_n3A_41 = arith.select %eq3A_38, %add3A_34, %sub3A_40 : i32
    "tpu.region"() ({
      %run_scoped3A = tpu.sem_alloc : memref<!tpu.dma_semaphore, #tpu.memory_space<semaphore_mem>>
      %dma_start3A = arith.constant 0 : i32
      %dma_start3A_127 = tpu.memref_slice %arg2[%add3A_34, %dma_start3A] : memref<256x3072xf32, #tpu.memory_space<hbm>> -> memref<1x3072xf32, #tpu.memory_space<hbm>>
      %dma_start3A_128 = tpu.memref_squeeze %dma_start3A_127 : memref<1x3072xf32, #tpu.memory_space<hbm>> -> memref<3072xf32, #tpu.memory_space<hbm>>
      %dma_start3A_129 = arith.constant 0 : i32
      %dma_start3A_130 = tpu.memref_slice %arg2[%add3A_34, %dma_start3A_129] : memref<256x3072xf32, #tpu.memory_space<hbm>> -> memref<1x3072xf32, #tpu.memory_space<hbm>>
      %dma_start3A_131 = tpu.memref_squeeze %dma_start3A_130 : memref<1x3072xf32, #tpu.memory_space<hbm>> -> memref<3072xf32, #tpu.memory_space<hbm>>
      tpu.enqueue_dma source(%dma_start3A_131 : memref<3072xf32, #tpu.memory_space<hbm>>) target(%arg6 : memref<3072xf32, #tpu.memory_space<vmem>>) target_semaphore(%run_scoped3A : memref<!tpu.dma_semaphore, #tpu.memory_space<semaphore_mem>>)
      %dma_wait3A = arith.constant 0 : i32
      %dma_wait3A_132 = tpu.memref_slice %arg2[%add3A_34, %dma_wait3A] : memref<256x3072xf32, #tpu.memory_space<hbm>> -> memref<1x3072xf32, #tpu.memory_space<hbm>>
      %dma_wait3A_133 = tpu.memref_squeeze %dma_wait3A_132 : memref<1x3072xf32, #tpu.memory_space<hbm>> -> memref<3072xf32, #tpu.memory_space<hbm>>
      %dma_wait3A_134 = arith.constant 0 : i32
      %dma_wait3A_135 = tpu.memref_slice %arg2[%add3A_34, %dma_wait3A_134] : memref<256x3072xf32, #tpu.memory_space<hbm>> -> memref<1x3072xf32, #tpu.memory_space<hbm>>
      %dma_wait3A_136 = tpu.memref_squeeze %dma_wait3A_135 : memref<1x3072xf32, #tpu.memory_space<hbm>> -> memref<3072xf32, #tpu.memory_space<hbm>>
      tpu.wait_dma2 semaphore(%run_scoped3A : memref<!tpu.dma_semaphore, #tpu.memory_space<semaphore_mem>>) src(%dma_wait3A_136 : memref<3072xf32, #tpu.memory_space<hbm>>) dst(%arg6 : memref<3072xf32, #tpu.memory_space<vmem>>)
      tpu.yield
    }) : () -> ()
    "tpu.region"() ({
      %run_scoped3A = tpu.sem_alloc : memref<!tpu.dma_semaphore, #tpu.memory_space<semaphore_mem>>
      %dma_start3A = arith.constant 0 : i32
      %dma_start3A_127 = tpu.memref_slice %arg2[%select_n3A_41, %dma_start3A] : memref<256x3072xf32, #tpu.memory_space<hbm>> -> memref<1x3072xf32, #tpu.memory_space<hbm>>
      %dma_start3A_128 = tpu.memref_squeeze %dma_start3A_127 : memref<1x3072xf32, #tpu.memory_space<hbm>> -> memref<3072xf32, #tpu.memory_space<hbm>>
      %dma_start3A_129 = arith.constant 0 : i32
      %dma_start3A_130 = tpu.memref_slice %arg2[%select_n3A_41, %dma_start3A_129] : memref<256x3072xf32, #tpu.memory_space<hbm>> -> memref<1x3072xf32, #tpu.memory_space<hbm>>
      %dma_start3A_131 = tpu.memref_squeeze %dma_start3A_130 : memref<1x3072xf32, #tpu.memory_space<hbm>> -> memref<3072xf32, #tpu.memory_space<hbm>>
      tpu.enqueue_dma source(%dma_start3A_131 : memref<3072xf32, #tpu.memory_space<hbm>>) target(%arg7 : memref<3072xf32, #tpu.memory_space<vmem>>) target_semaphore(%run_scoped3A : memref<!tpu.dma_semaphore, #tpu.memory_space<semaphore_mem>>)
      %dma_wait3A = arith.constant 0 : i32
      %dma_wait3A_132 = tpu.memref_slice %arg2[%select_n3A_41, %dma_wait3A] : memref<256x3072xf32, #tpu.memory_space<hbm>> -> memref<1x3072xf32, #tpu.memory_space<hbm>>
      %dma_wait3A_133 = tpu.memref_squeeze %dma_wait3A_132 : memref<1x3072xf32, #tpu.memory_space<hbm>> -> memref<3072xf32, #tpu.memory_space<hbm>>
      %dma_wait3A_134 = arith.constant 0 : i32
      %dma_wait3A_135 = tpu.memref_slice %arg2[%select_n3A_41, %dma_wait3A_134] : memref<256x3072xf32, #tpu.memory_space<hbm>> -> memref<1x3072xf32, #tpu.memory_space<hbm>>
      %dma_wait3A_136 = tpu.memref_squeeze %dma_wait3A_135 : memref<1x3072xf32, #tpu.memory_space<hbm>> -> memref<3072xf32, #tpu.memory_space<hbm>>
      tpu.wait_dma2 semaphore(%run_scoped3A : memref<!tpu.dma_semaphore, #tpu.memory_space<semaphore_mem>>) src(%dma_wait3A_136 : memref<3072xf32, #tpu.memory_space<hbm>>) dst(%arg7 : memref<3072xf32, #tpu.memory_space<vmem>>)
      tpu.yield
    }) : () -> ()
    "tpu.region"() ({
      %run_scoped3A = tpu.sem_alloc : memref<!tpu.dma_semaphore, #tpu.memory_space<semaphore_mem>>
      %dma_start3A = arith.constant 0 : i32
      %dma_start3A_127 = tpu.memref_slice %arg3[%add3A_34, %dma_start3A] : memref<256x16384xi32, #tpu.memory_space<hbm>> -> memref<1x16384xi32, #tpu.memory_space<hbm>>
      %dma_start3A_128 = tpu.memref_squeeze %dma_start3A_127 : memref<1x16384xi32, #tpu.memory_space<hbm>> -> memref<16384xi32, #tpu.memory_space<hbm>>
      %dma_start3A_129 = arith.constant 0 : i32
      %dma_start3A_130 = tpu.memref_slice %arg3[%add3A_34, %dma_start3A_129] : memref<256x16384xi32, #tpu.memory_space<hbm>> -> memref<1x16384xi32, #tpu.memory_space<hbm>>
      %dma_start3A_131 = tpu.memref_squeeze %dma_start3A_130 : memref<1x16384xi32, #tpu.memory_space<hbm>> -> memref<16384xi32, #tpu.memory_space<hbm>>
      tpu.enqueue_dma source(%dma_start3A_131 : memref<16384xi32, #tpu.memory_space<hbm>>) target(%arg8 : memref<16384xi32, #tpu.memory_space<vmem>>) target_semaphore(%run_scoped3A : memref<!tpu.dma_semaphore, #tpu.memory_space<semaphore_mem>>)
      %dma_wait3A = arith.constant 0 : i32
      %dma_wait3A_132 = tpu.memref_slice %arg3[%add3A_34, %dma_wait3A] : memref<256x16384xi32, #tpu.memory_space<hbm>> -> memref<1x16384xi32, #tpu.memory_space<hbm>>
      %dma_wait3A_133 = tpu.memref_squeeze %dma_wait3A_132 : memref<1x16384xi32, #tpu.memory_space<hbm>> -> memref<16384xi32, #tpu.memory_space<hbm>>
      %dma_wait3A_134 = arith.constant 0 : i32
      %dma_wait3A_135 = tpu.memref_slice %arg3[%add3A_34, %dma_wait3A_134] : memref<256x16384xi32, #tpu.memory_space<hbm>> -> memref<1x16384xi32, #tpu.memory_space<hbm>>
      %dma_wait3A_136 = tpu.memref_squeeze %dma_wait3A_135 : memref<1x16384xi32, #tpu.memory_space<hbm>> -> memref<16384xi32, #tpu.memory_space<hbm>>
      tpu.wait_dma2 semaphore(%run_scoped3A : memref<!tpu.dma_semaphore, #tpu.memory_space<semaphore_mem>>) src(%dma_wait3A_136 : memref<16384xi32, #tpu.memory_space<hbm>>) dst(%arg8 : memref<16384xi32, #tpu.memory_space<vmem>>)
      tpu.yield
    }) : () -> ()
    %scan3A_42 = arith.constant 0 : i32
    %scan3A_43 = arith.constant 512 : i32
    %scan3A_44 = arith.addi %scan3A_42, %scan3A_43 : i32
    %scan3A_45 = arith.constant 1 : i32
    scf.for %scan3A_127 = %scan3A_42 to %scan3A_44 step %scan3A_45  : i32 {
      %mul3A_128 = arith.constant 2 : i32
      %mul3A_129 = arith.muli %scan3A_127, %mul3A_128 : i32
      %add3A_130 = arith.constant 0 : i32
      %add3A_131 = arith.addi %mul3A_129, %add3A_130 : i32
      %mul3A_132 = arith.constant 16 : i32
      %mul3A_133 = arith.muli %add3A_131, %mul3A_132 : i32
      %get3A = arith.index_cast %mul3A_133 : i32 to index
      %get3A_134 = tpu.vector_load %arg8[%get3A] {strides = array<i32>} : memref<16384xi32, #tpu.memory_space<vmem>>, vector<16xi32>,
      %mul3A_135 = arith.constant 3 : i32
      %mul3A_136 = vector.broadcast %mul3A_135 : i32 to vector<16xi32>
      %mul3A_137 = arith.muli %get3A_134, %mul3A_136 : vector<16xi32>
      %mul3A_138 = arith.constant 48 : i32
      %mul3A_139 = arith.muli %add3A_131, %mul3A_138 : i32
      %add3A_140 = arith.constant 0 : i32
      %add3A_141 = arith.addi %mul3A_139, %add3A_140 : i32
      %add3A_142 = vector.broadcast %add3A_141 : i32 to vector<16xi32>
      %add3A_143 = arith.addi %mul3A_3, %add3A_142 : vector<16xi32>
      %gather3A = tpu.vector_load_idx %arg6[%mul3A_137] : memref<3072xf32, #tpu.memory_space<vmem>>[vector<16xi32>], vector<16xf32>,
      tpu.vector_store_idx %arg9[%add3A_143], %gather3A : memref<49152xf32, #tpu.memory_space<vmem>>[vector<16xi32>], vector<16xf32>,
      %gather3A_144 = tpu.vector_load_idx %arg7[%mul3A_137] : memref<3072xf32, #tpu.memory_space<vmem>>[vector<16xi32>], vector<16xf32>,
      tpu.vector_store_idx %arg10[%add3A_143], %gather3A_144 : memref<49152xf32, #tpu.memory_space<vmem>>[vector<16xi32>], vector<16xf32>,
      %add3A_145 = arith.constant 1 : i32
      %add3A_146 = vector.broadcast %add3A_145 : i32 to vector<16xi32>
      %add3A_147 = arith.addi %mul3A_137, %add3A_146 : vector<16xi32>
      %add3A_148 = arith.constant 1 : i32
      %add3A_149 = arith.addi %mul3A_139, %add3A_148 : i32
      %add3A_150 = vector.broadcast %add3A_149 : i32 to vector<16xi32>
      %add3A_151 = arith.addi %mul3A_3, %add3A_150 : vector<16xi32>
      %gather3A_152 = tpu.vector_load_idx %arg6[%add3A_147] : memref<3072xf32, #tpu.memory_space<vmem>>[vector<16xi32>], vector<16xf32>,
      tpu.vector_store_idx %arg9[%add3A_151], %gather3A_152 : memref<49152xf32, #tpu.memory_space<vmem>>[vector<16xi32>], vector<16xf32>,
      %gather3A_153 = tpu.vector_load_idx %arg7[%add3A_147] : memref<3072xf32, #tpu.memory_space<vmem>>[vector<16xi32>], vector<16xf32>,
      tpu.vector_store_idx %arg10[%add3A_151], %gather3A_153 : memref<49152xf32, #tpu.memory_space<vmem>>[vector<16xi32>], vector<16xf32>,
      %add3A_154 = arith.constant 2 : i32
      %add3A_155 = vector.broadcast %add3A_154 : i32 to vector<16xi32>
      %add3A_156 = arith.addi %mul3A_137, %add3A_155 : vector<16xi32>
      %add3A_157 = arith.constant 2 : i32
      %add3A_158 = arith.addi %mul3A_139, %add3A_157 : i32
      %add3A_159 = vector.broadcast %add3A_158 : i32 to vector<16xi32>
      %add3A_160 = arith.addi %mul3A_3, %add3A_159 : vector<16xi32>
      %gather3A_161 = tpu.vector_load_idx %arg6[%add3A_156] : memref<3072xf32, #tpu.memory_space<vmem>>[vector<16xi32>], vector<16xf32>,
      tpu.vector_store_idx %arg9[%add3A_160], %gather3A_161 : memref<49152xf32, #tpu.memory_space<vmem>>[vector<16xi32>], vector<16xf32>,
      %gather3A_162 = tpu.vector_load_idx %arg7[%add3A_156] : memref<3072xf32, #tpu.memory_space<vmem>>[vector<16xi32>], vector<16xf32>,
      tpu.vector_store_idx %arg10[%add3A_160], %gather3A_162 : memref<49152xf32, #tpu.memory_space<vmem>>[vector<16xi32>], vector<16xf32>,
      %mul3A_163 = arith.constant 2 : i32
      %mul3A_164 = arith.muli %scan3A_127, %mul3A_163 : i32
      %add3A_165 = arith.constant 1 : i32
      %add3A_166 = arith.addi %mul3A_164, %add3A_165 : i32
      %mul3A_167 = arith.constant 16 : i32
      %mul3A_168 = arith.muli %add3A_166, %mul3A_167 : i32
      %get3A_169 = arith.index_cast %mul3A_168 : i32 to index
      %get3A_170 = tpu.vector_load %arg8[%get3A_169] {strides = array<i32>} : memref<16384xi32, #tpu.memory_space<vmem>>, vector<16xi32>,
      %mul3A_171 = arith.constant 3 : i32
      %mul3A_172 = vector.broadcast %mul3A_171 : i32 to vector<16xi32>
      %mul3A_173 = arith.muli %get3A_170, %mul3A_172 : vector<16xi32>
      %mul3A_174 = arith.constant 48 : i32
      %mul3A_175 = arith.muli %add3A_166, %mul3A_174 : i32
      %add3A_176 = arith.constant 0 : i32
      %add3A_177 = arith.addi %mul3A_175, %add3A_176 : i32
      %add3A_178 = vector.broadcast %add3A_177 : i32 to vector<16xi32>
      %add3A_179 = arith.addi %mul3A_3, %add3A_178 : vector<16xi32>
      %gather3A_180 = tpu.vector_load_idx %arg6[%mul3A_173] : memref<3072xf32, #tpu.memory_space<vmem>>[vector<16xi32>], vector<16xf32>,
      tpu.vector_store_idx %arg9[%add3A_179], %gather3A_180 : memref<49152xf32, #tpu.memory_space<vmem>>[vector<16xi32>], vector<16xf32>,
      %gather3A_181 = tpu.vector_load_idx %arg7[%mul3A_173] : memref<3072xf32, #tpu.memory_space<vmem>>[vector<16xi32>], vector<16xf32>,
      tpu.vector_store_idx %arg10[%add3A_179], %gather3A_181 : memref<49152xf32, #tpu.memory_space<vmem>>[vector<16xi32>], vector<16xf32>,
      %add3A_182 = arith.constant 1 : i32
      %add3A_183 = vector.broadcast %add3A_182 : i32 to vector<16xi32>
      %add3A_184 = arith.addi %mul3A_173, %add3A_183 : vector<16xi32>
      %add3A_185 = arith.constant 1 : i32
      %add3A_186 = arith.addi %mul3A_175, %add3A_185 : i32
      %add3A_187 = vector.broadcast %add3A_186 : i32 to vector<16xi32>
      %add3A_188 = arith.addi %mul3A_3, %add3A_187 : vector<16xi32>
      %gather3A_189 = tpu.vector_load_idx %arg6[%add3A_184] : memref<3072xf32, #tpu.memory_space<vmem>>[vector<16xi32>], vector<16xf32>,
      tpu.vector_store_idx %arg9[%add3A_188], %gather3A_189 : memref<49152xf32, #tpu.memory_space<vmem>>[vector<16xi32>], vector<16xf32>,
      %gather3A_190 = tpu.vector_load_idx %arg7[%add3A_184] : memref<3072xf32, #tpu.memory_space<vmem>>[vector<16xi32>], vector<16xf32>,
      tpu.vector_store_idx %arg10[%add3A_188], %gather3A_190 : memref<49152xf32, #tpu.memory_space<vmem>>[vector<16xi32>], vector<16xf32>,
      %add3A_191 = arith.constant 2 : i32
      %add3A_192 = vector.broadcast %add3A_191 : i32 to vector<16xi32>
      %add3A_193 = arith.addi %mul3A_173, %add3A_192 : vector<16xi32>
      %add3A_194 = arith.constant 2 : i32
      %add3A_195 = arith.addi %mul3A_175, %add3A_194 : i32
      %add3A_196 = vector.broadcast %add3A_195 : i32 to vector<16xi32>
      %add3A_197 = arith.addi %mul3A_3, %add3A_196 : vector<16xi32>
      %gather3A_198 = tpu.vector_load_idx %arg6[%add3A_193] : memref<3072xf32, #tpu.memory_space<vmem>>[vector<16xi32>], vector<16xf32>,
      tpu.vector_store_idx %arg9[%add3A_197], %gather3A_198 : memref<49152xf32, #tpu.memory_space<vmem>>[vector<16xi32>], vector<16xf32>,
      %gather3A_199 = tpu.vector_load_idx %arg7[%add3A_193] : memref<3072xf32, #tpu.memory_space<vmem>>[vector<16xi32>], vector<16xf32>,
      tpu.vector_store_idx %arg10[%add3A_197], %gather3A_199 : memref<49152xf32, #tpu.memory_space<vmem>>[vector<16xi32>], vector<16xf32>,
    }
    %scan3A_46 = arith.constant 512 : i32
    "tpu.region"() ({
      %run_scoped3A = tpu.sem_alloc : memref<!tpu.dma_semaphore, #tpu.memory_space<semaphore_mem>>
      %dma_start3A = arith.constant 0 : i32
      %dma_start3A_127 = tpu.memref_slice %arg4[%add3A_34, %dma_start3A] : memref<256x49152xf32, #tpu.memory_space<hbm>> -> memref<1x49152xf32, #tpu.memory_space<hbm>>
      %dma_start3A_128 = tpu.memref_squeeze %dma_start3A_127 : memref<1x49152xf32, #tpu.memory_space<hbm>> -> memref<49152xf32, #tpu.memory_space<hbm>>
      %dma_start3A_129 = arith.constant 0 : i32
      %dma_start3A_130 = tpu.memref_slice %arg4[%add3A_34, %dma_start3A_129] : memref<256x49152xf32, #tpu.memory_space<hbm>> -> memref<1x49152xf32, #tpu.memory_space<hbm>>
      %dma_start3A_131 = tpu.memref_squeeze %dma_start3A_130 : memref<1x49152xf32, #tpu.memory_space<hbm>> -> memref<49152xf32, #tpu.memory_space<hbm>>
      tpu.enqueue_dma source(%arg9 : memref<49152xf32, #tpu.memory_space<vmem>>) target(%dma_start3A_131 : memref<49152xf32, #tpu.memory_space<hbm>>) target_semaphore(%run_scoped3A : memref<!tpu.dma_semaphore, #tpu.memory_space<semaphore_mem>>)
      %dma_wait3A = arith.constant 0 : i32
      %dma_wait3A_132 = tpu.memref_slice %arg4[%add3A_34, %dma_wait3A] : memref<256x49152xf32, #tpu.memory_space<hbm>> -> memref<1x49152xf32, #tpu.memory_space<hbm>>
      %dma_wait3A_133 = tpu.memref_squeeze %dma_wait3A_132 : memref<1x49152xf32, #tpu.memory_space<hbm>> -> memref<49152xf32, #tpu.memory_space<hbm>>
      %dma_wait3A_134 = arith.constant 0 : i32
      %dma_wait3A_135 = tpu.memref_slice %arg4[%add3A_34, %dma_wait3A_134] : memref<256x49152xf32, #tpu.memory_space<hbm>> -> memref<1x49152xf32, #tpu.memory_space<hbm>>
      %dma_wait3A_136 = tpu.memref_squeeze %dma_wait3A_135 : memref<1x49152xf32, #tpu.memory_space<hbm>> -> memref<49152xf32, #tpu.memory_space<hbm>>
      tpu.wait_dma2 semaphore(%run_scoped3A : memref<!tpu.dma_semaphore, #tpu.memory_space<semaphore_mem>>) src(%arg9 : memref<49152xf32, #tpu.memory_space<vmem>>) dst(%dma_wait3A_136 : memref<49152xf32, #tpu.memory_space<hbm>>)
      tpu.yield
    }) : () -> ()
    "tpu.region"() ({
      %run_scoped3A = tpu.sem_alloc : memref<!tpu.dma_semaphore, #tpu.memory_space<semaphore_mem>>
      %dma_start3A = arith.constant 0 : i32
      %dma_start3A_127 = tpu.memref_slice %arg5[%add3A_34, %dma_start3A] : memref<256x49152xf32, #tpu.memory_space<hbm>> -> memref<1x49152xf32, #tpu.memory_space<hbm>>
      %dma_start3A_128 = tpu.memref_squeeze %dma_start3A_127 : memref<1x49152xf32, #tpu.memory_space<hbm>> -> memref<49152xf32, #tpu.memory_space<hbm>>
      %dma_start3A_129 = arith.constant 0 : i32
      %dma_start3A_130 = tpu.memref_slice %arg5[%add3A_34, %dma_start3A_129] : memref<256x49152xf32, #tpu.memory_space<hbm>> -> memref<1x49152xf32, #tpu.memory_space<hbm>>
      %dma_start3A_131 = tpu.memref_squeeze %dma_start3A_130 : memref<1x49152xf32, #tpu.memory_space<hbm>> -> memref<49152xf32, #tpu.memory_space<hbm>>
      tpu.enqueue_dma source(%arg10 : memref<49152xf32, #tpu.memory_space<vmem>>) target(%dma_start3A_131 : memref<49152xf32, #tpu.memory_space<hbm>>) target_semaphore(%run_scoped3A : memref<!tpu.dma_semaphore, #tpu.memory_space<semaphore_mem>>)
      %dma_wait3A = arith.constant 0 : i32
      %dma_wait3A_132 = tpu.memref_slice %arg5[%add3A_34, %dma_wait3A] : memref<256x49152xf32, #tpu.memory_space<hbm>> -> memref<1x49152xf32, #tpu.memory_space<hbm>>
      %dma_wait3A_133 = tpu.memref_squeeze %dma_wait3A_132 : memref<1x49152xf32, #tpu.memory_space<hbm>> -> memref<49152xf32, #tpu.memory_space<hbm>>
      %dma_wait3A_134 = arith.constant 0 : i32
      %dma_wait3A_135 = tpu.memref_slice %arg5[%add3A_34, %dma_wait3A_134] : memref<256x49152xf32, #tpu.memory_space<hbm>> -> memref<1x49152xf32, #tpu.memory_space<hbm>>
      %dma_wait3A_136 = tpu.memref_squeeze %dma_wait3A_135 : memref<1x49152xf32, #tpu.memory_space<hbm>> -> memref<49152xf32, #tpu.memory_space<hbm>>
      tpu.wait_dma2 semaphore(%run_scoped3A : memref<!tpu.dma_semaphore, #tpu.memory_space<semaphore_mem>>) src(%arg10 : memref<49152xf32, #tpu.memory_space<vmem>>) dst(%dma_wait3A_136 : memref<49152xf32, #tpu.memory_space<hbm>>)
      tpu.yield
    }) : () -> ()
    %mul3A_47 = arith.constant 8 : i32
    %mul3A_48 = arith.muli %add3A, %mul3A_47 : i32
    %add3A_49 = arith.constant 3 : i32
    %add3A_50 = arith.addi %mul3A_48, %add3A_49 : i32
    %rem3A_51 = arith.constant 32 : i32
    %rem3A_52 = arith.remsi %add3A_50, %rem3A_51 : i32
    %eq3A_53 = arith.constant 0 : i32
    %eq3A_54 = arith.cmpi eq, %rem3A_52, %eq3A_53 : i32
    %sub3A_55 = arith.constant 1 : i32
    %sub3A_56 = arith.subi %add3A_50, %sub3A_55 : i32
    %select_n3A_57 = arith.select %eq3A_54, %add3A_50, %sub3A_56 : i32
    "tpu.region"() ({
      %run_scoped3A = tpu.sem_alloc : memref<!tpu.dma_semaphore, #tpu.memory_space<semaphore_mem>>
      %dma_start3A = arith.constant 0 : i32
      %dma_start3A_127 = tpu.memref_slice %arg2[%add3A_50, %dma_start3A] : memref<256x3072xf32, #tpu.memory_space<hbm>> -> memref<1x3072xf32, #tpu.memory_space<hbm>>
      %dma_start3A_128 = tpu.memref_squeeze %dma_start3A_127 : memref<1x3072xf32, #tpu.memory_space<hbm>> -> memref<3072xf32, #tpu.memory_space<hbm>>
      %dma_start3A_129 = arith.constant 0 : i32
      %dma_start3A_130 = tpu.memref_slice %arg2[%add3A_50, %dma_start3A_129] : memref<256x3072xf32, #tpu.memory_space<hbm>> -> memref<1x3072xf32, #tpu.memory_space<hbm>>
      %dma_start3A_131 = tpu.memref_squeeze %dma_start3A_130 : memref<1x3072xf32, #tpu.memory_space<hbm>> -> memref<3072xf32, #tpu.memory_space<hbm>>
      tpu.enqueue_dma source(%dma_start3A_131 : memref<3072xf32, #tpu.memory_space<hbm>>) target(%arg6 : memref<3072xf32, #tpu.memory_space<vmem>>) target_semaphore(%run_scoped3A : memref<!tpu.dma_semaphore, #tpu.memory_space<semaphore_mem>>)
      %dma_wait3A = arith.constant 0 : i32
      %dma_wait3A_132 = tpu.memref_slice %arg2[%add3A_50, %dma_wait3A] : memref<256x3072xf32, #tpu.memory_space<hbm>> -> memref<1x3072xf32, #tpu.memory_space<hbm>>
      %dma_wait3A_133 = tpu.memref_squeeze %dma_wait3A_132 : memref<1x3072xf32, #tpu.memory_space<hbm>> -> memref<3072xf32, #tpu.memory_space<hbm>>
      %dma_wait3A_134 = arith.constant 0 : i32
      %dma_wait3A_135 = tpu.memref_slice %arg2[%add3A_50, %dma_wait3A_134] : memref<256x3072xf32, #tpu.memory_space<hbm>> -> memref<1x3072xf32, #tpu.memory_space<hbm>>
      %dma_wait3A_136 = tpu.memref_squeeze %dma_wait3A_135 : memref<1x3072xf32, #tpu.memory_space<hbm>> -> memref<3072xf32, #tpu.memory_space<hbm>>
      tpu.wait_dma2 semaphore(%run_scoped3A : memref<!tpu.dma_semaphore, #tpu.memory_space<semaphore_mem>>) src(%dma_wait3A_136 : memref<3072xf32, #tpu.memory_space<hbm>>) dst(%arg6 : memref<3072xf32, #tpu.memory_space<vmem>>)
      tpu.yield
    }) : () -> ()
    "tpu.region"() ({
      %run_scoped3A = tpu.sem_alloc : memref<!tpu.dma_semaphore, #tpu.memory_space<semaphore_mem>>
      %dma_start3A = arith.constant 0 : i32
      %dma_start3A_127 = tpu.memref_slice %arg2[%select_n3A_57, %dma_start3A] : memref<256x3072xf32, #tpu.memory_space<hbm>> -> memref<1x3072xf32, #tpu.memory_space<hbm>>
      %dma_start3A_128 = tpu.memref_squeeze %dma_start3A_127 : memref<1x3072xf32, #tpu.memory_space<hbm>> -> memref<3072xf32, #tpu.memory_space<hbm>>
      %dma_start3A_129 = arith.constant 0 : i32
      %dma_start3A_130 = tpu.memref_slice %arg2[%select_n3A_57, %dma_start3A_129] : memref<256x3072xf32, #tpu.memory_space<hbm>> -> memref<1x3072xf32, #tpu.memory_space<hbm>>
      %dma_start3A_131 = tpu.memref_squeeze %dma_start3A_130 : memref<1x3072xf32, #tpu.memory_space<hbm>> -> memref<3072xf32, #tpu.memory_space<hbm>>
      tpu.enqueue_dma source(%dma_start3A_131 : memref<3072xf32, #tpu.memory_space<hbm>>) target(%arg7 : memref<3072xf32, #tpu.memory_space<vmem>>) target_semaphore(%run_scoped3A : memref<!tpu.dma_semaphore, #tpu.memory_space<semaphore_mem>>)
      %dma_wait3A = arith.constant 0 : i32
      %dma_wait3A_132 = tpu.memref_slice %arg2[%select_n3A_57, %dma_wait3A] : memref<256x3072xf32, #tpu.memory_space<hbm>> -> memref<1x3072xf32, #tpu.memory_space<hbm>>
      %dma_wait3A_133 = tpu.memref_squeeze %dma_wait3A_132 : memref<1x3072xf32, #tpu.memory_space<hbm>> -> memref<3072xf32, #tpu.memory_space<hbm>>
      %dma_wait3A_134 = arith.constant 0 : i32
      %dma_wait3A_135 = tpu.memref_slice %arg2[%select_n3A_57, %dma_wait3A_134] : memref<256x3072xf32, #tpu.memory_space<hbm>> -> memref<1x3072xf32, #tpu.memory_space<hbm>>
      %dma_wait3A_136 = tpu.memref_squeeze %dma_wait3A_135 : memref<1x3072xf32, #tpu.memory_space<hbm>> -> memref<3072xf32, #tpu.memory_space<hbm>>
      tpu.wait_dma2 semaphore(%run_scoped3A : memref<!tpu.dma_semaphore, #tpu.memory_space<semaphore_mem>>) src(%dma_wait3A_136 : memref<3072xf32, #tpu.memory_space<hbm>>) dst(%arg7 : memref<3072xf32, #tpu.memory_space<vmem>>)
      tpu.yield
    }) : () -> ()
    "tpu.region"() ({
      %run_scoped3A = tpu.sem_alloc : memref<!tpu.dma_semaphore, #tpu.memory_space<semaphore_mem>>
      %dma_start3A = arith.constant 0 : i32
      %dma_start3A_127 = tpu.memref_slice %arg3[%add3A_50, %dma_start3A] : memref<256x16384xi32, #tpu.memory_space<hbm>> -> memref<1x16384xi32, #tpu.memory_space<hbm>>
      %dma_start3A_128 = tpu.memref_squeeze %dma_start3A_127 : memref<1x16384xi32, #tpu.memory_space<hbm>> -> memref<16384xi32, #tpu.memory_space<hbm>>
      %dma_start3A_129 = arith.constant 0 : i32
      %dma_start3A_130 = tpu.memref_slice %arg3[%add3A_50, %dma_start3A_129] : memref<256x16384xi32, #tpu.memory_space<hbm>> -> memref<1x16384xi32, #tpu.memory_space<hbm>>
      %dma_start3A_131 = tpu.memref_squeeze %dma_start3A_130 : memref<1x16384xi32, #tpu.memory_space<hbm>> -> memref<16384xi32, #tpu.memory_space<hbm>>
      tpu.enqueue_dma source(%dma_start3A_131 : memref<16384xi32, #tpu.memory_space<hbm>>) target(%arg8 : memref<16384xi32, #tpu.memory_space<vmem>>) target_semaphore(%run_scoped3A : memref<!tpu.dma_semaphore, #tpu.memory_space<semaphore_mem>>)
      %dma_wait3A = arith.constant 0 : i32
      %dma_wait3A_132 = tpu.memref_slice %arg3[%add3A_50, %dma_wait3A] : memref<256x16384xi32, #tpu.memory_space<hbm>> -> memref<1x16384xi32, #tpu.memory_space<hbm>>
      %dma_wait3A_133 = tpu.memref_squeeze %dma_wait3A_132 : memref<1x16384xi32, #tpu.memory_space<hbm>> -> memref<16384xi32, #tpu.memory_space<hbm>>
      %dma_wait3A_134 = arith.constant 0 : i32
      %dma_wait3A_135 = tpu.memref_slice %arg3[%add3A_50, %dma_wait3A_134] : memref<256x16384xi32, #tpu.memory_space<hbm>> -> memref<1x16384xi32, #tpu.memory_space<hbm>>
      %dma_wait3A_136 = tpu.memref_squeeze %dma_wait3A_135 : memref<1x16384xi32, #tpu.memory_space<hbm>> -> memref<16384xi32, #tpu.memory_space<hbm>>
      tpu.wait_dma2 semaphore(%run_scoped3A : memref<!tpu.dma_semaphore, #tpu.memory_space<semaphore_mem>>) src(%dma_wait3A_136 : memref<16384xi32, #tpu.memory_space<hbm>>) dst(%arg8 : memref<16384xi32, #tpu.memory_space<vmem>>)
      tpu.yield
    }) : () -> ()
    %scan3A_58 = arith.constant 0 : i32
    %scan3A_59 = arith.constant 512 : i32
    %scan3A_60 = arith.addi %scan3A_58, %scan3A_59 : i32
    %scan3A_61 = arith.constant 1 : i32
    scf.for %scan3A_127 = %scan3A_58 to %scan3A_60 step %scan3A_61  : i32 {
      %mul3A_128 = arith.constant 2 : i32
      %mul3A_129 = arith.muli %scan3A_127, %mul3A_128 : i32
      %add3A_130 = arith.constant 0 : i32
      %add3A_131 = arith.addi %mul3A_129, %add3A_130 : i32
      %mul3A_132 = arith.constant 16 : i32
      %mul3A_133 = arith.muli %add3A_131, %mul3A_132 : i32
      %get3A = arith.index_cast %mul3A_133 : i32 to index
      %get3A_134 = tpu.vector_load %arg8[%get3A] {strides = array<i32>} : memref<16384xi32, #tpu.memory_space<vmem>>, vector<16xi32>,
      %mul3A_135 = arith.constant 3 : i32
      %mul3A_136 = vector.broadcast %mul3A_135 : i32 to vector<16xi32>
      %mul3A_137 = arith.muli %get3A_134, %mul3A_136 : vector<16xi32>
      %mul3A_138 = arith.constant 48 : i32
      %mul3A_139 = arith.muli %add3A_131, %mul3A_138 : i32
      %add3A_140 = arith.constant 0 : i32
      %add3A_141 = arith.addi %mul3A_139, %add3A_140 : i32
      %add3A_142 = vector.broadcast %add3A_141 : i32 to vector<16xi32>
      %add3A_143 = arith.addi %mul3A_3, %add3A_142 : vector<16xi32>
      %gather3A = tpu.vector_load_idx %arg6[%mul3A_137] : memref<3072xf32, #tpu.memory_space<vmem>>[vector<16xi32>], vector<16xf32>,
      tpu.vector_store_idx %arg9[%add3A_143], %gather3A : memref<49152xf32, #tpu.memory_space<vmem>>[vector<16xi32>], vector<16xf32>,
      %gather3A_144 = tpu.vector_load_idx %arg7[%mul3A_137] : memref<3072xf32, #tpu.memory_space<vmem>>[vector<16xi32>], vector<16xf32>,
      tpu.vector_store_idx %arg10[%add3A_143], %gather3A_144 : memref<49152xf32, #tpu.memory_space<vmem>>[vector<16xi32>], vector<16xf32>,
      %add3A_145 = arith.constant 1 : i32
      %add3A_146 = vector.broadcast %add3A_145 : i32 to vector<16xi32>
      %add3A_147 = arith.addi %mul3A_137, %add3A_146 : vector<16xi32>
      %add3A_148 = arith.constant 1 : i32
      %add3A_149 = arith.addi %mul3A_139, %add3A_148 : i32
      %add3A_150 = vector.broadcast %add3A_149 : i32 to vector<16xi32>
      %add3A_151 = arith.addi %mul3A_3, %add3A_150 : vector<16xi32>
      %gather3A_152 = tpu.vector_load_idx %arg6[%add3A_147] : memref<3072xf32, #tpu.memory_space<vmem>>[vector<16xi32>], vector<16xf32>,
      tpu.vector_store_idx %arg9[%add3A_151], %gather3A_152 : memref<49152xf32, #tpu.memory_space<vmem>>[vector<16xi32>], vector<16xf32>,
      %gather3A_153 = tpu.vector_load_idx %arg7[%add3A_147] : memref<3072xf32, #tpu.memory_space<vmem>>[vector<16xi32>], vector<16xf32>,
      tpu.vector_store_idx %arg10[%add3A_151], %gather3A_153 : memref<49152xf32, #tpu.memory_space<vmem>>[vector<16xi32>], vector<16xf32>,
      %add3A_154 = arith.constant 2 : i32
      %add3A_155 = vector.broadcast %add3A_154 : i32 to vector<16xi32>
      %add3A_156 = arith.addi %mul3A_137, %add3A_155 : vector<16xi32>
      %add3A_157 = arith.constant 2 : i32
      %add3A_158 = arith.addi %mul3A_139, %add3A_157 : i32
      %add3A_159 = vector.broadcast %add3A_158 : i32 to vector<16xi32>
      %add3A_160 = arith.addi %mul3A_3, %add3A_159 : vector<16xi32>
      %gather3A_161 = tpu.vector_load_idx %arg6[%add3A_156] : memref<3072xf32, #tpu.memory_space<vmem>>[vector<16xi32>], vector<16xf32>,
      tpu.vector_store_idx %arg9[%add3A_160], %gather3A_161 : memref<49152xf32, #tpu.memory_space<vmem>>[vector<16xi32>], vector<16xf32>,
      %gather3A_162 = tpu.vector_load_idx %arg7[%add3A_156] : memref<3072xf32, #tpu.memory_space<vmem>>[vector<16xi32>], vector<16xf32>,
      tpu.vector_store_idx %arg10[%add3A_160], %gather3A_162 : memref<49152xf32, #tpu.memory_space<vmem>>[vector<16xi32>], vector<16xf32>,
      %mul3A_163 = arith.constant 2 : i32
      %mul3A_164 = arith.muli %scan3A_127, %mul3A_163 : i32
      %add3A_165 = arith.constant 1 : i32
      %add3A_166 = arith.addi %mul3A_164, %add3A_165 : i32
      %mul3A_167 = arith.constant 16 : i32
      %mul3A_168 = arith.muli %add3A_166, %mul3A_167 : i32
      %get3A_169 = arith.index_cast %mul3A_168 : i32 to index
      %get3A_170 = tpu.vector_load %arg8[%get3A_169] {strides = array<i32>} : memref<16384xi32, #tpu.memory_space<vmem>>, vector<16xi32>,
      %mul3A_171 = arith.constant 3 : i32
      %mul3A_172 = vector.broadcast %mul3A_171 : i32 to vector<16xi32>
      %mul3A_173 = arith.muli %get3A_170, %mul3A_172 : vector<16xi32>
      %mul3A_174 = arith.constant 48 : i32
      %mul3A_175 = arith.muli %add3A_166, %mul3A_174 : i32
      %add3A_176 = arith.constant 0 : i32
      %add3A_177 = arith.addi %mul3A_175, %add3A_176 : i32
      %add3A_178 = vector.broadcast %add3A_177 : i32 to vector<16xi32>
      %add3A_179 = arith.addi %mul3A_3, %add3A_178 : vector<16xi32>
      %gather3A_180 = tpu.vector_load_idx %arg6[%mul3A_173] : memref<3072xf32, #tpu.memory_space<vmem>>[vector<16xi32>], vector<16xf32>,
      tpu.vector_store_idx %arg9[%add3A_179], %gather3A_180 : memref<49152xf32, #tpu.memory_space<vmem>>[vector<16xi32>], vector<16xf32>,
      %gather3A_181 = tpu.vector_load_idx %arg7[%mul3A_173] : memref<3072xf32, #tpu.memory_space<vmem>>[vector<16xi32>], vector<16xf32>,
      tpu.vector_store_idx %arg10[%add3A_179], %gather3A_181 : memref<49152xf32, #tpu.memory_space<vmem>>[vector<16xi32>], vector<16xf32>,
      %add3A_182 = arith.constant 1 : i32
      %add3A_183 = vector.broadcast %add3A_182 : i32 to vector<16xi32>
      %add3A_184 = arith.addi %mul3A_173, %add3A_183 : vector<16xi32>
      %add3A_185 = arith.constant 1 : i32
      %add3A_186 = arith.addi %mul3A_175, %add3A_185 : i32
      %add3A_187 = vector.broadcast %add3A_186 : i32 to vector<16xi32>
      %add3A_188 = arith.addi %mul3A_3, %add3A_187 : vector<16xi32>
      %gather3A_189 = tpu.vector_load_idx %arg6[%add3A_184] : memref<3072xf32, #tpu.memory_space<vmem>>[vector<16xi32>], vector<16xf32>,
      tpu.vector_store_idx %arg9[%add3A_188], %gather3A_189 : memref<49152xf32, #tpu.memory_space<vmem>>[vector<16xi32>], vector<16xf32>,
      %gather3A_190 = tpu.vector_load_idx %arg7[%add3A_184] : memref<3072xf32, #tpu.memory_space<vmem>>[vector<16xi32>], vector<16xf32>,
      tpu.vector_store_idx %arg10[%add3A_188], %gather3A_190 : memref<49152xf32, #tpu.memory_space<vmem>>[vector<16xi32>], vector<16xf32>,
      %add3A_191 = arith.constant 2 : i32
      %add3A_192 = vector.broadcast %add3A_191 : i32 to vector<16xi32>
      %add3A_193 = arith.addi %mul3A_173, %add3A_192 : vector<16xi32>
      %add3A_194 = arith.constant 2 : i32
      %add3A_195 = arith.addi %mul3A_175, %add3A_194 : i32
      %add3A_196 = vector.broadcast %add3A_195 : i32 to vector<16xi32>
      %add3A_197 = arith.addi %mul3A_3, %add3A_196 : vector<16xi32>
      %gather3A_198 = tpu.vector_load_idx %arg6[%add3A_193] : memref<3072xf32, #tpu.memory_space<vmem>>[vector<16xi32>], vector<16xf32>,
      tpu.vector_store_idx %arg9[%add3A_197], %gather3A_198 : memref<49152xf32, #tpu.memory_space<vmem>>[vector<16xi32>], vector<16xf32>,
      %gather3A_199 = tpu.vector_load_idx %arg7[%add3A_193] : memref<3072xf32, #tpu.memory_space<vmem>>[vector<16xi32>], vector<16xf32>,
      tpu.vector_store_idx %arg10[%add3A_197], %gather3A_199 : memref<49152xf32, #tpu.memory_space<vmem>>[vector<16xi32>], vector<16xf32>,
    }
    %scan3A_62 = arith.constant 512 : i32
    "tpu.region"() ({
      %run_scoped3A = tpu.sem_alloc : memref<!tpu.dma_semaphore, #tpu.memory_space<semaphore_mem>>
      %dma_start3A = arith.constant 0 : i32
      %dma_start3A_127 = tpu.memref_slice %arg4[%add3A_50, %dma_start3A] : memref<256x49152xf32, #tpu.memory_space<hbm>> -> memref<1x49152xf32, #tpu.memory_space<hbm>>
      %dma_start3A_128 = tpu.memref_squeeze %dma_start3A_127 : memref<1x49152xf32, #tpu.memory_space<hbm>> -> memref<49152xf32, #tpu.memory_space<hbm>>
      %dma_start3A_129 = arith.constant 0 : i32
      %dma_start3A_130 = tpu.memref_slice %arg4[%add3A_50, %dma_start3A_129] : memref<256x49152xf32, #tpu.memory_space<hbm>> -> memref<1x49152xf32, #tpu.memory_space<hbm>>
      %dma_start3A_131 = tpu.memref_squeeze %dma_start3A_130 : memref<1x49152xf32, #tpu.memory_space<hbm>> -> memref<49152xf32, #tpu.memory_space<hbm>>
      tpu.enqueue_dma source(%arg9 : memref<49152xf32, #tpu.memory_space<vmem>>) target(%dma_start3A_131 : memref<49152xf32, #tpu.memory_space<hbm>>) target_semaphore(%run_scoped3A : memref<!tpu.dma_semaphore, #tpu.memory_space<semaphore_mem>>)
      %dma_wait3A = arith.constant 0 : i32
      %dma_wait3A_132 = tpu.memref_slice %arg4[%add3A_50, %dma_wait3A] : memref<256x49152xf32, #tpu.memory_space<hbm>> -> memref<1x49152xf32, #tpu.memory_space<hbm>>
      %dma_wait3A_133 = tpu.memref_squeeze %dma_wait3A_132 : memref<1x49152xf32, #tpu.memory_space<hbm>> -> memref<49152xf32, #tpu.memory_space<hbm>>
      %dma_wait3A_134 = arith.constant 0 : i32
      %dma_wait3A_135 = tpu.memref_slice %arg4[%add3A_50, %dma_wait3A_134] : memref<256x49152xf32, #tpu.memory_space<hbm>> -> memref<1x49152xf32, #tpu.memory_space<hbm>>
      %dma_wait3A_136 = tpu.memref_squeeze %dma_wait3A_135 : memref<1x49152xf32, #tpu.memory_space<hbm>> -> memref<49152xf32, #tpu.memory_space<hbm>>
      tpu.wait_dma2 semaphore(%run_scoped3A : memref<!tpu.dma_semaphore, #tpu.memory_space<semaphore_mem>>) src(%arg9 : memref<49152xf32, #tpu.memory_space<vmem>>) dst(%dma_wait3A_136 : memref<49152xf32, #tpu.memory_space<hbm>>)
      tpu.yield
    }) : () -> ()
    "tpu.region"() ({
      %run_scoped3A = tpu.sem_alloc : memref<!tpu.dma_semaphore, #tpu.memory_space<semaphore_mem>>
      %dma_start3A = arith.constant 0 : i32
      %dma_start3A_127 = tpu.memref_slice %arg5[%add3A_50, %dma_start3A] : memref<256x49152xf32, #tpu.memory_space<hbm>> -> memref<1x49152xf32, #tpu.memory_space<hbm>>
      %dma_start3A_128 = tpu.memref_squeeze %dma_start3A_127 : memref<1x49152xf32, #tpu.memory_space<hbm>> -> memref<49152xf32, #tpu.memory_space<hbm>>
      %dma_start3A_129 = arith.constant 0 : i32
      %dma_start3A_130 = tpu.memref_slice %arg5[%add3A_50, %dma_start3A_129] : memref<256x49152xf32, #tpu.memory_space<hbm>> -> memref<1x49152xf32, #tpu.memory_space<hbm>>
      %dma_start3A_131 = tpu.memref_squeeze %dma_start3A_130 : memref<1x49152xf32, #tpu.memory_space<hbm>> -> memref<49152xf32, #tpu.memory_space<hbm>>
      tpu.enqueue_dma source(%arg10 : memref<49152xf32, #tpu.memory_space<vmem>>) target(%dma_start3A_131 : memref<49152xf32, #tpu.memory_space<hbm>>) target_semaphore(%run_scoped3A : memref<!tpu.dma_semaphore, #tpu.memory_space<semaphore_mem>>)
      %dma_wait3A = arith.constant 0 : i32
      %dma_wait3A_132 = tpu.memref_slice %arg5[%add3A_50, %dma_wait3A] : memref<256x49152xf32, #tpu.memory_space<hbm>> -> memref<1x49152xf32, #tpu.memory_space<hbm>>
      %dma_wait3A_133 = tpu.memref_squeeze %dma_wait3A_132 : memref<1x49152xf32, #tpu.memory_space<hbm>> -> memref<49152xf32, #tpu.memory_space<hbm>>
      %dma_wait3A_134 = arith.constant 0 : i32
      %dma_wait3A_135 = tpu.memref_slice %arg5[%add3A_50, %dma_wait3A_134] : memref<256x49152xf32, #tpu.memory_space<hbm>> -> memref<1x49152xf32, #tpu.memory_space<hbm>>
      %dma_wait3A_136 = tpu.memref_squeeze %dma_wait3A_135 : memref<1x49152xf32, #tpu.memory_space<hbm>> -> memref<49152xf32, #tpu.memory_space<hbm>>
      tpu.wait_dma2 semaphore(%run_scoped3A : memref<!tpu.dma_semaphore, #tpu.memory_space<semaphore_mem>>) src(%arg10 : memref<49152xf32, #tpu.memory_space<vmem>>) dst(%dma_wait3A_136 : memref<49152xf32, #tpu.memory_space<hbm>>)
      tpu.yield
    }) : () -> ()
    %mul3A_63 = arith.constant 8 : i32
    %mul3A_64 = arith.muli %add3A, %mul3A_63 : i32
    %add3A_65 = arith.constant 4 : i32
    %add3A_66 = arith.addi %mul3A_64, %add3A_65 : i32
    %rem3A_67 = arith.constant 32 : i32
    %rem3A_68 = arith.remsi %add3A_66, %rem3A_67 : i32
    %eq3A_69 = arith.constant 0 : i32
    %eq3A_70 = arith.cmpi eq, %rem3A_68, %eq3A_69 : i32
    %sub3A_71 = arith.constant 1 : i32
    %sub3A_72 = arith.subi %add3A_66, %sub3A_71 : i32
    %select_n3A_73 = arith.select %eq3A_70, %add3A_66, %sub3A_72 : i32
    "tpu.region"() ({
      %run_scoped3A = tpu.sem_alloc : memref<!tpu.dma_semaphore, #tpu.memory_space<semaphore_mem>>
      %dma_start3A = arith.constant 0 : i32
      %dma_start3A_127 = tpu.memref_slice %arg2[%add3A_66, %dma_start3A] : memref<256x3072xf32, #tpu.memory_space<hbm>> -> memref<1x3072xf32, #tpu.memory_space<hbm>>
      %dma_start3A_128 = tpu.memref_squeeze %dma_start3A_127 : memref<1x3072xf32, #tpu.memory_space<hbm>> -> memref<3072xf32, #tpu.memory_space<hbm>>
      %dma_start3A_129 = arith.constant 0 : i32
      %dma_start3A_130 = tpu.memref_slice %arg2[%add3A_66, %dma_start3A_129] : memref<256x3072xf32, #tpu.memory_space<hbm>> -> memref<1x3072xf32, #tpu.memory_space<hbm>>
      %dma_start3A_131 = tpu.memref_squeeze %dma_start3A_130 : memref<1x3072xf32, #tpu.memory_space<hbm>> -> memref<3072xf32, #tpu.memory_space<hbm>>
      tpu.enqueue_dma source(%dma_start3A_131 : memref<3072xf32, #tpu.memory_space<hbm>>) target(%arg6 : memref<3072xf32, #tpu.memory_space<vmem>>) target_semaphore(%run_scoped3A : memref<!tpu.dma_semaphore, #tpu.memory_space<semaphore_mem>>)
      %dma_wait3A = arith.constant 0 : i32
      %dma_wait3A_132 = tpu.memref_slice %arg2[%add3A_66, %dma_wait3A] : memref<256x3072xf32, #tpu.memory_space<hbm>> -> memref<1x3072xf32, #tpu.memory_space<hbm>>
      %dma_wait3A_133 = tpu.memref_squeeze %dma_wait3A_132 : memref<1x3072xf32, #tpu.memory_space<hbm>> -> memref<3072xf32, #tpu.memory_space<hbm>>
      %dma_wait3A_134 = arith.constant 0 : i32
      %dma_wait3A_135 = tpu.memref_slice %arg2[%add3A_66, %dma_wait3A_134] : memref<256x3072xf32, #tpu.memory_space<hbm>> -> memref<1x3072xf32, #tpu.memory_space<hbm>>
      %dma_wait3A_136 = tpu.memref_squeeze %dma_wait3A_135 : memref<1x3072xf32, #tpu.memory_space<hbm>> -> memref<3072xf32, #tpu.memory_space<hbm>>
      tpu.wait_dma2 semaphore(%run_scoped3A : memref<!tpu.dma_semaphore, #tpu.memory_space<semaphore_mem>>) src(%dma_wait3A_136 : memref<3072xf32, #tpu.memory_space<hbm>>) dst(%arg6 : memref<3072xf32, #tpu.memory_space<vmem>>)
      tpu.yield
    }) : () -> ()
    "tpu.region"() ({
      %run_scoped3A = tpu.sem_alloc : memref<!tpu.dma_semaphore, #tpu.memory_space<semaphore_mem>>
      %dma_start3A = arith.constant 0 : i32
      %dma_start3A_127 = tpu.memref_slice %arg2[%select_n3A_73, %dma_start3A] : memref<256x3072xf32, #tpu.memory_space<hbm>> -> memref<1x3072xf32, #tpu.memory_space<hbm>>
      %dma_start3A_128 = tpu.memref_squeeze %dma_start3A_127 : memref<1x3072xf32, #tpu.memory_space<hbm>> -> memref<3072xf32, #tpu.memory_space<hbm>>
      %dma_start3A_129 = arith.constant 0 : i32
      %dma_start3A_130 = tpu.memref_slice %arg2[%select_n3A_73, %dma_start3A_129] : memref<256x3072xf32, #tpu.memory_space<hbm>> -> memref<1x3072xf32, #tpu.memory_space<hbm>>
      %dma_start3A_131 = tpu.memref_squeeze %dma_start3A_130 : memref<1x3072xf32, #tpu.memory_space<hbm>> -> memref<3072xf32, #tpu.memory_space<hbm>>
      tpu.enqueue_dma source(%dma_start3A_131 : memref<3072xf32, #tpu.memory_space<hbm>>) target(%arg7 : memref<3072xf32, #tpu.memory_space<vmem>>) target_semaphore(%run_scoped3A : memref<!tpu.dma_semaphore, #tpu.memory_space<semaphore_mem>>)
      %dma_wait3A = arith.constant 0 : i32
      %dma_wait3A_132 = tpu.memref_slice %arg2[%select_n3A_73, %dma_wait3A] : memref<256x3072xf32, #tpu.memory_space<hbm>> -> memref<1x3072xf32, #tpu.memory_space<hbm>>
      %dma_wait3A_133 = tpu.memref_squeeze %dma_wait3A_132 : memref<1x3072xf32, #tpu.memory_space<hbm>> -> memref<3072xf32, #tpu.memory_space<hbm>>
      %dma_wait3A_134 = arith.constant 0 : i32
      %dma_wait3A_135 = tpu.memref_slice %arg2[%select_n3A_73, %dma_wait3A_134] : memref<256x3072xf32, #tpu.memory_space<hbm>> -> memref<1x3072xf32, #tpu.memory_space<hbm>>
      %dma_wait3A_136 = tpu.memref_squeeze %dma_wait3A_135 : memref<1x3072xf32, #tpu.memory_space<hbm>> -> memref<3072xf32, #tpu.memory_space<hbm>>
      tpu.wait_dma2 semaphore(%run_scoped3A : memref<!tpu.dma_semaphore, #tpu.memory_space<semaphore_mem>>) src(%dma_wait3A_136 : memref<3072xf32, #tpu.memory_space<hbm>>) dst(%arg7 : memref<3072xf32, #tpu.memory_space<vmem>>)
      tpu.yield
    }) : () -> ()
    "tpu.region"() ({
      %run_scoped3A = tpu.sem_alloc : memref<!tpu.dma_semaphore, #tpu.memory_space<semaphore_mem>>
      %dma_start3A = arith.constant 0 : i32
      %dma_start3A_127 = tpu.memref_slice %arg3[%add3A_66, %dma_start3A] : memref<256x16384xi32, #tpu.memory_space<hbm>> -> memref<1x16384xi32, #tpu.memory_space<hbm>>
      %dma_start3A_128 = tpu.memref_squeeze %dma_start3A_127 : memref<1x16384xi32, #tpu.memory_space<hbm>> -> memref<16384xi32, #tpu.memory_space<hbm>>
      %dma_start3A_129 = arith.constant 0 : i32
      %dma_start3A_130 = tpu.memref_slice %arg3[%add3A_66, %dma_start3A_129] : memref<256x16384xi32, #tpu.memory_space<hbm>> -> memref<1x16384xi32, #tpu.memory_space<hbm>>
      %dma_start3A_131 = tpu.memref_squeeze %dma_start3A_130 : memref<1x16384xi32, #tpu.memory_space<hbm>> -> memref<16384xi32, #tpu.memory_space<hbm>>
      tpu.enqueue_dma source(%dma_start3A_131 : memref<16384xi32, #tpu.memory_space<hbm>>) target(%arg8 : memref<16384xi32, #tpu.memory_space<vmem>>) target_semaphore(%run_scoped3A : memref<!tpu.dma_semaphore, #tpu.memory_space<semaphore_mem>>)
      %dma_wait3A = arith.constant 0 : i32
      %dma_wait3A_132 = tpu.memref_slice %arg3[%add3A_66, %dma_wait3A] : memref<256x16384xi32, #tpu.memory_space<hbm>> -> memref<1x16384xi32, #tpu.memory_space<hbm>>
      %dma_wait3A_133 = tpu.memref_squeeze %dma_wait3A_132 : memref<1x16384xi32, #tpu.memory_space<hbm>> -> memref<16384xi32, #tpu.memory_space<hbm>>
      %dma_wait3A_134 = arith.constant 0 : i32
      %dma_wait3A_135 = tpu.memref_slice %arg3[%add3A_66, %dma_wait3A_134] : memref<256x16384xi32, #tpu.memory_space<hbm>> -> memref<1x16384xi32, #tpu.memory_space<hbm>>
      %dma_wait3A_136 = tpu.memref_squeeze %dma_wait3A_135 : memref<1x16384xi32, #tpu.memory_space<hbm>> -> memref<16384xi32, #tpu.memory_space<hbm>>
      tpu.wait_dma2 semaphore(%run_scoped3A : memref<!tpu.dma_semaphore, #tpu.memory_space<semaphore_mem>>) src(%dma_wait3A_136 : memref<16384xi32, #tpu.memory_space<hbm>>) dst(%arg8 : memref<16384xi32, #tpu.memory_space<vmem>>)
      tpu.yield
    }) : () -> ()
    %scan3A_74 = arith.constant 0 : i32
    %scan3A_75 = arith.constant 512 : i32
    %scan3A_76 = arith.addi %scan3A_74, %scan3A_75 : i32
    %scan3A_77 = arith.constant 1 : i32
    scf.for %scan3A_127 = %scan3A_74 to %scan3A_76 step %scan3A_77  : i32 {
      %mul3A_128 = arith.constant 2 : i32
      %mul3A_129 = arith.muli %scan3A_127, %mul3A_128 : i32
      %add3A_130 = arith.constant 0 : i32
      %add3A_131 = arith.addi %mul3A_129, %add3A_130 : i32
      %mul3A_132 = arith.constant 16 : i32
      %mul3A_133 = arith.muli %add3A_131, %mul3A_132 : i32
      %get3A = arith.index_cast %mul3A_133 : i32 to index
      %get3A_134 = tpu.vector_load %arg8[%get3A] {strides = array<i32>} : memref<16384xi32, #tpu.memory_space<vmem>>, vector<16xi32>,
      %mul3A_135 = arith.constant 3 : i32
      %mul3A_136 = vector.broadcast %mul3A_135 : i32 to vector<16xi32>
      %mul3A_137 = arith.muli %get3A_134, %mul3A_136 : vector<16xi32>
      %mul3A_138 = arith.constant 48 : i32
      %mul3A_139 = arith.muli %add3A_131, %mul3A_138 : i32
      %add3A_140 = arith.constant 0 : i32
      %add3A_141 = arith.addi %mul3A_139, %add3A_140 : i32
      %add3A_142 = vector.broadcast %add3A_141 : i32 to vector<16xi32>
      %add3A_143 = arith.addi %mul3A_3, %add3A_142 : vector<16xi32>
      %gather3A = tpu.vector_load_idx %arg6[%mul3A_137] : memref<3072xf32, #tpu.memory_space<vmem>>[vector<16xi32>], vector<16xf32>,
      tpu.vector_store_idx %arg9[%add3A_143], %gather3A : memref<49152xf32, #tpu.memory_space<vmem>>[vector<16xi32>], vector<16xf32>,
      %gather3A_144 = tpu.vector_load_idx %arg7[%mul3A_137] : memref<3072xf32, #tpu.memory_space<vmem>>[vector<16xi32>], vector<16xf32>,
      tpu.vector_store_idx %arg10[%add3A_143], %gather3A_144 : memref<49152xf32, #tpu.memory_space<vmem>>[vector<16xi32>], vector<16xf32>,
      %add3A_145 = arith.constant 1 : i32
      %add3A_146 = vector.broadcast %add3A_145 : i32 to vector<16xi32>
      %add3A_147 = arith.addi %mul3A_137, %add3A_146 : vector<16xi32>
      %add3A_148 = arith.constant 1 : i32
      %add3A_149 = arith.addi %mul3A_139, %add3A_148 : i32
      %add3A_150 = vector.broadcast %add3A_149 : i32 to vector<16xi32>
      %add3A_151 = arith.addi %mul3A_3, %add3A_150 : vector<16xi32>
      %gather3A_152 = tpu.vector_load_idx %arg6[%add3A_147] : memref<3072xf32, #tpu.memory_space<vmem>>[vector<16xi32>], vector<16xf32>,
      tpu.vector_store_idx %arg9[%add3A_151], %gather3A_152 : memref<49152xf32, #tpu.memory_space<vmem>>[vector<16xi32>], vector<16xf32>,
      %gather3A_153 = tpu.vector_load_idx %arg7[%add3A_147] : memref<3072xf32, #tpu.memory_space<vmem>>[vector<16xi32>], vector<16xf32>,
      tpu.vector_store_idx %arg10[%add3A_151], %gather3A_153 : memref<49152xf32, #tpu.memory_space<vmem>>[vector<16xi32>], vector<16xf32>,
      %add3A_154 = arith.constant 2 : i32
      %add3A_155 = vector.broadcast %add3A_154 : i32 to vector<16xi32>
      %add3A_156 = arith.addi %mul3A_137, %add3A_155 : vector<16xi32>
      %add3A_157 = arith.constant 2 : i32
      %add3A_158 = arith.addi %mul3A_139, %add3A_157 : i32
      %add3A_159 = vector.broadcast %add3A_158 : i32 to vector<16xi32>
      %add3A_160 = arith.addi %mul3A_3, %add3A_159 : vector<16xi32>
      %gather3A_161 = tpu.vector_load_idx %arg6[%add3A_156] : memref<3072xf32, #tpu.memory_space<vmem>>[vector<16xi32>], vector<16xf32>,
      tpu.vector_store_idx %arg9[%add3A_160], %gather3A_161 : memref<49152xf32, #tpu.memory_space<vmem>>[vector<16xi32>], vector<16xf32>,
      %gather3A_162 = tpu.vector_load_idx %arg7[%add3A_156] : memref<3072xf32, #tpu.memory_space<vmem>>[vector<16xi32>], vector<16xf32>,
      tpu.vector_store_idx %arg10[%add3A_160], %gather3A_162 : memref<49152xf32, #tpu.memory_space<vmem>>[vector<16xi32>], vector<16xf32>,
      %mul3A_163 = arith.constant 2 : i32
      %mul3A_164 = arith.muli %scan3A_127, %mul3A_163 : i32
      %add3A_165 = arith.constant 1 : i32
      %add3A_166 = arith.addi %mul3A_164, %add3A_165 : i32
      %mul3A_167 = arith.constant 16 : i32
      %mul3A_168 = arith.muli %add3A_166, %mul3A_167 : i32
      %get3A_169 = arith.index_cast %mul3A_168 : i32 to index
      %get3A_170 = tpu.vector_load %arg8[%get3A_169] {strides = array<i32>} : memref<16384xi32, #tpu.memory_space<vmem>>, vector<16xi32>,
      %mul3A_171 = arith.constant 3 : i32
      %mul3A_172 = vector.broadcast %mul3A_171 : i32 to vector<16xi32>
      %mul3A_173 = arith.muli %get3A_170, %mul3A_172 : vector<16xi32>
      %mul3A_174 = arith.constant 48 : i32
      %mul3A_175 = arith.muli %add3A_166, %mul3A_174 : i32
      %add3A_176 = arith.constant 0 : i32
      %add3A_177 = arith.addi %mul3A_175, %add3A_176 : i32
      %add3A_178 = vector.broadcast %add3A_177 : i32 to vector<16xi32>
      %add3A_179 = arith.addi %mul3A_3, %add3A_178 : vector<16xi32>
      %gather3A_180 = tpu.vector_load_idx %arg6[%mul3A_173] : memref<3072xf32, #tpu.memory_space<vmem>>[vector<16xi32>], vector<16xf32>,
      tpu.vector_store_idx %arg9[%add3A_179], %gather3A_180 : memref<49152xf32, #tpu.memory_space<vmem>>[vector<16xi32>], vector<16xf32>,
      %gather3A_181 = tpu.vector_load_idx %arg7[%mul3A_173] : memref<3072xf32, #tpu.memory_space<vmem>>[vector<16xi32>], vector<16xf32>,
      tpu.vector_store_idx %arg10[%add3A_179], %gather3A_181 : memref<49152xf32, #tpu.memory_space<vmem>>[vector<16xi32>], vector<16xf32>,
      %add3A_182 = arith.constant 1 : i32
      %add3A_183 = vector.broadcast %add3A_182 : i32 to vector<16xi32>
      %add3A_184 = arith.addi %mul3A_173, %add3A_183 : vector<16xi32>
      %add3A_185 = arith.constant 1 : i32
      %add3A_186 = arith.addi %mul3A_175, %add3A_185 : i32
      %add3A_187 = vector.broadcast %add3A_186 : i32 to vector<16xi32>
      %add3A_188 = arith.addi %mul3A_3, %add3A_187 : vector<16xi32>
      %gather3A_189 = tpu.vector_load_idx %arg6[%add3A_184] : memref<3072xf32, #tpu.memory_space<vmem>>[vector<16xi32>], vector<16xf32>,
      tpu.vector_store_idx %arg9[%add3A_188], %gather3A_189 : memref<49152xf32, #tpu.memory_space<vmem>>[vector<16xi32>], vector<16xf32>,
      %gather3A_190 = tpu.vector_load_idx %arg7[%add3A_184] : memref<3072xf32, #tpu.memory_space<vmem>>[vector<16xi32>], vector<16xf32>,
      tpu.vector_store_idx %arg10[%add3A_188], %gather3A_190 : memref<49152xf32, #tpu.memory_space<vmem>>[vector<16xi32>], vector<16xf32>,
      %add3A_191 = arith.constant 2 : i32
      %add3A_192 = vector.broadcast %add3A_191 : i32 to vector<16xi32>
      %add3A_193 = arith.addi %mul3A_173, %add3A_192 : vector<16xi32>
      %add3A_194 = arith.constant 2 : i32
      %add3A_195 = arith.addi %mul3A_175, %add3A_194 : i32
      %add3A_196 = vector.broadcast %add3A_195 : i32 to vector<16xi32>
      %add3A_197 = arith.addi %mul3A_3, %add3A_196 : vector<16xi32>
      %gather3A_198 = tpu.vector_load_idx %arg6[%add3A_193] : memref<3072xf32, #tpu.memory_space<vmem>>[vector<16xi32>], vector<16xf32>,
      tpu.vector_store_idx %arg9[%add3A_197], %gather3A_198 : memref<49152xf32, #tpu.memory_space<vmem>>[vector<16xi32>], vector<16xf32>,
      %gather3A_199 = tpu.vector_load_idx %arg7[%add3A_193] : memref<3072xf32, #tpu.memory_space<vmem>>[vector<16xi32>], vector<16xf32>,
      tpu.vector_store_idx %arg10[%add3A_197], %gather3A_199 : memref<49152xf32, #tpu.memory_space<vmem>>[vector<16xi32>], vector<16xf32>,
    }
    %scan3A_78 = arith.constant 512 : i32
    "tpu.region"() ({
      %run_scoped3A = tpu.sem_alloc : memref<!tpu.dma_semaphore, #tpu.memory_space<semaphore_mem>>
      %dma_start3A = arith.constant 0 : i32
      %dma_start3A_127 = tpu.memref_slice %arg4[%add3A_66, %dma_start3A] : memref<256x49152xf32, #tpu.memory_space<hbm>> -> memref<1x49152xf32, #tpu.memory_space<hbm>>
      %dma_start3A_128 = tpu.memref_squeeze %dma_start3A_127 : memref<1x49152xf32, #tpu.memory_space<hbm>> -> memref<49152xf32, #tpu.memory_space<hbm>>
      %dma_start3A_129 = arith.constant 0 : i32
      %dma_start3A_130 = tpu.memref_slice %arg4[%add3A_66, %dma_start3A_129] : memref<256x49152xf32, #tpu.memory_space<hbm>> -> memref<1x49152xf32, #tpu.memory_space<hbm>>
      %dma_start3A_131 = tpu.memref_squeeze %dma_start3A_130 : memref<1x49152xf32, #tpu.memory_space<hbm>> -> memref<49152xf32, #tpu.memory_space<hbm>>
      tpu.enqueue_dma source(%arg9 : memref<49152xf32, #tpu.memory_space<vmem>>) target(%dma_start3A_131 : memref<49152xf32, #tpu.memory_space<hbm>>) target_semaphore(%run_scoped3A : memref<!tpu.dma_semaphore, #tpu.memory_space<semaphore_mem>>)
      %dma_wait3A = arith.constant 0 : i32
      %dma_wait3A_132 = tpu.memref_slice %arg4[%add3A_66, %dma_wait3A] : memref<256x49152xf32, #tpu.memory_space<hbm>> -> memref<1x49152xf32, #tpu.memory_space<hbm>>
      %dma_wait3A_133 = tpu.memref_squeeze %dma_wait3A_132 : memref<1x49152xf32, #tpu.memory_space<hbm>> -> memref<49152xf32, #tpu.memory_space<hbm>>
      %dma_wait3A_134 = arith.constant 0 : i32
      %dma_wait3A_135 = tpu.memref_slice %arg4[%add3A_66, %dma_wait3A_134] : memref<256x49152xf32, #tpu.memory_space<hbm>> -> memref<1x49152xf32, #tpu.memory_space<hbm>>
      %dma_wait3A_136 = tpu.memref_squeeze %dma_wait3A_135 : memref<1x49152xf32, #tpu.memory_space<hbm>> -> memref<49152xf32, #tpu.memory_space<hbm>>
      tpu.wait_dma2 semaphore(%run_scoped3A : memref<!tpu.dma_semaphore, #tpu.memory_space<semaphore_mem>>) src(%arg9 : memref<49152xf32, #tpu.memory_space<vmem>>) dst(%dma_wait3A_136 : memref<49152xf32, #tpu.memory_space<hbm>>)
      tpu.yield
    }) : () -> ()
    "tpu.region"() ({
      %run_scoped3A = tpu.sem_alloc : memref<!tpu.dma_semaphore, #tpu.memory_space<semaphore_mem>>
      %dma_start3A = arith.constant 0 : i32
      %dma_start3A_127 = tpu.memref_slice %arg5[%add3A_66, %dma_start3A] : memref<256x49152xf32, #tpu.memory_space<hbm>> -> memref<1x49152xf32, #tpu.memory_space<hbm>>
      %dma_start3A_128 = tpu.memref_squeeze %dma_start3A_127 : memref<1x49152xf32, #tpu.memory_space<hbm>> -> memref<49152xf32, #tpu.memory_space<hbm>>
      %dma_start3A_129 = arith.constant 0 : i32
      %dma_start3A_130 = tpu.memref_slice %arg5[%add3A_66, %dma_start3A_129] : memref<256x49152xf32, #tpu.memory_space<hbm>> -> memref<1x49152xf32, #tpu.memory_space<hbm>>
      %dma_start3A_131 = tpu.memref_squeeze %dma_start3A_130 : memref<1x49152xf32, #tpu.memory_space<hbm>> -> memref<49152xf32, #tpu.memory_space<hbm>>
      tpu.enqueue_dma source(%arg10 : memref<49152xf32, #tpu.memory_space<vmem>>) target(%dma_start3A_131 : memref<49152xf32, #tpu.memory_space<hbm>>) target_semaphore(%run_scoped3A : memref<!tpu.dma_semaphore, #tpu.memory_space<semaphore_mem>>)
      %dma_wait3A = arith.constant 0 : i32
      %dma_wait3A_132 = tpu.memref_slice %arg5[%add3A_66, %dma_wait3A] : memref<256x49152xf32, #tpu.memory_space<hbm>> -> memref<1x49152xf32, #tpu.memory_space<hbm>>
      %dma_wait3A_133 = tpu.memref_squeeze %dma_wait3A_132 : memref<1x49152xf32, #tpu.memory_space<hbm>> -> memref<49152xf32, #tpu.memory_space<hbm>>
      %dma_wait3A_134 = arith.constant 0 : i32
      %dma_wait3A_135 = tpu.memref_slice %arg5[%add3A_66, %dma_wait3A_134] : memref<256x49152xf32, #tpu.memory_space<hbm>> -> memref<1x49152xf32, #tpu.memory_space<hbm>>
      %dma_wait3A_136 = tpu.memref_squeeze %dma_wait3A_135 : memref<1x49152xf32, #tpu.memory_space<hbm>> -> memref<49152xf32, #tpu.memory_space<hbm>>
      tpu.wait_dma2 semaphore(%run_scoped3A : memref<!tpu.dma_semaphore, #tpu.memory_space<semaphore_mem>>) src(%arg10 : memref<49152xf32, #tpu.memory_space<vmem>>) dst(%dma_wait3A_136 : memref<49152xf32, #tpu.memory_space<hbm>>)
      tpu.yield
    }) : () -> ()
    %mul3A_79 = arith.constant 8 : i32
    %mul3A_80 = arith.muli %add3A, %mul3A_79 : i32
    %add3A_81 = arith.constant 5 : i32
    %add3A_82 = arith.addi %mul3A_80, %add3A_81 : i32
    %rem3A_83 = arith.constant 32 : i32
    %rem3A_84 = arith.remsi %add3A_82, %rem3A_83 : i32
    %eq3A_85 = arith.constant 0 : i32
    %eq3A_86 = arith.cmpi eq, %rem3A_84, %eq3A_85 : i32
    %sub3A_87 = arith.constant 1 : i32
    %sub3A_88 = arith.subi %add3A_82, %sub3A_87 : i32
    %select_n3A_89 = arith.select %eq3A_86, %add3A_82, %sub3A_88 : i32
    "tpu.region"() ({
      %run_scoped3A = tpu.sem_alloc : memref<!tpu.dma_semaphore, #tpu.memory_space<semaphore_mem>>
      %dma_start3A = arith.constant 0 : i32
      %dma_start3A_127 = tpu.memref_slice %arg2[%add3A_82, %dma_start3A] : memref<256x3072xf32, #tpu.memory_space<hbm>> -> memref<1x3072xf32, #tpu.memory_space<hbm>>
      %dma_start3A_128 = tpu.memref_squeeze %dma_start3A_127 : memref<1x3072xf32, #tpu.memory_space<hbm>> -> memref<3072xf32, #tpu.memory_space<hbm>>
      %dma_start3A_129 = arith.constant 0 : i32
      %dma_start3A_130 = tpu.memref_slice %arg2[%add3A_82, %dma_start3A_129] : memref<256x3072xf32, #tpu.memory_space<hbm>> -> memref<1x3072xf32, #tpu.memory_space<hbm>>
      %dma_start3A_131 = tpu.memref_squeeze %dma_start3A_130 : memref<1x3072xf32, #tpu.memory_space<hbm>> -> memref<3072xf32, #tpu.memory_space<hbm>>
      tpu.enqueue_dma source(%dma_start3A_131 : memref<3072xf32, #tpu.memory_space<hbm>>) target(%arg6 : memref<3072xf32, #tpu.memory_space<vmem>>) target_semaphore(%run_scoped3A : memref<!tpu.dma_semaphore, #tpu.memory_space<semaphore_mem>>)
      %dma_wait3A = arith.constant 0 : i32
      %dma_wait3A_132 = tpu.memref_slice %arg2[%add3A_82, %dma_wait3A] : memref<256x3072xf32, #tpu.memory_space<hbm>> -> memref<1x3072xf32, #tpu.memory_space<hbm>>
      %dma_wait3A_133 = tpu.memref_squeeze %dma_wait3A_132 : memref<1x3072xf32, #tpu.memory_space<hbm>> -> memref<3072xf32, #tpu.memory_space<hbm>>
      %dma_wait3A_134 = arith.constant 0 : i32
      %dma_wait3A_135 = tpu.memref_slice %arg2[%add3A_82, %dma_wait3A_134] : memref<256x3072xf32, #tpu.memory_space<hbm>> -> memref<1x3072xf32, #tpu.memory_space<hbm>>
      %dma_wait3A_136 = tpu.memref_squeeze %dma_wait3A_135 : memref<1x3072xf32, #tpu.memory_space<hbm>> -> memref<3072xf32, #tpu.memory_space<hbm>>
      tpu.wait_dma2 semaphore(%run_scoped3A : memref<!tpu.dma_semaphore, #tpu.memory_space<semaphore_mem>>) src(%dma_wait3A_136 : memref<3072xf32, #tpu.memory_space<hbm>>) dst(%arg6 : memref<3072xf32, #tpu.memory_space<vmem>>)
      tpu.yield
    }) : () -> ()
    "tpu.region"() ({
      %run_scoped3A = tpu.sem_alloc : memref<!tpu.dma_semaphore, #tpu.memory_space<semaphore_mem>>
      %dma_start3A = arith.constant 0 : i32
      %dma_start3A_127 = tpu.memref_slice %arg2[%select_n3A_89, %dma_start3A] : memref<256x3072xf32, #tpu.memory_space<hbm>> -> memref<1x3072xf32, #tpu.memory_space<hbm>>
      %dma_start3A_128 = tpu.memref_squeeze %dma_start3A_127 : memref<1x3072xf32, #tpu.memory_space<hbm>> -> memref<3072xf32, #tpu.memory_space<hbm>>
      %dma_start3A_129 = arith.constant 0 : i32
      %dma_start3A_130 = tpu.memref_slice %arg2[%select_n3A_89, %dma_start3A_129] : memref<256x3072xf32, #tpu.memory_space<hbm>> -> memref<1x3072xf32, #tpu.memory_space<hbm>>
      %dma_start3A_131 = tpu.memref_squeeze %dma_start3A_130 : memref<1x3072xf32, #tpu.memory_space<hbm>> -> memref<3072xf32, #tpu.memory_space<hbm>>
      tpu.enqueue_dma source(%dma_start3A_131 : memref<3072xf32, #tpu.memory_space<hbm>>) target(%arg7 : memref<3072xf32, #tpu.memory_space<vmem>>) target_semaphore(%run_scoped3A : memref<!tpu.dma_semaphore, #tpu.memory_space<semaphore_mem>>)
      %dma_wait3A = arith.constant 0 : i32
      %dma_wait3A_132 = tpu.memref_slice %arg2[%select_n3A_89, %dma_wait3A] : memref<256x3072xf32, #tpu.memory_space<hbm>> -> memref<1x3072xf32, #tpu.memory_space<hbm>>
      %dma_wait3A_133 = tpu.memref_squeeze %dma_wait3A_132 : memref<1x3072xf32, #tpu.memory_space<hbm>> -> memref<3072xf32, #tpu.memory_space<hbm>>
      %dma_wait3A_134 = arith.constant 0 : i32
      %dma_wait3A_135 = tpu.memref_slice %arg2[%select_n3A_89, %dma_wait3A_134] : memref<256x3072xf32, #tpu.memory_space<hbm>> -> memref<1x3072xf32, #tpu.memory_space<hbm>>
      %dma_wait3A_136 = tpu.memref_squeeze %dma_wait3A_135 : memref<1x3072xf32, #tpu.memory_space<hbm>> -> memref<3072xf32, #tpu.memory_space<hbm>>
      tpu.wait_dma2 semaphore(%run_scoped3A : memref<!tpu.dma_semaphore, #tpu.memory_space<semaphore_mem>>) src(%dma_wait3A_136 : memref<3072xf32, #tpu.memory_space<hbm>>) dst(%arg7 : memref<3072xf32, #tpu.memory_space<vmem>>)
      tpu.yield
    }) : () -> ()
    "tpu.region"() ({
      %run_scoped3A = tpu.sem_alloc : memref<!tpu.dma_semaphore, #tpu.memory_space<semaphore_mem>>
      %dma_start3A = arith.constant 0 : i32
      %dma_start3A_127 = tpu.memref_slice %arg3[%add3A_82, %dma_start3A] : memref<256x16384xi32, #tpu.memory_space<hbm>> -> memref<1x16384xi32, #tpu.memory_space<hbm>>
      %dma_start3A_128 = tpu.memref_squeeze %dma_start3A_127 : memref<1x16384xi32, #tpu.memory_space<hbm>> -> memref<16384xi32, #tpu.memory_space<hbm>>
      %dma_start3A_129 = arith.constant 0 : i32
      %dma_start3A_130 = tpu.memref_slice %arg3[%add3A_82, %dma_start3A_129] : memref<256x16384xi32, #tpu.memory_space<hbm>> -> memref<1x16384xi32, #tpu.memory_space<hbm>>
      %dma_start3A_131 = tpu.memref_squeeze %dma_start3A_130 : memref<1x16384xi32, #tpu.memory_space<hbm>> -> memref<16384xi32, #tpu.memory_space<hbm>>
      tpu.enqueue_dma source(%dma_start3A_131 : memref<16384xi32, #tpu.memory_space<hbm>>) target(%arg8 : memref<16384xi32, #tpu.memory_space<vmem>>) target_semaphore(%run_scoped3A : memref<!tpu.dma_semaphore, #tpu.memory_space<semaphore_mem>>)
      %dma_wait3A = arith.constant 0 : i32
      %dma_wait3A_132 = tpu.memref_slice %arg3[%add3A_82, %dma_wait3A] : memref<256x16384xi32, #tpu.memory_space<hbm>> -> memref<1x16384xi32, #tpu.memory_space<hbm>>
      %dma_wait3A_133 = tpu.memref_squeeze %dma_wait3A_132 : memref<1x16384xi32, #tpu.memory_space<hbm>> -> memref<16384xi32, #tpu.memory_space<hbm>>
      %dma_wait3A_134 = arith.constant 0 : i32
      %dma_wait3A_135 = tpu.memref_slice %arg3[%add3A_82, %dma_wait3A_134] : memref<256x16384xi32, #tpu.memory_space<hbm>> -> memref<1x16384xi32, #tpu.memory_space<hbm>>
      %dma_wait3A_136 = tpu.memref_squeeze %dma_wait3A_135 : memref<1x16384xi32, #tpu.memory_space<hbm>> -> memref<16384xi32, #tpu.memory_space<hbm>>
      tpu.wait_dma2 semaphore(%run_scoped3A : memref<!tpu.dma_semaphore, #tpu.memory_space<semaphore_mem>>) src(%dma_wait3A_136 : memref<16384xi32, #tpu.memory_space<hbm>>) dst(%arg8 : memref<16384xi32, #tpu.memory_space<vmem>>)
      tpu.yield
    }) : () -> ()
    %scan3A_90 = arith.constant 0 : i32
    %scan3A_91 = arith.constant 512 : i32
    %scan3A_92 = arith.addi %scan3A_90, %scan3A_91 : i32
    %scan3A_93 = arith.constant 1 : i32
    scf.for %scan3A_127 = %scan3A_90 to %scan3A_92 step %scan3A_93  : i32 {
      %mul3A_128 = arith.constant 2 : i32
      %mul3A_129 = arith.muli %scan3A_127, %mul3A_128 : i32
      %add3A_130 = arith.constant 0 : i32
      %add3A_131 = arith.addi %mul3A_129, %add3A_130 : i32
      %mul3A_132 = arith.constant 16 : i32
      %mul3A_133 = arith.muli %add3A_131, %mul3A_132 : i32
      %get3A = arith.index_cast %mul3A_133 : i32 to index
      %get3A_134 = tpu.vector_load %arg8[%get3A] {strides = array<i32>} : memref<16384xi32, #tpu.memory_space<vmem>>, vector<16xi32>,
      %mul3A_135 = arith.constant 3 : i32
      %mul3A_136 = vector.broadcast %mul3A_135 : i32 to vector<16xi32>
      %mul3A_137 = arith.muli %get3A_134, %mul3A_136 : vector<16xi32>
      %mul3A_138 = arith.constant 48 : i32
      %mul3A_139 = arith.muli %add3A_131, %mul3A_138 : i32
      %add3A_140 = arith.constant 0 : i32
      %add3A_141 = arith.addi %mul3A_139, %add3A_140 : i32
      %add3A_142 = vector.broadcast %add3A_141 : i32 to vector<16xi32>
      %add3A_143 = arith.addi %mul3A_3, %add3A_142 : vector<16xi32>
      %gather3A = tpu.vector_load_idx %arg6[%mul3A_137] : memref<3072xf32, #tpu.memory_space<vmem>>[vector<16xi32>], vector<16xf32>,
      tpu.vector_store_idx %arg9[%add3A_143], %gather3A : memref<49152xf32, #tpu.memory_space<vmem>>[vector<16xi32>], vector<16xf32>,
      %gather3A_144 = tpu.vector_load_idx %arg7[%mul3A_137] : memref<3072xf32, #tpu.memory_space<vmem>>[vector<16xi32>], vector<16xf32>,
      tpu.vector_store_idx %arg10[%add3A_143], %gather3A_144 : memref<49152xf32, #tpu.memory_space<vmem>>[vector<16xi32>], vector<16xf32>,
      %add3A_145 = arith.constant 1 : i32
      %add3A_146 = vector.broadcast %add3A_145 : i32 to vector<16xi32>
      %add3A_147 = arith.addi %mul3A_137, %add3A_146 : vector<16xi32>
      %add3A_148 = arith.constant 1 : i32
      %add3A_149 = arith.addi %mul3A_139, %add3A_148 : i32
      %add3A_150 = vector.broadcast %add3A_149 : i32 to vector<16xi32>
      %add3A_151 = arith.addi %mul3A_3, %add3A_150 : vector<16xi32>
      %gather3A_152 = tpu.vector_load_idx %arg6[%add3A_147] : memref<3072xf32, #tpu.memory_space<vmem>>[vector<16xi32>], vector<16xf32>,
      tpu.vector_store_idx %arg9[%add3A_151], %gather3A_152 : memref<49152xf32, #tpu.memory_space<vmem>>[vector<16xi32>], vector<16xf32>,
      %gather3A_153 = tpu.vector_load_idx %arg7[%add3A_147] : memref<3072xf32, #tpu.memory_space<vmem>>[vector<16xi32>], vector<16xf32>,
      tpu.vector_store_idx %arg10[%add3A_151], %gather3A_153 : memref<49152xf32, #tpu.memory_space<vmem>>[vector<16xi32>], vector<16xf32>,
      %add3A_154 = arith.constant 2 : i32
      %add3A_155 = vector.broadcast %add3A_154 : i32 to vector<16xi32>
      %add3A_156 = arith.addi %mul3A_137, %add3A_155 : vector<16xi32>
      %add3A_157 = arith.constant 2 : i32
      %add3A_158 = arith.addi %mul3A_139, %add3A_157 : i32
      %add3A_159 = vector.broadcast %add3A_158 : i32 to vector<16xi32>
      %add3A_160 = arith.addi %mul3A_3, %add3A_159 : vector<16xi32>
      %gather3A_161 = tpu.vector_load_idx %arg6[%add3A_156] : memref<3072xf32, #tpu.memory_space<vmem>>[vector<16xi32>], vector<16xf32>,
      tpu.vector_store_idx %arg9[%add3A_160], %gather3A_161 : memref<49152xf32, #tpu.memory_space<vmem>>[vector<16xi32>], vector<16xf32>,
      %gather3A_162 = tpu.vector_load_idx %arg7[%add3A_156] : memref<3072xf32, #tpu.memory_space<vmem>>[vector<16xi32>], vector<16xf32>,
      tpu.vector_store_idx %arg10[%add3A_160], %gather3A_162 : memref<49152xf32, #tpu.memory_space<vmem>>[vector<16xi32>], vector<16xf32>,
      %mul3A_163 = arith.constant 2 : i32
      %mul3A_164 = arith.muli %scan3A_127, %mul3A_163 : i32
      %add3A_165 = arith.constant 1 : i32
      %add3A_166 = arith.addi %mul3A_164, %add3A_165 : i32
      %mul3A_167 = arith.constant 16 : i32
      %mul3A_168 = arith.muli %add3A_166, %mul3A_167 : i32
      %get3A_169 = arith.index_cast %mul3A_168 : i32 to index
      %get3A_170 = tpu.vector_load %arg8[%get3A_169] {strides = array<i32>} : memref<16384xi32, #tpu.memory_space<vmem>>, vector<16xi32>,
      %mul3A_171 = arith.constant 3 : i32
      %mul3A_172 = vector.broadcast %mul3A_171 : i32 to vector<16xi32>
      %mul3A_173 = arith.muli %get3A_170, %mul3A_172 : vector<16xi32>
      %mul3A_174 = arith.constant 48 : i32
      %mul3A_175 = arith.muli %add3A_166, %mul3A_174 : i32
      %add3A_176 = arith.constant 0 : i32
      %add3A_177 = arith.addi %mul3A_175, %add3A_176 : i32
      %add3A_178 = vector.broadcast %add3A_177 : i32 to vector<16xi32>
      %add3A_179 = arith.addi %mul3A_3, %add3A_178 : vector<16xi32>
      %gather3A_180 = tpu.vector_load_idx %arg6[%mul3A_173] : memref<3072xf32, #tpu.memory_space<vmem>>[vector<16xi32>], vector<16xf32>,
      tpu.vector_store_idx %arg9[%add3A_179], %gather3A_180 : memref<49152xf32, #tpu.memory_space<vmem>>[vector<16xi32>], vector<16xf32>,
      %gather3A_181 = tpu.vector_load_idx %arg7[%mul3A_173] : memref<3072xf32, #tpu.memory_space<vmem>>[vector<16xi32>], vector<16xf32>,
      tpu.vector_store_idx %arg10[%add3A_179], %gather3A_181 : memref<49152xf32, #tpu.memory_space<vmem>>[vector<16xi32>], vector<16xf32>,
      %add3A_182 = arith.constant 1 : i32
      %add3A_183 = vector.broadcast %add3A_182 : i32 to vector<16xi32>
      %add3A_184 = arith.addi %mul3A_173, %add3A_183 : vector<16xi32>
      %add3A_185 = arith.constant 1 : i32
      %add3A_186 = arith.addi %mul3A_175, %add3A_185 : i32
      %add3A_187 = vector.broadcast %add3A_186 : i32 to vector<16xi32>
      %add3A_188 = arith.addi %mul3A_3, %add3A_187 : vector<16xi32>
      %gather3A_189 = tpu.vector_load_idx %arg6[%add3A_184] : memref<3072xf32, #tpu.memory_space<vmem>>[vector<16xi32>], vector<16xf32>,
      tpu.vector_store_idx %arg9[%add3A_188], %gather3A_189 : memref<49152xf32, #tpu.memory_space<vmem>>[vector<16xi32>], vector<16xf32>,
      %gather3A_190 = tpu.vector_load_idx %arg7[%add3A_184] : memref<3072xf32, #tpu.memory_space<vmem>>[vector<16xi32>], vector<16xf32>,
      tpu.vector_store_idx %arg10[%add3A_188], %gather3A_190 : memref<49152xf32, #tpu.memory_space<vmem>>[vector<16xi32>], vector<16xf32>,
      %add3A_191 = arith.constant 2 : i32
      %add3A_192 = vector.broadcast %add3A_191 : i32 to vector<16xi32>
      %add3A_193 = arith.addi %mul3A_173, %add3A_192 : vector<16xi32>
      %add3A_194 = arith.constant 2 : i32
      %add3A_195 = arith.addi %mul3A_175, %add3A_194 : i32
      %add3A_196 = vector.broadcast %add3A_195 : i32 to vector<16xi32>
      %add3A_197 = arith.addi %mul3A_3, %add3A_196 : vector<16xi32>
      %gather3A_198 = tpu.vector_load_idx %arg6[%add3A_193] : memref<3072xf32, #tpu.memory_space<vmem>>[vector<16xi32>], vector<16xf32>,
      tpu.vector_store_idx %arg9[%add3A_197], %gather3A_198 : memref<49152xf32, #tpu.memory_space<vmem>>[vector<16xi32>], vector<16xf32>,
      %gather3A_199 = tpu.vector_load_idx %arg7[%add3A_193] : memref<3072xf32, #tpu.memory_space<vmem>>[vector<16xi32>], vector<16xf32>,
      tpu.vector_store_idx %arg10[%add3A_197], %gather3A_199 : memref<49152xf32, #tpu.memory_space<vmem>>[vector<16xi32>], vector<16xf32>,
    }
    %scan3A_94 = arith.constant 512 : i32
    "tpu.region"() ({
      %run_scoped3A = tpu.sem_alloc : memref<!tpu.dma_semaphore, #tpu.memory_space<semaphore_mem>>
      %dma_start3A = arith.constant 0 : i32
      %dma_start3A_127 = tpu.memref_slice %arg4[%add3A_82, %dma_start3A] : memref<256x49152xf32, #tpu.memory_space<hbm>> -> memref<1x49152xf32, #tpu.memory_space<hbm>>
      %dma_start3A_128 = tpu.memref_squeeze %dma_start3A_127 : memref<1x49152xf32, #tpu.memory_space<hbm>> -> memref<49152xf32, #tpu.memory_space<hbm>>
      %dma_start3A_129 = arith.constant 0 : i32
      %dma_start3A_130 = tpu.memref_slice %arg4[%add3A_82, %dma_start3A_129] : memref<256x49152xf32, #tpu.memory_space<hbm>> -> memref<1x49152xf32, #tpu.memory_space<hbm>>
      %dma_start3A_131 = tpu.memref_squeeze %dma_start3A_130 : memref<1x49152xf32, #tpu.memory_space<hbm>> -> memref<49152xf32, #tpu.memory_space<hbm>>
      tpu.enqueue_dma source(%arg9 : memref<49152xf32, #tpu.memory_space<vmem>>) target(%dma_start3A_131 : memref<49152xf32, #tpu.memory_space<hbm>>) target_semaphore(%run_scoped3A : memref<!tpu.dma_semaphore, #tpu.memory_space<semaphore_mem>>)
      %dma_wait3A = arith.constant 0 : i32
      %dma_wait3A_132 = tpu.memref_slice %arg4[%add3A_82, %dma_wait3A] : memref<256x49152xf32, #tpu.memory_space<hbm>> -> memref<1x49152xf32, #tpu.memory_space<hbm>>
      %dma_wait3A_133 = tpu.memref_squeeze %dma_wait3A_132 : memref<1x49152xf32, #tpu.memory_space<hbm>> -> memref<49152xf32, #tpu.memory_space<hbm>>
      %dma_wait3A_134 = arith.constant 0 : i32
      %dma_wait3A_135 = tpu.memref_slice %arg4[%add3A_82, %dma_wait3A_134] : memref<256x49152xf32, #tpu.memory_space<hbm>> -> memref<1x49152xf32, #tpu.memory_space<hbm>>
      %dma_wait3A_136 = tpu.memref_squeeze %dma_wait3A_135 : memref<1x49152xf32, #tpu.memory_space<hbm>> -> memref<49152xf32, #tpu.memory_space<hbm>>
      tpu.wait_dma2 semaphore(%run_scoped3A : memref<!tpu.dma_semaphore, #tpu.memory_space<semaphore_mem>>) src(%arg9 : memref<49152xf32, #tpu.memory_space<vmem>>) dst(%dma_wait3A_136 : memref<49152xf32, #tpu.memory_space<hbm>>)
      tpu.yield
    }) : () -> ()
    "tpu.region"() ({
      %run_scoped3A = tpu.sem_alloc : memref<!tpu.dma_semaphore, #tpu.memory_space<semaphore_mem>>
      %dma_start3A = arith.constant 0 : i32
      %dma_start3A_127 = tpu.memref_slice %arg5[%add3A_82, %dma_start3A] : memref<256x49152xf32, #tpu.memory_space<hbm>> -> memref<1x49152xf32, #tpu.memory_space<hbm>>
      %dma_start3A_128 = tpu.memref_squeeze %dma_start3A_127 : memref<1x49152xf32, #tpu.memory_space<hbm>> -> memref<49152xf32, #tpu.memory_space<hbm>>
      %dma_start3A_129 = arith.constant 0 : i32
      %dma_start3A_130 = tpu.memref_slice %arg5[%add3A_82, %dma_start3A_129] : memref<256x49152xf32, #tpu.memory_space<hbm>> -> memref<1x49152xf32, #tpu.memory_space<hbm>>
      %dma_start3A_131 = tpu.memref_squeeze %dma_start3A_130 : memref<1x49152xf32, #tpu.memory_space<hbm>> -> memref<49152xf32, #tpu.memory_space<hbm>>
      tpu.enqueue_dma source(%arg10 : memref<49152xf32, #tpu.memory_space<vmem>>) target(%dma_start3A_131 : memref<49152xf32, #tpu.memory_space<hbm>>) target_semaphore(%run_scoped3A : memref<!tpu.dma_semaphore, #tpu.memory_space<semaphore_mem>>)
      %dma_wait3A = arith.constant 0 : i32
      %dma_wait3A_132 = tpu.memref_slice %arg5[%add3A_82, %dma_wait3A] : memref<256x49152xf32, #tpu.memory_space<hbm>> -> memref<1x49152xf32, #tpu.memory_space<hbm>>
      %dma_wait3A_133 = tpu.memref_squeeze %dma_wait3A_132 : memref<1x49152xf32, #tpu.memory_space<hbm>> -> memref<49152xf32, #tpu.memory_space<hbm>>
      %dma_wait3A_134 = arith.constant 0 : i32
      %dma_wait3A_135 = tpu.memref_slice %arg5[%add3A_82, %dma_wait3A_134] : memref<256x49152xf32, #tpu.memory_space<hbm>> -> memref<1x49152xf32, #tpu.memory_space<hbm>>
      %dma_wait3A_136 = tpu.memref_squeeze %dma_wait3A_135 : memref<1x49152xf32, #tpu.memory_space<hbm>> -> memref<49152xf32, #tpu.memory_space<hbm>>
      tpu.wait_dma2 semaphore(%run_scoped3A : memref<!tpu.dma_semaphore, #tpu.memory_space<semaphore_mem>>) src(%arg10 : memref<49152xf32, #tpu.memory_space<vmem>>) dst(%dma_wait3A_136 : memref<49152xf32, #tpu.memory_space<hbm>>)
      tpu.yield
    }) : () -> ()
    %mul3A_95 = arith.constant 8 : i32
    %mul3A_96 = arith.muli %add3A, %mul3A_95 : i32
    %add3A_97 = arith.constant 6 : i32
    %add3A_98 = arith.addi %mul3A_96, %add3A_97 : i32
    %rem3A_99 = arith.constant 32 : i32
    %rem3A_100 = arith.remsi %add3A_98, %rem3A_99 : i32
    %eq3A_101 = arith.constant 0 : i32
    %eq3A_102 = arith.cmpi eq, %rem3A_100, %eq3A_101 : i32
    %sub3A_103 = arith.constant 1 : i32
    %sub3A_104 = arith.subi %add3A_98, %sub3A_103 : i32
    %select_n3A_105 = arith.select %eq3A_102, %add3A_98, %sub3A_104 : i32
    "tpu.region"() ({
      %run_scoped3A = tpu.sem_alloc : memref<!tpu.dma_semaphore, #tpu.memory_space<semaphore_mem>>
      %dma_start3A = arith.constant 0 : i32
      %dma_start3A_127 = tpu.memref_slice %arg2[%add3A_98, %dma_start3A] : memref<256x3072xf32, #tpu.memory_space<hbm>> -> memref<1x3072xf32, #tpu.memory_space<hbm>>
      %dma_start3A_128 = tpu.memref_squeeze %dma_start3A_127 : memref<1x3072xf32, #tpu.memory_space<hbm>> -> memref<3072xf32, #tpu.memory_space<hbm>>
      %dma_start3A_129 = arith.constant 0 : i32
      %dma_start3A_130 = tpu.memref_slice %arg2[%add3A_98, %dma_start3A_129] : memref<256x3072xf32, #tpu.memory_space<hbm>> -> memref<1x3072xf32, #tpu.memory_space<hbm>>
      %dma_start3A_131 = tpu.memref_squeeze %dma_start3A_130 : memref<1x3072xf32, #tpu.memory_space<hbm>> -> memref<3072xf32, #tpu.memory_space<hbm>>
      tpu.enqueue_dma source(%dma_start3A_131 : memref<3072xf32, #tpu.memory_space<hbm>>) target(%arg6 : memref<3072xf32, #tpu.memory_space<vmem>>) target_semaphore(%run_scoped3A : memref<!tpu.dma_semaphore, #tpu.memory_space<semaphore_mem>>)
      %dma_wait3A = arith.constant 0 : i32
      %dma_wait3A_132 = tpu.memref_slice %arg2[%add3A_98, %dma_wait3A] : memref<256x3072xf32, #tpu.memory_space<hbm>> -> memref<1x3072xf32, #tpu.memory_space<hbm>>
      %dma_wait3A_133 = tpu.memref_squeeze %dma_wait3A_132 : memref<1x3072xf32, #tpu.memory_space<hbm>> -> memref<3072xf32, #tpu.memory_space<hbm>>
      %dma_wait3A_134 = arith.constant 0 : i32
      %dma_wait3A_135 = tpu.memref_slice %arg2[%add3A_98, %dma_wait3A_134] : memref<256x3072xf32, #tpu.memory_space<hbm>> -> memref<1x3072xf32, #tpu.memory_space<hbm>>
      %dma_wait3A_136 = tpu.memref_squeeze %dma_wait3A_135 : memref<1x3072xf32, #tpu.memory_space<hbm>> -> memref<3072xf32, #tpu.memory_space<hbm>>
      tpu.wait_dma2 semaphore(%run_scoped3A : memref<!tpu.dma_semaphore, #tpu.memory_space<semaphore_mem>>) src(%dma_wait3A_136 : memref<3072xf32, #tpu.memory_space<hbm>>) dst(%arg6 : memref<3072xf32, #tpu.memory_space<vmem>>)
      tpu.yield
    }) : () -> ()
    "tpu.region"() ({
      %run_scoped3A = tpu.sem_alloc : memref<!tpu.dma_semaphore, #tpu.memory_space<semaphore_mem>>
      %dma_start3A = arith.constant 0 : i32
      %dma_start3A_127 = tpu.memref_slice %arg2[%select_n3A_105, %dma_start3A] : memref<256x3072xf32, #tpu.memory_space<hbm>> -> memref<1x3072xf32, #tpu.memory_space<hbm>>
      %dma_start3A_128 = tpu.memref_squeeze %dma_start3A_127 : memref<1x3072xf32, #tpu.memory_space<hbm>> -> memref<3072xf32, #tpu.memory_space<hbm>>
      %dma_start3A_129 = arith.constant 0 : i32
      %dma_start3A_130 = tpu.memref_slice %arg2[%select_n3A_105, %dma_start3A_129] : memref<256x3072xf32, #tpu.memory_space<hbm>> -> memref<1x3072xf32, #tpu.memory_space<hbm>>
      %dma_start3A_131 = tpu.memref_squeeze %dma_start3A_130 : memref<1x3072xf32, #tpu.memory_space<hbm>> -> memref<3072xf32, #tpu.memory_space<hbm>>
      tpu.enqueue_dma source(%dma_start3A_131 : memref<3072xf32, #tpu.memory_space<hbm>>) target(%arg7 : memref<3072xf32, #tpu.memory_space<vmem>>) target_semaphore(%run_scoped3A : memref<!tpu.dma_semaphore, #tpu.memory_space<semaphore_mem>>)
      %dma_wait3A = arith.constant 0 : i32
      %dma_wait3A_132 = tpu.memref_slice %arg2[%select_n3A_105, %dma_wait3A] : memref<256x3072xf32, #tpu.memory_space<hbm>> -> memref<1x3072xf32, #tpu.memory_space<hbm>>
      %dma_wait3A_133 = tpu.memref_squeeze %dma_wait3A_132 : memref<1x3072xf32, #tpu.memory_space<hbm>> -> memref<3072xf32, #tpu.memory_space<hbm>>
      %dma_wait3A_134 = arith.constant 0 : i32
      %dma_wait3A_135 = tpu.memref_slice %arg2[%select_n3A_105, %dma_wait3A_134] : memref<256x3072xf32, #tpu.memory_space<hbm>> -> memref<1x3072xf32, #tpu.memory_space<hbm>>
      %dma_wait3A_136 = tpu.memref_squeeze %dma_wait3A_135 : memref<1x3072xf32, #tpu.memory_space<hbm>> -> memref<3072xf32, #tpu.memory_space<hbm>>
      tpu.wait_dma2 semaphore(%run_scoped3A : memref<!tpu.dma_semaphore, #tpu.memory_space<semaphore_mem>>) src(%dma_wait3A_136 : memref<3072xf32, #tpu.memory_space<hbm>>) dst(%arg7 : memref<3072xf32, #tpu.memory_space<vmem>>)
      tpu.yield
    }) : () -> ()
    "tpu.region"() ({
      %run_scoped3A = tpu.sem_alloc : memref<!tpu.dma_semaphore, #tpu.memory_space<semaphore_mem>>
      %dma_start3A = arith.constant 0 : i32
      %dma_start3A_127 = tpu.memref_slice %arg3[%add3A_98, %dma_start3A] : memref<256x16384xi32, #tpu.memory_space<hbm>> -> memref<1x16384xi32, #tpu.memory_space<hbm>>
      %dma_start3A_128 = tpu.memref_squeeze %dma_start3A_127 : memref<1x16384xi32, #tpu.memory_space<hbm>> -> memref<16384xi32, #tpu.memory_space<hbm>>
      %dma_start3A_129 = arith.constant 0 : i32
      %dma_start3A_130 = tpu.memref_slice %arg3[%add3A_98, %dma_start3A_129] : memref<256x16384xi32, #tpu.memory_space<hbm>> -> memref<1x16384xi32, #tpu.memory_space<hbm>>
      %dma_start3A_131 = tpu.memref_squeeze %dma_start3A_130 : memref<1x16384xi32, #tpu.memory_space<hbm>> -> memref<16384xi32, #tpu.memory_space<hbm>>
      tpu.enqueue_dma source(%dma_start3A_131 : memref<16384xi32, #tpu.memory_space<hbm>>) target(%arg8 : memref<16384xi32, #tpu.memory_space<vmem>>) target_semaphore(%run_scoped3A : memref<!tpu.dma_semaphore, #tpu.memory_space<semaphore_mem>>)
      %dma_wait3A = arith.constant 0 : i32
      %dma_wait3A_132 = tpu.memref_slice %arg3[%add3A_98, %dma_wait3A] : memref<256x16384xi32, #tpu.memory_space<hbm>> -> memref<1x16384xi32, #tpu.memory_space<hbm>>
      %dma_wait3A_133 = tpu.memref_squeeze %dma_wait3A_132 : memref<1x16384xi32, #tpu.memory_space<hbm>> -> memref<16384xi32, #tpu.memory_space<hbm>>
      %dma_wait3A_134 = arith.constant 0 : i32
      %dma_wait3A_135 = tpu.memref_slice %arg3[%add3A_98, %dma_wait3A_134] : memref<256x16384xi32, #tpu.memory_space<hbm>> -> memref<1x16384xi32, #tpu.memory_space<hbm>>
      %dma_wait3A_136 = tpu.memref_squeeze %dma_wait3A_135 : memref<1x16384xi32, #tpu.memory_space<hbm>> -> memref<16384xi32, #tpu.memory_space<hbm>>
      tpu.wait_dma2 semaphore(%run_scoped3A : memref<!tpu.dma_semaphore, #tpu.memory_space<semaphore_mem>>) src(%dma_wait3A_136 : memref<16384xi32, #tpu.memory_space<hbm>>) dst(%arg8 : memref<16384xi32, #tpu.memory_space<vmem>>)
      tpu.yield
    }) : () -> ()
    %scan3A_106 = arith.constant 0 : i32
    %scan3A_107 = arith.constant 512 : i32
    %scan3A_108 = arith.addi %scan3A_106, %scan3A_107 : i32
    %scan3A_109 = arith.constant 1 : i32
    scf.for %scan3A_127 = %scan3A_106 to %scan3A_108 step %scan3A_109  : i32 {
      %mul3A_128 = arith.constant 2 : i32
      %mul3A_129 = arith.muli %scan3A_127, %mul3A_128 : i32
      %add3A_130 = arith.constant 0 : i32
      %add3A_131 = arith.addi %mul3A_129, %add3A_130 : i32
      %mul3A_132 = arith.constant 16 : i32
      %mul3A_133 = arith.muli %add3A_131, %mul3A_132 : i32
      %get3A = arith.index_cast %mul3A_133 : i32 to index
      %get3A_134 = tpu.vector_load %arg8[%get3A] {strides = array<i32>} : memref<16384xi32, #tpu.memory_space<vmem>>, vector<16xi32>,
      %mul3A_135 = arith.constant 3 : i32
      %mul3A_136 = vector.broadcast %mul3A_135 : i32 to vector<16xi32>
      %mul3A_137 = arith.muli %get3A_134, %mul3A_136 : vector<16xi32>
      %mul3A_138 = arith.constant 48 : i32
      %mul3A_139 = arith.muli %add3A_131, %mul3A_138 : i32
      %add3A_140 = arith.constant 0 : i32
      %add3A_141 = arith.addi %mul3A_139, %add3A_140 : i32
      %add3A_142 = vector.broadcast %add3A_141 : i32 to vector<16xi32>
      %add3A_143 = arith.addi %mul3A_3, %add3A_142 : vector<16xi32>
      %gather3A = tpu.vector_load_idx %arg6[%mul3A_137] : memref<3072xf32, #tpu.memory_space<vmem>>[vector<16xi32>], vector<16xf32>,
      tpu.vector_store_idx %arg9[%add3A_143], %gather3A : memref<49152xf32, #tpu.memory_space<vmem>>[vector<16xi32>], vector<16xf32>,
      %gather3A_144 = tpu.vector_load_idx %arg7[%mul3A_137] : memref<3072xf32, #tpu.memory_space<vmem>>[vector<16xi32>], vector<16xf32>,
      tpu.vector_store_idx %arg10[%add3A_143], %gather3A_144 : memref<49152xf32, #tpu.memory_space<vmem>>[vector<16xi32>], vector<16xf32>,
      %add3A_145 = arith.constant 1 : i32
      %add3A_146 = vector.broadcast %add3A_145 : i32 to vector<16xi32>
      %add3A_147 = arith.addi %mul3A_137, %add3A_146 : vector<16xi32>
      %add3A_148 = arith.constant 1 : i32
      %add3A_149 = arith.addi %mul3A_139, %add3A_148 : i32
      %add3A_150 = vector.broadcast %add3A_149 : i32 to vector<16xi32>
      %add3A_151 = arith.addi %mul3A_3, %add3A_150 : vector<16xi32>
      %gather3A_152 = tpu.vector_load_idx %arg6[%add3A_147] : memref<3072xf32, #tpu.memory_space<vmem>>[vector<16xi32>], vector<16xf32>,
      tpu.vector_store_idx %arg9[%add3A_151], %gather3A_152 : memref<49152xf32, #tpu.memory_space<vmem>>[vector<16xi32>], vector<16xf32>,
      %gather3A_153 = tpu.vector_load_idx %arg7[%add3A_147] : memref<3072xf32, #tpu.memory_space<vmem>>[vector<16xi32>], vector<16xf32>,
      tpu.vector_store_idx %arg10[%add3A_151], %gather3A_153 : memref<49152xf32, #tpu.memory_space<vmem>>[vector<16xi32>], vector<16xf32>,
      %add3A_154 = arith.constant 2 : i32
      %add3A_155 = vector.broadcast %add3A_154 : i32 to vector<16xi32>
      %add3A_156 = arith.addi %mul3A_137, %add3A_155 : vector<16xi32>
      %add3A_157 = arith.constant 2 : i32
      %add3A_158 = arith.addi %mul3A_139, %add3A_157 : i32
      %add3A_159 = vector.broadcast %add3A_158 : i32 to vector<16xi32>
      %add3A_160 = arith.addi %mul3A_3, %add3A_159 : vector<16xi32>
      %gather3A_161 = tpu.vector_load_idx %arg6[%add3A_156] : memref<3072xf32, #tpu.memory_space<vmem>>[vector<16xi32>], vector<16xf32>,
      tpu.vector_store_idx %arg9[%add3A_160], %gather3A_161 : memref<49152xf32, #tpu.memory_space<vmem>>[vector<16xi32>], vector<16xf32>,
      %gather3A_162 = tpu.vector_load_idx %arg7[%add3A_156] : memref<3072xf32, #tpu.memory_space<vmem>>[vector<16xi32>], vector<16xf32>,
      tpu.vector_store_idx %arg10[%add3A_160], %gather3A_162 : memref<49152xf32, #tpu.memory_space<vmem>>[vector<16xi32>], vector<16xf32>,
      %mul3A_163 = arith.constant 2 : i32
      %mul3A_164 = arith.muli %scan3A_127, %mul3A_163 : i32
      %add3A_165 = arith.constant 1 : i32
      %add3A_166 = arith.addi %mul3A_164, %add3A_165 : i32
      %mul3A_167 = arith.constant 16 : i32
      %mul3A_168 = arith.muli %add3A_166, %mul3A_167 : i32
      %get3A_169 = arith.index_cast %mul3A_168 : i32 to index
      %get3A_170 = tpu.vector_load %arg8[%get3A_169] {strides = array<i32>} : memref<16384xi32, #tpu.memory_space<vmem>>, vector<16xi32>,
      %mul3A_171 = arith.constant 3 : i32
      %mul3A_172 = vector.broadcast %mul3A_171 : i32 to vector<16xi32>
      %mul3A_173 = arith.muli %get3A_170, %mul3A_172 : vector<16xi32>
      %mul3A_174 = arith.constant 48 : i32
      %mul3A_175 = arith.muli %add3A_166, %mul3A_174 : i32
      %add3A_176 = arith.constant 0 : i32
      %add3A_177 = arith.addi %mul3A_175, %add3A_176 : i32
      %add3A_178 = vector.broadcast %add3A_177 : i32 to vector<16xi32>
      %add3A_179 = arith.addi %mul3A_3, %add3A_178 : vector<16xi32>
      %gather3A_180 = tpu.vector_load_idx %arg6[%mul3A_173] : memref<3072xf32, #tpu.memory_space<vmem>>[vector<16xi32>], vector<16xf32>,
      tpu.vector_store_idx %arg9[%add3A_179], %gather3A_180 : memref<49152xf32, #tpu.memory_space<vmem>>[vector<16xi32>], vector<16xf32>,
      %gather3A_181 = tpu.vector_load_idx %arg7[%mul3A_173] : memref<3072xf32, #tpu.memory_space<vmem>>[vector<16xi32>], vector<16xf32>,
      tpu.vector_store_idx %arg10[%add3A_179], %gather3A_181 : memref<49152xf32, #tpu.memory_space<vmem>>[vector<16xi32>], vector<16xf32>,
      %add3A_182 = arith.constant 1 : i32
      %add3A_183 = vector.broadcast %add3A_182 : i32 to vector<16xi32>
      %add3A_184 = arith.addi %mul3A_173, %add3A_183 : vector<16xi32>
      %add3A_185 = arith.constant 1 : i32
      %add3A_186 = arith.addi %mul3A_175, %add3A_185 : i32
      %add3A_187 = vector.broadcast %add3A_186 : i32 to vector<16xi32>
      %add3A_188 = arith.addi %mul3A_3, %add3A_187 : vector<16xi32>
      %gather3A_189 = tpu.vector_load_idx %arg6[%add3A_184] : memref<3072xf32, #tpu.memory_space<vmem>>[vector<16xi32>], vector<16xf32>,
      tpu.vector_store_idx %arg9[%add3A_188], %gather3A_189 : memref<49152xf32, #tpu.memory_space<vmem>>[vector<16xi32>], vector<16xf32>,
      %gather3A_190 = tpu.vector_load_idx %arg7[%add3A_184] : memref<3072xf32, #tpu.memory_space<vmem>>[vector<16xi32>], vector<16xf32>,
      tpu.vector_store_idx %arg10[%add3A_188], %gather3A_190 : memref<49152xf32, #tpu.memory_space<vmem>>[vector<16xi32>], vector<16xf32>,
      %add3A_191 = arith.constant 2 : i32
      %add3A_192 = vector.broadcast %add3A_191 : i32 to vector<16xi32>
      %add3A_193 = arith.addi %mul3A_173, %add3A_192 : vector<16xi32>
      %add3A_194 = arith.constant 2 : i32
      %add3A_195 = arith.addi %mul3A_175, %add3A_194 : i32
      %add3A_196 = vector.broadcast %add3A_195 : i32 to vector<16xi32>
      %add3A_197 = arith.addi %mul3A_3, %add3A_196 : vector<16xi32>
      %gather3A_198 = tpu.vector_load_idx %arg6[%add3A_193] : memref<3072xf32, #tpu.memory_space<vmem>>[vector<16xi32>], vector<16xf32>,
      tpu.vector_store_idx %arg9[%add3A_197], %gather3A_198 : memref<49152xf32, #tpu.memory_space<vmem>>[vector<16xi32>], vector<16xf32>,
      %gather3A_199 = tpu.vector_load_idx %arg7[%add3A_193] : memref<3072xf32, #tpu.memory_space<vmem>>[vector<16xi32>], vector<16xf32>,
      tpu.vector_store_idx %arg10[%add3A_197], %gather3A_199 : memref<49152xf32, #tpu.memory_space<vmem>>[vector<16xi32>], vector<16xf32>,
    }
    %scan3A_110 = arith.constant 512 : i32
    "tpu.region"() ({
      %run_scoped3A = tpu.sem_alloc : memref<!tpu.dma_semaphore, #tpu.memory_space<semaphore_mem>>
      %dma_start3A = arith.constant 0 : i32
      %dma_start3A_127 = tpu.memref_slice %arg4[%add3A_98, %dma_start3A] : memref<256x49152xf32, #tpu.memory_space<hbm>> -> memref<1x49152xf32, #tpu.memory_space<hbm>>
      %dma_start3A_128 = tpu.memref_squeeze %dma_start3A_127 : memref<1x49152xf32, #tpu.memory_space<hbm>> -> memref<49152xf32, #tpu.memory_space<hbm>>
      %dma_start3A_129 = arith.constant 0 : i32
      %dma_start3A_130 = tpu.memref_slice %arg4[%add3A_98, %dma_start3A_129] : memref<256x49152xf32, #tpu.memory_space<hbm>> -> memref<1x49152xf32, #tpu.memory_space<hbm>>
      %dma_start3A_131 = tpu.memref_squeeze %dma_start3A_130 : memref<1x49152xf32, #tpu.memory_space<hbm>> -> memref<49152xf32, #tpu.memory_space<hbm>>
      tpu.enqueue_dma source(%arg9 : memref<49152xf32, #tpu.memory_space<vmem>>) target(%dma_start3A_131 : memref<49152xf32, #tpu.memory_space<hbm>>) target_semaphore(%run_scoped3A : memref<!tpu.dma_semaphore, #tpu.memory_space<semaphore_mem>>)
      %dma_wait3A = arith.constant 0 : i32
      %dma_wait3A_132 = tpu.memref_slice %arg4[%add3A_98, %dma_wait3A] : memref<256x49152xf32, #tpu.memory_space<hbm>> -> memref<1x49152xf32, #tpu.memory_space<hbm>>
      %dma_wait3A_133 = tpu.memref_squeeze %dma_wait3A_132 : memref<1x49152xf32, #tpu.memory_space<hbm>> -> memref<49152xf32, #tpu.memory_space<hbm>>
      %dma_wait3A_134 = arith.constant 0 : i32
      %dma_wait3A_135 = tpu.memref_slice %arg4[%add3A_98, %dma_wait3A_134] : memref<256x49152xf32, #tpu.memory_space<hbm>> -> memref<1x49152xf32, #tpu.memory_space<hbm>>
      %dma_wait3A_136 = tpu.memref_squeeze %dma_wait3A_135 : memref<1x49152xf32, #tpu.memory_space<hbm>> -> memref<49152xf32, #tpu.memory_space<hbm>>
      tpu.wait_dma2 semaphore(%run_scoped3A : memref<!tpu.dma_semaphore, #tpu.memory_space<semaphore_mem>>) src(%arg9 : memref<49152xf32, #tpu.memory_space<vmem>>) dst(%dma_wait3A_136 : memref<49152xf32, #tpu.memory_space<hbm>>)
      tpu.yield
    }) : () -> ()
    "tpu.region"() ({
      %run_scoped3A = tpu.sem_alloc : memref<!tpu.dma_semaphore, #tpu.memory_space<semaphore_mem>>
      %dma_start3A = arith.constant 0 : i32
      %dma_start3A_127 = tpu.memref_slice %arg5[%add3A_98, %dma_start3A] : memref<256x49152xf32, #tpu.memory_space<hbm>> -> memref<1x49152xf32, #tpu.memory_space<hbm>>
      %dma_start3A_128 = tpu.memref_squeeze %dma_start3A_127 : memref<1x49152xf32, #tpu.memory_space<hbm>> -> memref<49152xf32, #tpu.memory_space<hbm>>
      %dma_start3A_129 = arith.constant 0 : i32
      %dma_start3A_130 = tpu.memref_slice %arg5[%add3A_98, %dma_start3A_129] : memref<256x49152xf32, #tpu.memory_space<hbm>> -> memref<1x49152xf32, #tpu.memory_space<hbm>>
      %dma_start3A_131 = tpu.memref_squeeze %dma_start3A_130 : memref<1x49152xf32, #tpu.memory_space<hbm>> -> memref<49152xf32, #tpu.memory_space<hbm>>
      tpu.enqueue_dma source(%arg10 : memref<49152xf32, #tpu.memory_space<vmem>>) target(%dma_start3A_131 : memref<49152xf32, #tpu.memory_space<hbm>>) target_semaphore(%run_scoped3A : memref<!tpu.dma_semaphore, #tpu.memory_space<semaphore_mem>>)
      %dma_wait3A = arith.constant 0 : i32
      %dma_wait3A_132 = tpu.memref_slice %arg5[%add3A_98, %dma_wait3A] : memref<256x49152xf32, #tpu.memory_space<hbm>> -> memref<1x49152xf32, #tpu.memory_space<hbm>>
      %dma_wait3A_133 = tpu.memref_squeeze %dma_wait3A_132 : memref<1x49152xf32, #tpu.memory_space<hbm>> -> memref<49152xf32, #tpu.memory_space<hbm>>
      %dma_wait3A_134 = arith.constant 0 : i32
      %dma_wait3A_135 = tpu.memref_slice %arg5[%add3A_98, %dma_wait3A_134] : memref<256x49152xf32, #tpu.memory_space<hbm>> -> memref<1x49152xf32, #tpu.memory_space<hbm>>
      %dma_wait3A_136 = tpu.memref_squeeze %dma_wait3A_135 : memref<1x49152xf32, #tpu.memory_space<hbm>> -> memref<49152xf32, #tpu.memory_space<hbm>>
      tpu.wait_dma2 semaphore(%run_scoped3A : memref<!tpu.dma_semaphore, #tpu.memory_space<semaphore_mem>>) src(%arg10 : memref<49152xf32, #tpu.memory_space<vmem>>) dst(%dma_wait3A_136 : memref<49152xf32, #tpu.memory_space<hbm>>)
      tpu.yield
    }) : () -> ()
    %mul3A_111 = arith.constant 8 : i32
    %mul3A_112 = arith.muli %add3A, %mul3A_111 : i32
    %add3A_113 = arith.constant 7 : i32
    %add3A_114 = arith.addi %mul3A_112, %add3A_113 : i32
    %rem3A_115 = arith.constant 32 : i32
    %rem3A_116 = arith.remsi %add3A_114, %rem3A_115 : i32
    %eq3A_117 = arith.constant 0 : i32
    %eq3A_118 = arith.cmpi eq, %rem3A_116, %eq3A_117 : i32
    %sub3A_119 = arith.constant 1 : i32
    %sub3A_120 = arith.subi %add3A_114, %sub3A_119 : i32
    %select_n3A_121 = arith.select %eq3A_118, %add3A_114, %sub3A_120 : i32
    "tpu.region"() ({
      %run_scoped3A = tpu.sem_alloc : memref<!tpu.dma_semaphore, #tpu.memory_space<semaphore_mem>>
      %dma_start3A = arith.constant 0 : i32
      %dma_start3A_127 = tpu.memref_slice %arg2[%add3A_114, %dma_start3A] : memref<256x3072xf32, #tpu.memory_space<hbm>> -> memref<1x3072xf32, #tpu.memory_space<hbm>>
      %dma_start3A_128 = tpu.memref_squeeze %dma_start3A_127 : memref<1x3072xf32, #tpu.memory_space<hbm>> -> memref<3072xf32, #tpu.memory_space<hbm>>
      %dma_start3A_129 = arith.constant 0 : i32
      %dma_start3A_130 = tpu.memref_slice %arg2[%add3A_114, %dma_start3A_129] : memref<256x3072xf32, #tpu.memory_space<hbm>> -> memref<1x3072xf32, #tpu.memory_space<hbm>>
      %dma_start3A_131 = tpu.memref_squeeze %dma_start3A_130 : memref<1x3072xf32, #tpu.memory_space<hbm>> -> memref<3072xf32, #tpu.memory_space<hbm>>
      tpu.enqueue_dma source(%dma_start3A_131 : memref<3072xf32, #tpu.memory_space<hbm>>) target(%arg6 : memref<3072xf32, #tpu.memory_space<vmem>>) target_semaphore(%run_scoped3A : memref<!tpu.dma_semaphore, #tpu.memory_space<semaphore_mem>>)
      %dma_wait3A = arith.constant 0 : i32
      %dma_wait3A_132 = tpu.memref_slice %arg2[%add3A_114, %dma_wait3A] : memref<256x3072xf32, #tpu.memory_space<hbm>> -> memref<1x3072xf32, #tpu.memory_space<hbm>>
      %dma_wait3A_133 = tpu.memref_squeeze %dma_wait3A_132 : memref<1x3072xf32, #tpu.memory_space<hbm>> -> memref<3072xf32, #tpu.memory_space<hbm>>
      %dma_wait3A_134 = arith.constant 0 : i32
      %dma_wait3A_135 = tpu.memref_slice %arg2[%add3A_114, %dma_wait3A_134] : memref<256x3072xf32, #tpu.memory_space<hbm>> -> memref<1x3072xf32, #tpu.memory_space<hbm>>
      %dma_wait3A_136 = tpu.memref_squeeze %dma_wait3A_135 : memref<1x3072xf32, #tpu.memory_space<hbm>> -> memref<3072xf32, #tpu.memory_space<hbm>>
      tpu.wait_dma2 semaphore(%run_scoped3A : memref<!tpu.dma_semaphore, #tpu.memory_space<semaphore_mem>>) src(%dma_wait3A_136 : memref<3072xf32, #tpu.memory_space<hbm>>) dst(%arg6 : memref<3072xf32, #tpu.memory_space<vmem>>)
      tpu.yield
    }) : () -> ()
    "tpu.region"() ({
      %run_scoped3A = tpu.sem_alloc : memref<!tpu.dma_semaphore, #tpu.memory_space<semaphore_mem>>
      %dma_start3A = arith.constant 0 : i32
      %dma_start3A_127 = tpu.memref_slice %arg2[%select_n3A_121, %dma_start3A] : memref<256x3072xf32, #tpu.memory_space<hbm>> -> memref<1x3072xf32, #tpu.memory_space<hbm>>
      %dma_start3A_128 = tpu.memref_squeeze %dma_start3A_127 : memref<1x3072xf32, #tpu.memory_space<hbm>> -> memref<3072xf32, #tpu.memory_space<hbm>>
      %dma_start3A_129 = arith.constant 0 : i32
      %dma_start3A_130 = tpu.memref_slice %arg2[%select_n3A_121, %dma_start3A_129] : memref<256x3072xf32, #tpu.memory_space<hbm>> -> memref<1x3072xf32, #tpu.memory_space<hbm>>
      %dma_start3A_131 = tpu.memref_squeeze %dma_start3A_130 : memref<1x3072xf32, #tpu.memory_space<hbm>> -> memref<3072xf32, #tpu.memory_space<hbm>>
      tpu.enqueue_dma source(%dma_start3A_131 : memref<3072xf32, #tpu.memory_space<hbm>>) target(%arg7 : memref<3072xf32, #tpu.memory_space<vmem>>) target_semaphore(%run_scoped3A : memref<!tpu.dma_semaphore, #tpu.memory_space<semaphore_mem>>)
      %dma_wait3A = arith.constant 0 : i32
      %dma_wait3A_132 = tpu.memref_slice %arg2[%select_n3A_121, %dma_wait3A] : memref<256x3072xf32, #tpu.memory_space<hbm>> -> memref<1x3072xf32, #tpu.memory_space<hbm>>
      %dma_wait3A_133 = tpu.memref_squeeze %dma_wait3A_132 : memref<1x3072xf32, #tpu.memory_space<hbm>> -> memref<3072xf32, #tpu.memory_space<hbm>>
      %dma_wait3A_134 = arith.constant 0 : i32
      %dma_wait3A_135 = tpu.memref_slice %arg2[%select_n3A_121, %dma_wait3A_134] : memref<256x3072xf32, #tpu.memory_space<hbm>> -> memref<1x3072xf32, #tpu.memory_space<hbm>>
      %dma_wait3A_136 = tpu.memref_squeeze %dma_wait3A_135 : memref<1x3072xf32, #tpu.memory_space<hbm>> -> memref<3072xf32, #tpu.memory_space<hbm>>
      tpu.wait_dma2 semaphore(%run_scoped3A : memref<!tpu.dma_semaphore, #tpu.memory_space<semaphore_mem>>) src(%dma_wait3A_136 : memref<3072xf32, #tpu.memory_space<hbm>>) dst(%arg7 : memref<3072xf32, #tpu.memory_space<vmem>>)
      tpu.yield
    }) : () -> ()
    "tpu.region"() ({
      %run_scoped3A = tpu.sem_alloc : memref<!tpu.dma_semaphore, #tpu.memory_space<semaphore_mem>>
      %dma_start3A = arith.constant 0 : i32
      %dma_start3A_127 = tpu.memref_slice %arg3[%add3A_114, %dma_start3A] : memref<256x16384xi32, #tpu.memory_space<hbm>> -> memref<1x16384xi32, #tpu.memory_space<hbm>>
      %dma_start3A_128 = tpu.memref_squeeze %dma_start3A_127 : memref<1x16384xi32, #tpu.memory_space<hbm>> -> memref<16384xi32, #tpu.memory_space<hbm>>
      %dma_start3A_129 = arith.constant 0 : i32
      %dma_start3A_130 = tpu.memref_slice %arg3[%add3A_114, %dma_start3A_129] : memref<256x16384xi32, #tpu.memory_space<hbm>> -> memref<1x16384xi32, #tpu.memory_space<hbm>>
      %dma_start3A_131 = tpu.memref_squeeze %dma_start3A_130 : memref<1x16384xi32, #tpu.memory_space<hbm>> -> memref<16384xi32, #tpu.memory_space<hbm>>
      tpu.enqueue_dma source(%dma_start3A_131 : memref<16384xi32, #tpu.memory_space<hbm>>) target(%arg8 : memref<16384xi32, #tpu.memory_space<vmem>>) target_semaphore(%run_scoped3A : memref<!tpu.dma_semaphore, #tpu.memory_space<semaphore_mem>>)
      %dma_wait3A = arith.constant 0 : i32
      %dma_wait3A_132 = tpu.memref_slice %arg3[%add3A_114, %dma_wait3A] : memref<256x16384xi32, #tpu.memory_space<hbm>> -> memref<1x16384xi32, #tpu.memory_space<hbm>>
      %dma_wait3A_133 = tpu.memref_squeeze %dma_wait3A_132 : memref<1x16384xi32, #tpu.memory_space<hbm>> -> memref<16384xi32, #tpu.memory_space<hbm>>
      %dma_wait3A_134 = arith.constant 0 : i32
      %dma_wait3A_135 = tpu.memref_slice %arg3[%add3A_114, %dma_wait3A_134] : memref<256x16384xi32, #tpu.memory_space<hbm>> -> memref<1x16384xi32, #tpu.memory_space<hbm>>
      %dma_wait3A_136 = tpu.memref_squeeze %dma_wait3A_135 : memref<1x16384xi32, #tpu.memory_space<hbm>> -> memref<16384xi32, #tpu.memory_space<hbm>>
      tpu.wait_dma2 semaphore(%run_scoped3A : memref<!tpu.dma_semaphore, #tpu.memory_space<semaphore_mem>>) src(%dma_wait3A_136 : memref<16384xi32, #tpu.memory_space<hbm>>) dst(%arg8 : memref<16384xi32, #tpu.memory_space<vmem>>)
      tpu.yield
    }) : () -> ()
    %scan3A_122 = arith.constant 0 : i32
    %scan3A_123 = arith.constant 512 : i32
    %scan3A_124 = arith.addi %scan3A_122, %scan3A_123 : i32
    %scan3A_125 = arith.constant 1 : i32
    scf.for %scan3A_127 = %scan3A_122 to %scan3A_124 step %scan3A_125  : i32 {
      %mul3A_128 = arith.constant 2 : i32
      %mul3A_129 = arith.muli %scan3A_127, %mul3A_128 : i32
      %add3A_130 = arith.constant 0 : i32
      %add3A_131 = arith.addi %mul3A_129, %add3A_130 : i32
      %mul3A_132 = arith.constant 16 : i32
      %mul3A_133 = arith.muli %add3A_131, %mul3A_132 : i32
      %get3A = arith.index_cast %mul3A_133 : i32 to index
      %get3A_134 = tpu.vector_load %arg8[%get3A] {strides = array<i32>} : memref<16384xi32, #tpu.memory_space<vmem>>, vector<16xi32>,
      %mul3A_135 = arith.constant 3 : i32
      %mul3A_136 = vector.broadcast %mul3A_135 : i32 to vector<16xi32>
      %mul3A_137 = arith.muli %get3A_134, %mul3A_136 : vector<16xi32>
      %mul3A_138 = arith.constant 48 : i32
      %mul3A_139 = arith.muli %add3A_131, %mul3A_138 : i32
      %add3A_140 = arith.constant 0 : i32
      %add3A_141 = arith.addi %mul3A_139, %add3A_140 : i32
      %add3A_142 = vector.broadcast %add3A_141 : i32 to vector<16xi32>
      %add3A_143 = arith.addi %mul3A_3, %add3A_142 : vector<16xi32>
      %gather3A = tpu.vector_load_idx %arg6[%mul3A_137] : memref<3072xf32, #tpu.memory_space<vmem>>[vector<16xi32>], vector<16xf32>,
      tpu.vector_store_idx %arg9[%add3A_143], %gather3A : memref<49152xf32, #tpu.memory_space<vmem>>[vector<16xi32>], vector<16xf32>,
      %gather3A_144 = tpu.vector_load_idx %arg7[%mul3A_137] : memref<3072xf32, #tpu.memory_space<vmem>>[vector<16xi32>], vector<16xf32>,
      tpu.vector_store_idx %arg10[%add3A_143], %gather3A_144 : memref<49152xf32, #tpu.memory_space<vmem>>[vector<16xi32>], vector<16xf32>,
      %add3A_145 = arith.constant 1 : i32
      %add3A_146 = vector.broadcast %add3A_145 : i32 to vector<16xi32>
      %add3A_147 = arith.addi %mul3A_137, %add3A_146 : vector<16xi32>
      %add3A_148 = arith.constant 1 : i32
      %add3A_149 = arith.addi %mul3A_139, %add3A_148 : i32
      %add3A_150 = vector.broadcast %add3A_149 : i32 to vector<16xi32>
      %add3A_151 = arith.addi %mul3A_3, %add3A_150 : vector<16xi32>
      %gather3A_152 = tpu.vector_load_idx %arg6[%add3A_147] : memref<3072xf32, #tpu.memory_space<vmem>>[vector<16xi32>], vector<16xf32>,
      tpu.vector_store_idx %arg9[%add3A_151], %gather3A_152 : memref<49152xf32, #tpu.memory_space<vmem>>[vector<16xi32>], vector<16xf32>,
      %gather3A_153 = tpu.vector_load_idx %arg7[%add3A_147] : memref<3072xf32, #tpu.memory_space<vmem>>[vector<16xi32>], vector<16xf32>,
      tpu.vector_store_idx %arg10[%add3A_151], %gather3A_153 : memref<49152xf32, #tpu.memory_space<vmem>>[vector<16xi32>], vector<16xf32>,
      %add3A_154 = arith.constant 2 : i32
      %add3A_155 = vector.broadcast %add3A_154 : i32 to vector<16xi32>
      %add3A_156 = arith.addi %mul3A_137, %add3A_155 : vector<16xi32>
      %add3A_157 = arith.constant 2 : i32
      %add3A_158 = arith.addi %mul3A_139, %add3A_157 : i32
      %add3A_159 = vector.broadcast %add3A_158 : i32 to vector<16xi32>
      %add3A_160 = arith.addi %mul3A_3, %add3A_159 : vector<16xi32>
      %gather3A_161 = tpu.vector_load_idx %arg6[%add3A_156] : memref<3072xf32, #tpu.memory_space<vmem>>[vector<16xi32>], vector<16xf32>,
      tpu.vector_store_idx %arg9[%add3A_160], %gather3A_161 : memref<49152xf32, #tpu.memory_space<vmem>>[vector<16xi32>], vector<16xf32>,
      %gather3A_162 = tpu.vector_load_idx %arg7[%add3A_156] : memref<3072xf32, #tpu.memory_space<vmem>>[vector<16xi32>], vector<16xf32>,
      tpu.vector_store_idx %arg10[%add3A_160], %gather3A_162 : memref<49152xf32, #tpu.memory_space<vmem>>[vector<16xi32>], vector<16xf32>,
      %mul3A_163 = arith.constant 2 : i32
      %mul3A_164 = arith.muli %scan3A_127, %mul3A_163 : i32
      %add3A_165 = arith.constant 1 : i32
      %add3A_166 = arith.addi %mul3A_164, %add3A_165 : i32
      %mul3A_167 = arith.constant 16 : i32
      %mul3A_168 = arith.muli %add3A_166, %mul3A_167 : i32
      %get3A_169 = arith.index_cast %mul3A_168 : i32 to index
      %get3A_170 = tpu.vector_load %arg8[%get3A_169] {strides = array<i32>} : memref<16384xi32, #tpu.memory_space<vmem>>, vector<16xi32>,
      %mul3A_171 = arith.constant 3 : i32
      %mul3A_172 = vector.broadcast %mul3A_171 : i32 to vector<16xi32>
      %mul3A_173 = arith.muli %get3A_170, %mul3A_172 : vector<16xi32>
      %mul3A_174 = arith.constant 48 : i32
      %mul3A_175 = arith.muli %add3A_166, %mul3A_174 : i32
      %add3A_176 = arith.constant 0 : i32
      %add3A_177 = arith.addi %mul3A_175, %add3A_176 : i32
      %add3A_178 = vector.broadcast %add3A_177 : i32 to vector<16xi32>
      %add3A_179 = arith.addi %mul3A_3, %add3A_178 : vector<16xi32>
      %gather3A_180 = tpu.vector_load_idx %arg6[%mul3A_173] : memref<3072xf32, #tpu.memory_space<vmem>>[vector<16xi32>], vector<16xf32>,
      tpu.vector_store_idx %arg9[%add3A_179], %gather3A_180 : memref<49152xf32, #tpu.memory_space<vmem>>[vector<16xi32>], vector<16xf32>,
      %gather3A_181 = tpu.vector_load_idx %arg7[%mul3A_173] : memref<3072xf32, #tpu.memory_space<vmem>>[vector<16xi32>], vector<16xf32>,
      tpu.vector_store_idx %arg10[%add3A_179], %gather3A_181 : memref<49152xf32, #tpu.memory_space<vmem>>[vector<16xi32>], vector<16xf32>,
      %add3A_182 = arith.constant 1 : i32
      %add3A_183 = vector.broadcast %add3A_182 : i32 to vector<16xi32>
      %add3A_184 = arith.addi %mul3A_173, %add3A_183 : vector<16xi32>
      %add3A_185 = arith.constant 1 : i32
      %add3A_186 = arith.addi %mul3A_175, %add3A_185 : i32
      %add3A_187 = vector.broadcast %add3A_186 : i32 to vector<16xi32>
      %add3A_188 = arith.addi %mul3A_3, %add3A_187 : vector<16xi32>
      %gather3A_189 = tpu.vector_load_idx %arg6[%add3A_184] : memref<3072xf32, #tpu.memory_space<vmem>>[vector<16xi32>], vector<16xf32>,
      tpu.vector_store_idx %arg9[%add3A_188], %gather3A_189 : memref<49152xf32, #tpu.memory_space<vmem>>[vector<16xi32>], vector<16xf32>,
      %gather3A_190 = tpu.vector_load_idx %arg7[%add3A_184] : memref<3072xf32, #tpu.memory_space<vmem>>[vector<16xi32>], vector<16xf32>,
      tpu.vector_store_idx %arg10[%add3A_188], %gather3A_190 : memref<49152xf32, #tpu.memory_space<vmem>>[vector<16xi32>], vector<16xf32>,
      %add3A_191 = arith.constant 2 : i32
      %add3A_192 = vector.broadcast %add3A_191 : i32 to vector<16xi32>
      %add3A_193 = arith.addi %mul3A_173, %add3A_192 : vector<16xi32>
      %add3A_194 = arith.constant 2 : i32
      %add3A_195 = arith.addi %mul3A_175, %add3A_194 : i32
      %add3A_196 = vector.broadcast %add3A_195 : i32 to vector<16xi32>
      %add3A_197 = arith.addi %mul3A_3, %add3A_196 : vector<16xi32>
      %gather3A_198 = tpu.vector_load_idx %arg6[%add3A_193] : memref<3072xf32, #tpu.memory_space<vmem>>[vector<16xi32>], vector<16xf32>,
      tpu.vector_store_idx %arg9[%add3A_197], %gather3A_198 : memref<49152xf32, #tpu.memory_space<vmem>>[vector<16xi32>], vector<16xf32>,
      %gather3A_199 = tpu.vector_load_idx %arg7[%add3A_193] : memref<3072xf32, #tpu.memory_space<vmem>>[vector<16xi32>], vector<16xf32>,
      tpu.vector_store_idx %arg10[%add3A_197], %gather3A_199 : memref<49152xf32, #tpu.memory_space<vmem>>[vector<16xi32>], vector<16xf32>,
    }
    %scan3A_126 = arith.constant 512 : i32
    "tpu.region"() ({
      %run_scoped3A = tpu.sem_alloc : memref<!tpu.dma_semaphore, #tpu.memory_space<semaphore_mem>>
      %dma_start3A = arith.constant 0 : i32
      %dma_start3A_127 = tpu.memref_slice %arg4[%add3A_114, %dma_start3A] : memref<256x49152xf32, #tpu.memory_space<hbm>> -> memref<1x49152xf32, #tpu.memory_space<hbm>>
      %dma_start3A_128 = tpu.memref_squeeze %dma_start3A_127 : memref<1x49152xf32, #tpu.memory_space<hbm>> -> memref<49152xf32, #tpu.memory_space<hbm>>
      %dma_start3A_129 = arith.constant 0 : i32
      %dma_start3A_130 = tpu.memref_slice %arg4[%add3A_114, %dma_start3A_129] : memref<256x49152xf32, #tpu.memory_space<hbm>> -> memref<1x49152xf32, #tpu.memory_space<hbm>>
      %dma_start3A_131 = tpu.memref_squeeze %dma_start3A_130 : memref<1x49152xf32, #tpu.memory_space<hbm>> -> memref<49152xf32, #tpu.memory_space<hbm>>
      tpu.enqueue_dma source(%arg9 : memref<49152xf32, #tpu.memory_space<vmem>>) target(%dma_start3A_131 : memref<49152xf32, #tpu.memory_space<hbm>>) target_semaphore(%run_scoped3A : memref<!tpu.dma_semaphore, #tpu.memory_space<semaphore_mem>>)
      %dma_wait3A = arith.constant 0 : i32
      %dma_wait3A_132 = tpu.memref_slice %arg4[%add3A_114, %dma_wait3A] : memref<256x49152xf32, #tpu.memory_space<hbm>> -> memref<1x49152xf32, #tpu.memory_space<hbm>>
      %dma_wait3A_133 = tpu.memref_squeeze %dma_wait3A_132 : memref<1x49152xf32, #tpu.memory_space<hbm>> -> memref<49152xf32, #tpu.memory_space<hbm>>
      %dma_wait3A_134 = arith.constant 0 : i32
      %dma_wait3A_135 = tpu.memref_slice %arg4[%add3A_114, %dma_wait3A_134] : memref<256x49152xf32, #tpu.memory_space<hbm>> -> memref<1x49152xf32, #tpu.memory_space<hbm>>
      %dma_wait3A_136 = tpu.memref_squeeze %dma_wait3A_135 : memref<1x49152xf32, #tpu.memory_space<hbm>> -> memref<49152xf32, #tpu.memory_space<hbm>>
      tpu.wait_dma2 semaphore(%run_scoped3A : memref<!tpu.dma_semaphore, #tpu.memory_space<semaphore_mem>>) src(%arg9 : memref<49152xf32, #tpu.memory_space<vmem>>) dst(%dma_wait3A_136 : memref<49152xf32, #tpu.memory_space<hbm>>)
      tpu.yield
    }) : () -> ()
    "tpu.region"() ({
      %run_scoped3A = tpu.sem_alloc : memref<!tpu.dma_semaphore, #tpu.memory_space<semaphore_mem>>
      %dma_start3A = arith.constant 0 : i32
      %dma_start3A_127 = tpu.memref_slice %arg5[%add3A_114, %dma_start3A] : memref<256x49152xf32, #tpu.memory_space<hbm>> -> memref<1x49152xf32, #tpu.memory_space<hbm>>
      %dma_start3A_128 = tpu.memref_squeeze %dma_start3A_127 : memref<1x49152xf32, #tpu.memory_space<hbm>> -> memref<49152xf32, #tpu.memory_space<hbm>>
      %dma_start3A_129 = arith.constant 0 : i32
      %dma_start3A_130 = tpu.memref_slice %arg5[%add3A_114, %dma_start3A_129] : memref<256x49152xf32, #tpu.memory_space<hbm>> -> memref<1x49152xf32, #tpu.memory_space<hbm>>
      %dma_start3A_131 = tpu.memref_squeeze %dma_start3A_130 : memref<1x49152xf32, #tpu.memory_space<hbm>> -> memref<49152xf32, #tpu.memory_space<hbm>>
      tpu.enqueue_dma source(%arg10 : memref<49152xf32, #tpu.memory_space<vmem>>) target(%dma_start3A_131 : memref<49152xf32, #tpu.memory_space<hbm>>) target_semaphore(%run_scoped3A : memref<!tpu.dma_semaphore, #tpu.memory_space<semaphore_mem>>)
      %dma_wait3A = arith.constant 0 : i32
      %dma_wait3A_132 = tpu.memref_slice %arg5[%add3A_114, %dma_wait3A] : memref<256x49152xf32, #tpu.memory_space<hbm>> -> memref<1x49152xf32, #tpu.memory_space<hbm>>
      %dma_wait3A_133 = tpu.memref_squeeze %dma_wait3A_132 : memref<1x49152xf32, #tpu.memory_space<hbm>> -> memref<49152xf32, #tpu.memory_space<hbm>>
      %dma_wait3A_134 = arith.constant 0 : i32
      %dma_wait3A_135 = tpu.memref_slice %arg5[%add3A_114, %dma_wait3A_134] : memref<256x49152xf32, #tpu.memory_space<hbm>> -> memref<1x49152xf32, #tpu.memory_space<hbm>>
      %dma_wait3A_136 = tpu.memref_squeeze %dma_wait3A_135 : memref<1x49152xf32, #tpu.memory_space<hbm>> -> memref<49152xf32, #tpu.memory_space<hbm>>
      tpu.wait_dma2 semaphore(%run_scoped3A : memref<!tpu.dma_semaphore, #tpu.memory_space<semaphore_mem>>) src(%arg10 : memref<49152xf32, #tpu.memory_space<vmem>>) dst(%dma_wait3A_136 : memref<49152xf32, #tpu.memory_space<hbm>>)
      tpu.yield
    }) : () -> ()
    return
  }
}

module attributes {stable_mosaic.version = 14 : i64} {
  func.func @_knn_body(%arg0: i32, %arg1: i32, %arg2: memref<1x1x1024x3xf32, #tpu.memory_space<vmem>>, %arg3: memref<1x1x1024x3xf32, #tpu.memory_space<vmem>>, %arg4: memref<1x1x1024x16xf32, #tpu.memory_space<vmem>>, %arg5: memref<1x1x1024x16xi32, #tpu.memory_space<vmem>>, %arg6: memref<1024x3xf32, #tpu.memory_space<vmem>>) attributes {dimension_semantics = [#tpu.dimension_semantics<arbitrary>, #tpu.dimension_semantics<arbitrary>], iteration_bounds = array<i64: 8, 32>, scalar_prefetch = 0 : i64, scratch_operands = 1 : i64, tpu.core_type = #tpu.core_type<tc>, window_params = [{transform_indices = @transform_0, window_bounds = array<i64: 1, 1, 1024, 3>}, {transform_indices = @transform_1, window_bounds = array<i64: 1, 1, 1024, 3>}, {transform_indices = @transform_2, window_bounds = array<i64: 1, 1, 1024, 16>}, {transform_indices = @transform_3, window_bounds = array<i64: 1, 1, 1024, 16>}]} {
    %eq3A = arith.constant 0 : i32
    %eq3A_0 = arith.cmpi eq, %arg1, %eq3A : i32
    %convert_element_type3A = arith.extui %eq3A_0 : i1 to i32
    %cond3A = arith.constant 0 : i32
    %cond3A_1 = arith.cmpi ne, %convert_element_type3A, %cond3A : i32
    scf.if %cond3A_1 {
      %get3A_602 = arith.constant 0 : index
      %get3A_603 = arith.constant 0 : index
      %get3A_604 = arith.constant 0 : index
      %get3A_605 = arith.constant 0 : index
      %get3A_606 = vector.load %arg2[%get3A_602, %get3A_603, %get3A_604, %get3A_605] : memref<1x1x1024x3xf32, #tpu.memory_space<vmem>>, vector<1x1x1024x3xf32>
      %get3A_607 = vector.shape_cast %get3A_606 : vector<1x1x1024x3xf32> to vector<1024x3xf32>
      %swap3A_608 = arith.constant 0 : index
      %swap3A_609 = arith.constant 0 : index
      %swap3A_610 = vector.load %arg6[%swap3A_608, %swap3A_609] : memref<1024x3xf32, #tpu.memory_space<vmem>>, vector<1024x3xf32>
      tpu.vector_store %arg6[%swap3A_608, %swap3A_609], %get3A_607 {strides = array<i32>} : memref<1024x3xf32, #tpu.memory_space<vmem>>, vector<1024x3xf32>,
    } else {
    }
    %get3A = arith.constant 0 : index
    %get3A_2 = arith.constant 0 : index
    %get3A_3 = arith.constant 0 : index
    %get3A_4 = arith.constant 0 : index
    %get3A_5 = vector.load %arg2[%get3A, %get3A_2, %get3A_3, %get3A_4] : memref<1x1x1024x3xf32, #tpu.memory_space<vmem>>, vector<1x1x1024x3xf32>
    %get3A_6 = vector.shape_cast %get3A_5 : vector<1x1x1024x3xf32> to vector<1024x3xf32>
    %transpose3A = tpu.transpose %get3A_6, [1, 0] : vector<1024x3xf32> -> vector<3x1024xf32>
    %slice3A = vector.extract_strided_slice %transpose3A {offsets = [0, 0], sizes = [1, 1024], strides = [1, 1]} : vector<3x1024xf32> to vector<1x1024xf32>
    %slice3A_7 = vector.extract_strided_slice %transpose3A {offsets = [1, 0], sizes = [1, 1024], strides = [1, 1]} : vector<3x1024xf32> to vector<1x1024xf32>
    %slice3A_8 = vector.extract_strided_slice %transpose3A {offsets = [2, 0], sizes = [1, 1024], strides = [1, 1]} : vector<3x1024xf32> to vector<1x1024xf32>
    %get3A_9 = arith.constant 0 : index
    %get3A_10 = arith.constant 0 : index
    %get3A_11 = vector.load %arg6[%get3A_9, %get3A_10] : memref<1024x3xf32, #tpu.memory_space<vmem>>, vector<1024x1xf32>
    %get3A_12 = arith.constant 0 : index
    %get3A_13 = arith.constant 1 : index
    %get3A_14 = vector.load %arg6[%get3A_12, %get3A_13] : memref<1024x3xf32, #tpu.memory_space<vmem>>, vector<1024x1xf32>
    %get3A_15 = arith.constant 0 : index
    %get3A_16 = arith.constant 2 : index
    %get3A_17 = vector.load %arg6[%get3A_15, %get3A_16] : memref<1024x3xf32, #tpu.memory_space<vmem>>, vector<1024x1xf32>
    %sub3A = vector.broadcast %get3A_11 : vector<1024x1xf32> to vector<1024x1024xf32>
    %sub3A_18 = vector.broadcast %slice3A : vector<1x1024xf32> to vector<1024x1024xf32>
    %sub3A_19 = arith.subf %sub3A, %sub3A_18 : vector<1024x1024xf32>
    %sub3A_20 = vector.broadcast %get3A_14 : vector<1024x1xf32> to vector<1024x1024xf32>
    %sub3A_21 = vector.broadcast %slice3A_7 : vector<1x1024xf32> to vector<1024x1024xf32>
    %sub3A_22 = arith.subf %sub3A_20, %sub3A_21 : vector<1024x1024xf32>
    %sub3A_23 = vector.broadcast %get3A_17 : vector<1024x1xf32> to vector<1024x1024xf32>
    %sub3A_24 = vector.broadcast %slice3A_8 : vector<1x1024xf32> to vector<1024x1024xf32>
    %sub3A_25 = arith.subf %sub3A_23, %sub3A_24 : vector<1024x1024xf32>
    %mul3A = arith.mulf %sub3A_19, %sub3A_19 : vector<1024x1024xf32>
    %mul3A_26 = arith.mulf %sub3A_22, %sub3A_22 : vector<1024x1024xf32>
    %add3A = arith.addf %mul3A, %mul3A_26 : vector<1024x1024xf32>
    %mul3A_27 = arith.mulf %sub3A_25, %sub3A_25 : vector<1024x1024xf32>
    %add3A_28 = arith.addf %add3A, %mul3A_27 : vector<1024x1024xf32>
    %iota3A = tpu.iota {dimensions = array<i32: 1>} : vector<1x1024xi32>
    %convert_element_type3A_29 = arith.sitofp %iota3A : vector<1x1024xi32> to vector<1x1024xf32>
    %reduce_min3A = arith.constant dense<0x7F800000> : vector<1024xf32>
    %reduce_min3A_30 = vector.multi_reduction <minimumf>, %add3A_28, %reduce_min3A [1] : vector<1024x1024xf32> to vector<1024xf32>
    %broadcast_in_dim3A = vector.shape_cast %reduce_min3A_30 : vector<1024xf32> to vector<1024x1xf32>
    %eq3A_31 = vector.broadcast %broadcast_in_dim3A : vector<1024x1xf32> to vector<1024x1024xf32>
    %eq3A_32 = arith.cmpf oeq, %add3A_28, %eq3A_31 : vector<1024x1024xf32>
    %jit3A = arith.constant 2.048000e+03 : f32
    %broadcast_in_dim3A_33 = vector.shape_cast %convert_element_type3A_29 : vector<1x1024xf32> to vector<1x1024xf32>
    %broadcast_in_dim3A_34 = vector.broadcast %broadcast_in_dim3A_33 : vector<1x1024xf32> to vector<1024x1024xf32>
    %broadcast_in_dim3A_35 = vector.broadcast %jit3A : f32 to vector<1024x1024xf32>
    %select_n3A = arith.select %eq3A_32, %broadcast_in_dim3A_34, %broadcast_in_dim3A_35 : vector<1024x1024xi1>, vector<1024x1024xf32>
    %reduce_min3A_36 = arith.constant dense<0x7F800000> : vector<1024xf32>
    %reduce_min3A_37 = vector.multi_reduction <minimumf>, %select_n3A, %reduce_min3A_36 [1] : vector<1024x1024xf32> to vector<1024xf32>
    %broadcast_in_dim3A_38 = vector.shape_cast %reduce_min3A_37 : vector<1024xf32> to vector<1024x1xf32>
    %swap3A = arith.constant 0 : index
    %swap3A_39 = arith.constant 0 : index
    %swap3A_40 = arith.constant 0 : index
    %swap3A_41 = arith.constant 0 : index
    %swap3A_42 = vector.load %arg4[%swap3A, %swap3A_39, %swap3A_40, %swap3A_41] : memref<1x1x1024x16xf32, #tpu.memory_space<vmem>>, vector<1x1x1024x1xf32>
    %swap3A_43 = vector.shape_cast %swap3A_42 : vector<1x1x1024x1xf32> to vector<1024x1xf32>
    %swap3A_44 = vector.shape_cast %broadcast_in_dim3A : vector<1024x1xf32> to vector<1x1x1024x1xf32>
    tpu.vector_store %arg4[%swap3A, %swap3A_39, %swap3A_40, %swap3A_41], %swap3A_44 {strides = array<i32>} : memref<1x1x1024x16xf32, #tpu.memory_space<vmem>>, vector<1x1x1024x1xf32>,
    %convert_element_type3A_45 = arith.fptosi %broadcast_in_dim3A_38 : vector<1024x1xf32> to vector<1024x1xi32>
    %swap3A_46 = arith.constant 0 : index
    %swap3A_47 = arith.constant 0 : index
    %swap3A_48 = arith.constant 0 : index
    %swap3A_49 = arith.constant 0 : index
    %swap3A_50 = vector.load %arg5[%swap3A_46, %swap3A_47, %swap3A_48, %swap3A_49] : memref<1x1x1024x16xi32, #tpu.memory_space<vmem>>, vector<1x1x1024x1xi32>
    %swap3A_51 = vector.shape_cast %swap3A_50 : vector<1x1x1024x1xi32> to vector<1024x1xi32>
    %swap3A_52 = vector.shape_cast %convert_element_type3A_45 : vector<1024x1xi32> to vector<1x1x1024x1xi32>
    tpu.vector_store %arg5[%swap3A_46, %swap3A_47, %swap3A_48, %swap3A_49], %swap3A_52 {strides = array<i32>} : memref<1x1x1024x16xi32, #tpu.memory_space<vmem>>, vector<1x1x1024x1xi32>,
    %eq3A_53 = vector.broadcast %broadcast_in_dim3A_38 : vector<1024x1xf32> to vector<1024x1024xf32>
    %eq3A_54 = arith.cmpf oeq, %select_n3A, %eq3A_53 : vector<1024x1024xf32>
    %jit3A_55 = arith.constant 0x7F800000 : f32
    %broadcast_in_dim3A_56 = vector.shape_cast %slice3A : vector<1x1024xf32> to vector<1x1024xf32>
    %broadcast_in_dim3A_57 = vector.broadcast %broadcast_in_dim3A_56 : vector<1x1024xf32> to vector<1024x1024xf32>
    %broadcast_in_dim3A_58 = vector.broadcast %jit3A_55 : f32 to vector<1024x1024xf32>
    %select_n3A_59 = arith.select %eq3A_54, %broadcast_in_dim3A_57, %broadcast_in_dim3A_58 : vector<1024x1024xi1>, vector<1024x1024xf32>
    %reduce_min3A_60 = arith.constant dense<0x7F800000> : vector<1024xf32>
    %reduce_min3A_61 = vector.multi_reduction <minimumf>, %select_n3A_59, %reduce_min3A_60 [1] : vector<1024x1024xf32> to vector<1024xf32>
    %broadcast_in_dim3A_62 = vector.shape_cast %reduce_min3A_61 : vector<1024xf32> to vector<1024x1xf32>
    %jit3A_63 = arith.constant 0x7F800000 : f32
    %broadcast_in_dim3A_64 = vector.shape_cast %slice3A_7 : vector<1x1024xf32> to vector<1x1024xf32>
    %broadcast_in_dim3A_65 = vector.broadcast %broadcast_in_dim3A_64 : vector<1x1024xf32> to vector<1024x1024xf32>
    %broadcast_in_dim3A_66 = vector.broadcast %jit3A_63 : f32 to vector<1024x1024xf32>
    %select_n3A_67 = arith.select %eq3A_54, %broadcast_in_dim3A_65, %broadcast_in_dim3A_66 : vector<1024x1024xi1>, vector<1024x1024xf32>
    %reduce_min3A_68 = arith.constant dense<0x7F800000> : vector<1024xf32>
    %reduce_min3A_69 = vector.multi_reduction <minimumf>, %select_n3A_67, %reduce_min3A_68 [1] : vector<1024x1024xf32> to vector<1024xf32>
    %broadcast_in_dim3A_70 = vector.shape_cast %reduce_min3A_69 : vector<1024xf32> to vector<1024x1xf32>
    %jit3A_71 = arith.constant 0x7F800000 : f32
    %broadcast_in_dim3A_72 = vector.shape_cast %slice3A_8 : vector<1x1024xf32> to vector<1x1024xf32>
    %broadcast_in_dim3A_73 = vector.broadcast %broadcast_in_dim3A_72 : vector<1x1024xf32> to vector<1024x1024xf32>
    %broadcast_in_dim3A_74 = vector.broadcast %jit3A_71 : f32 to vector<1024x1024xf32>
    %select_n3A_75 = arith.select %eq3A_54, %broadcast_in_dim3A_73, %broadcast_in_dim3A_74 : vector<1024x1024xi1>, vector<1024x1024xf32>
    %reduce_min3A_76 = arith.constant dense<0x7F800000> : vector<1024xf32>
    %reduce_min3A_77 = vector.multi_reduction <minimumf>, %select_n3A_75, %reduce_min3A_76 [1] : vector<1024x1024xf32> to vector<1024xf32>
    %broadcast_in_dim3A_78 = vector.shape_cast %reduce_min3A_77 : vector<1024xf32> to vector<1024x1xf32>
    %swap3A_79 = arith.constant 0 : index
    %swap3A_80 = arith.constant 0 : index
    %swap3A_81 = vector.load %arg6[%swap3A_79, %swap3A_80] : memref<1024x3xf32, #tpu.memory_space<vmem>>, vector<1024x1xf32>
    tpu.vector_store %arg6[%swap3A_79, %swap3A_80], %broadcast_in_dim3A_62 {strides = array<i32>} : memref<1024x3xf32, #tpu.memory_space<vmem>>, vector<1024x1xf32>,
    %swap3A_82 = arith.constant 0 : index
    %swap3A_83 = arith.constant 1 : index
    %swap3A_84 = vector.load %arg6[%swap3A_82, %swap3A_83] : memref<1024x3xf32, #tpu.memory_space<vmem>>, vector<1024x1xf32>
    tpu.vector_store %arg6[%swap3A_82, %swap3A_83], %broadcast_in_dim3A_70 {strides = array<i32>} : memref<1024x3xf32, #tpu.memory_space<vmem>>, vector<1024x1xf32>,
    %swap3A_85 = arith.constant 0 : index
    %swap3A_86 = arith.constant 2 : index
    %swap3A_87 = vector.load %arg6[%swap3A_85, %swap3A_86] : memref<1024x3xf32, #tpu.memory_space<vmem>>, vector<1024x1xf32>
    tpu.vector_store %arg6[%swap3A_85, %swap3A_86], %broadcast_in_dim3A_78 {strides = array<i32>} : memref<1024x3xf32, #tpu.memory_space<vmem>>, vector<1024x1xf32>,
    %swap3A_88 = arith.constant 0 : index
    %swap3A_89 = arith.constant 0 : index
    %swap3A_90 = arith.constant 0 : index
    %swap3A_91 = arith.constant 0 : index
    %swap3A_92 = vector.load %arg3[%swap3A_88, %swap3A_89, %swap3A_90, %swap3A_91] : memref<1x1x1024x3xf32, #tpu.memory_space<vmem>>, vector<1x1x1024x1xf32>
    %swap3A_93 = vector.shape_cast %swap3A_92 : vector<1x1x1024x1xf32> to vector<1024x1xf32>
    %swap3A_94 = vector.shape_cast %broadcast_in_dim3A_62 : vector<1024x1xf32> to vector<1x1x1024x1xf32>
    tpu.vector_store %arg3[%swap3A_88, %swap3A_89, %swap3A_90, %swap3A_91], %swap3A_94 {strides = array<i32>} : memref<1x1x1024x3xf32, #tpu.memory_space<vmem>>, vector<1x1x1024x1xf32>,
    %swap3A_95 = arith.constant 0 : index
    %swap3A_96 = arith.constant 0 : index
    %swap3A_97 = arith.constant 0 : index
    %swap3A_98 = arith.constant 1 : index
    %swap3A_99 = vector.load %arg3[%swap3A_95, %swap3A_96, %swap3A_97, %swap3A_98] : memref<1x1x1024x3xf32, #tpu.memory_space<vmem>>, vector<1x1x1024x1xf32>
    %swap3A_100 = vector.shape_cast %swap3A_99 : vector<1x1x1024x1xf32> to vector<1024x1xf32>
    %swap3A_101 = vector.shape_cast %broadcast_in_dim3A_70 : vector<1024x1xf32> to vector<1x1x1024x1xf32>
    tpu.vector_store %arg3[%swap3A_95, %swap3A_96, %swap3A_97, %swap3A_98], %swap3A_101 {strides = array<i32>} : memref<1x1x1024x3xf32, #tpu.memory_space<vmem>>, vector<1x1x1024x1xf32>,
    %swap3A_102 = arith.constant 0 : index
    %swap3A_103 = arith.constant 0 : index
    %swap3A_104 = arith.constant 0 : index
    %swap3A_105 = arith.constant 2 : index
    %swap3A_106 = vector.load %arg3[%swap3A_102, %swap3A_103, %swap3A_104, %swap3A_105] : memref<1x1x1024x3xf32, #tpu.memory_space<vmem>>, vector<1x1x1024x1xf32>
    %swap3A_107 = vector.shape_cast %swap3A_106 : vector<1x1x1024x1xf32> to vector<1024x1xf32>
    %swap3A_108 = vector.shape_cast %broadcast_in_dim3A_78 : vector<1024x1xf32> to vector<1x1x1024x1xf32>
    tpu.vector_store %arg3[%swap3A_102, %swap3A_103, %swap3A_104, %swap3A_105], %swap3A_108 {strides = array<i32>} : memref<1x1x1024x3xf32, #tpu.memory_space<vmem>>, vector<1x1x1024x1xf32>,
    %jit3A_109 = arith.constant 0x7F800000 : f32
    %broadcast_in_dim3A_110 = vector.broadcast %jit3A_109 : f32 to vector<1024x1024xf32>
    %select_n3A_111 = arith.select %eq3A_54, %broadcast_in_dim3A_110, %add3A_28 : vector<1024x1024xi1>, vector<1024x1024xf32>
    %reduce_min3A_112 = arith.constant dense<0x7F800000> : vector<1024xf32>
    %reduce_min3A_113 = vector.multi_reduction <minimumf>, %select_n3A_111, %reduce_min3A_112 [1] : vector<1024x1024xf32> to vector<1024xf32>
    %broadcast_in_dim3A_114 = vector.shape_cast %reduce_min3A_113 : vector<1024xf32> to vector<1024x1xf32>
    %eq3A_115 = vector.broadcast %broadcast_in_dim3A_114 : vector<1024x1xf32> to vector<1024x1024xf32>
    %eq3A_116 = arith.cmpf oeq, %select_n3A_111, %eq3A_115 : vector<1024x1024xf32>
    %jit3A_117 = arith.constant 2.048000e+03 : f32
    %broadcast_in_dim3A_118 = vector.shape_cast %convert_element_type3A_29 : vector<1x1024xf32> to vector<1x1024xf32>
    %broadcast_in_dim3A_119 = vector.broadcast %broadcast_in_dim3A_118 : vector<1x1024xf32> to vector<1024x1024xf32>
    %broadcast_in_dim3A_120 = vector.broadcast %jit3A_117 : f32 to vector<1024x1024xf32>
    %select_n3A_121 = arith.select %eq3A_116, %broadcast_in_dim3A_119, %broadcast_in_dim3A_120 : vector<1024x1024xi1>, vector<1024x1024xf32>
    %reduce_min3A_122 = arith.constant dense<0x7F800000> : vector<1024xf32>
    %reduce_min3A_123 = vector.multi_reduction <minimumf>, %select_n3A_121, %reduce_min3A_122 [1] : vector<1024x1024xf32> to vector<1024xf32>
    %broadcast_in_dim3A_124 = vector.shape_cast %reduce_min3A_123 : vector<1024xf32> to vector<1024x1xf32>
    %swap3A_125 = arith.constant 0 : index
    %swap3A_126 = arith.constant 0 : index
    %swap3A_127 = arith.constant 0 : index
    %swap3A_128 = arith.constant 1 : index
    %swap3A_129 = vector.load %arg4[%swap3A_125, %swap3A_126, %swap3A_127, %swap3A_128] : memref<1x1x1024x16xf32, #tpu.memory_space<vmem>>, vector<1x1x1024x1xf32>
    %swap3A_130 = vector.shape_cast %swap3A_129 : vector<1x1x1024x1xf32> to vector<1024x1xf32>
    %swap3A_131 = vector.shape_cast %broadcast_in_dim3A_114 : vector<1024x1xf32> to vector<1x1x1024x1xf32>
    tpu.vector_store %arg4[%swap3A_125, %swap3A_126, %swap3A_127, %swap3A_128], %swap3A_131 {strides = array<i32>} : memref<1x1x1024x16xf32, #tpu.memory_space<vmem>>, vector<1x1x1024x1xf32>,
    %convert_element_type3A_132 = arith.fptosi %broadcast_in_dim3A_124 : vector<1024x1xf32> to vector<1024x1xi32>
    %swap3A_133 = arith.constant 0 : index
    %swap3A_134 = arith.constant 0 : index
    %swap3A_135 = arith.constant 0 : index
    %swap3A_136 = arith.constant 1 : index
    %swap3A_137 = vector.load %arg5[%swap3A_133, %swap3A_134, %swap3A_135, %swap3A_136] : memref<1x1x1024x16xi32, #tpu.memory_space<vmem>>, vector<1x1x1024x1xi32>
    %swap3A_138 = vector.shape_cast %swap3A_137 : vector<1x1x1024x1xi32> to vector<1024x1xi32>
    %swap3A_139 = vector.shape_cast %convert_element_type3A_132 : vector<1024x1xi32> to vector<1x1x1024x1xi32>
    tpu.vector_store %arg5[%swap3A_133, %swap3A_134, %swap3A_135, %swap3A_136], %swap3A_139 {strides = array<i32>} : memref<1x1x1024x16xi32, #tpu.memory_space<vmem>>, vector<1x1x1024x1xi32>,
    %eq3A_140 = vector.broadcast %broadcast_in_dim3A_124 : vector<1024x1xf32> to vector<1024x1024xf32>
    %eq3A_141 = arith.cmpf oeq, %select_n3A_121, %eq3A_140 : vector<1024x1024xf32>
    %jit3A_142 = arith.constant 0x7F800000 : f32
    %broadcast_in_dim3A_143 = vector.broadcast %jit3A_142 : f32 to vector<1024x1024xf32>
    %select_n3A_144 = arith.select %eq3A_141, %broadcast_in_dim3A_143, %select_n3A_111 : vector<1024x1024xi1>, vector<1024x1024xf32>
    %reduce_min3A_145 = arith.constant dense<0x7F800000> : vector<1024xf32>
    %reduce_min3A_146 = vector.multi_reduction <minimumf>, %select_n3A_144, %reduce_min3A_145 [1] : vector<1024x1024xf32> to vector<1024xf32>
    %broadcast_in_dim3A_147 = vector.shape_cast %reduce_min3A_146 : vector<1024xf32> to vector<1024x1xf32>
    %eq3A_148 = vector.broadcast %broadcast_in_dim3A_147 : vector<1024x1xf32> to vector<1024x1024xf32>
    %eq3A_149 = arith.cmpf oeq, %select_n3A_144, %eq3A_148 : vector<1024x1024xf32>
    %jit3A_150 = arith.constant 2.048000e+03 : f32
    %broadcast_in_dim3A_151 = vector.shape_cast %convert_element_type3A_29 : vector<1x1024xf32> to vector<1x1024xf32>
    %broadcast_in_dim3A_152 = vector.broadcast %broadcast_in_dim3A_151 : vector<1x1024xf32> to vector<1024x1024xf32>
    %broadcast_in_dim3A_153 = vector.broadcast %jit3A_150 : f32 to vector<1024x1024xf32>
    %select_n3A_154 = arith.select %eq3A_149, %broadcast_in_dim3A_152, %broadcast_in_dim3A_153 : vector<1024x1024xi1>, vector<1024x1024xf32>
    %reduce_min3A_155 = arith.constant dense<0x7F800000> : vector<1024xf32>
    %reduce_min3A_156 = vector.multi_reduction <minimumf>, %select_n3A_154, %reduce_min3A_155 [1] : vector<1024x1024xf32> to vector<1024xf32>
    %broadcast_in_dim3A_157 = vector.shape_cast %reduce_min3A_156 : vector<1024xf32> to vector<1024x1xf32>
    %swap3A_158 = arith.constant 0 : index
    %swap3A_159 = arith.constant 0 : index
    %swap3A_160 = arith.constant 0 : index
    %swap3A_161 = arith.constant 2 : index
    %swap3A_162 = vector.load %arg4[%swap3A_158, %swap3A_159, %swap3A_160, %swap3A_161] : memref<1x1x1024x16xf32, #tpu.memory_space<vmem>>, vector<1x1x1024x1xf32>
    %swap3A_163 = vector.shape_cast %swap3A_162 : vector<1x1x1024x1xf32> to vector<1024x1xf32>
    %swap3A_164 = vector.shape_cast %broadcast_in_dim3A_147 : vector<1024x1xf32> to vector<1x1x1024x1xf32>
    tpu.vector_store %arg4[%swap3A_158, %swap3A_159, %swap3A_160, %swap3A_161], %swap3A_164 {strides = array<i32>} : memref<1x1x1024x16xf32, #tpu.memory_space<vmem>>, vector<1x1x1024x1xf32>,
    %convert_element_type3A_165 = arith.fptosi %broadcast_in_dim3A_157 : vector<1024x1xf32> to vector<1024x1xi32>
    %swap3A_166 = arith.constant 0 : index
    %swap3A_167 = arith.constant 0 : index
    %swap3A_168 = arith.constant 0 : index
    %swap3A_169 = arith.constant 2 : index
    %swap3A_170 = vector.load %arg5[%swap3A_166, %swap3A_167, %swap3A_168, %swap3A_169] : memref<1x1x1024x16xi32, #tpu.memory_space<vmem>>, vector<1x1x1024x1xi32>
    %swap3A_171 = vector.shape_cast %swap3A_170 : vector<1x1x1024x1xi32> to vector<1024x1xi32>
    %swap3A_172 = vector.shape_cast %convert_element_type3A_165 : vector<1024x1xi32> to vector<1x1x1024x1xi32>
    tpu.vector_store %arg5[%swap3A_166, %swap3A_167, %swap3A_168, %swap3A_169], %swap3A_172 {strides = array<i32>} : memref<1x1x1024x16xi32, #tpu.memory_space<vmem>>, vector<1x1x1024x1xi32>,
    %eq3A_173 = vector.broadcast %broadcast_in_dim3A_157 : vector<1024x1xf32> to vector<1024x1024xf32>
    %eq3A_174 = arith.cmpf oeq, %select_n3A_154, %eq3A_173 : vector<1024x1024xf32>
    %jit3A_175 = arith.constant 0x7F800000 : f32
    %broadcast_in_dim3A_176 = vector.broadcast %jit3A_175 : f32 to vector<1024x1024xf32>
    %select_n3A_177 = arith.select %eq3A_174, %broadcast_in_dim3A_176, %select_n3A_144 : vector<1024x1024xi1>, vector<1024x1024xf32>
    %reduce_min3A_178 = arith.constant dense<0x7F800000> : vector<1024xf32>
    %reduce_min3A_179 = vector.multi_reduction <minimumf>, %select_n3A_177, %reduce_min3A_178 [1] : vector<1024x1024xf32> to vector<1024xf32>
    %broadcast_in_dim3A_180 = vector.shape_cast %reduce_min3A_179 : vector<1024xf32> to vector<1024x1xf32>
    %eq3A_181 = vector.broadcast %broadcast_in_dim3A_180 : vector<1024x1xf32> to vector<1024x1024xf32>
    %eq3A_182 = arith.cmpf oeq, %select_n3A_177, %eq3A_181 : vector<1024x1024xf32>
    %jit3A_183 = arith.constant 2.048000e+03 : f32
    %broadcast_in_dim3A_184 = vector.shape_cast %convert_element_type3A_29 : vector<1x1024xf32> to vector<1x1024xf32>
    %broadcast_in_dim3A_185 = vector.broadcast %broadcast_in_dim3A_184 : vector<1x1024xf32> to vector<1024x1024xf32>
    %broadcast_in_dim3A_186 = vector.broadcast %jit3A_183 : f32 to vector<1024x1024xf32>
    %select_n3A_187 = arith.select %eq3A_182, %broadcast_in_dim3A_185, %broadcast_in_dim3A_186 : vector<1024x1024xi1>, vector<1024x1024xf32>
    %reduce_min3A_188 = arith.constant dense<0x7F800000> : vector<1024xf32>
    %reduce_min3A_189 = vector.multi_reduction <minimumf>, %select_n3A_187, %reduce_min3A_188 [1] : vector<1024x1024xf32> to vector<1024xf32>
    %broadcast_in_dim3A_190 = vector.shape_cast %reduce_min3A_189 : vector<1024xf32> to vector<1024x1xf32>
    %swap3A_191 = arith.constant 0 : index
    %swap3A_192 = arith.constant 0 : index
    %swap3A_193 = arith.constant 0 : index
    %swap3A_194 = arith.constant 3 : index
    %swap3A_195 = vector.load %arg4[%swap3A_191, %swap3A_192, %swap3A_193, %swap3A_194] : memref<1x1x1024x16xf32, #tpu.memory_space<vmem>>, vector<1x1x1024x1xf32>
    %swap3A_196 = vector.shape_cast %swap3A_195 : vector<1x1x1024x1xf32> to vector<1024x1xf32>
    %swap3A_197 = vector.shape_cast %broadcast_in_dim3A_180 : vector<1024x1xf32> to vector<1x1x1024x1xf32>
    tpu.vector_store %arg4[%swap3A_191, %swap3A_192, %swap3A_193, %swap3A_194], %swap3A_197 {strides = array<i32>} : memref<1x1x1024x16xf32, #tpu.memory_space<vmem>>, vector<1x1x1024x1xf32>,
    %convert_element_type3A_198 = arith.fptosi %broadcast_in_dim3A_190 : vector<1024x1xf32> to vector<1024x1xi32>
    %swap3A_199 = arith.constant 0 : index
    %swap3A_200 = arith.constant 0 : index
    %swap3A_201 = arith.constant 0 : index
    %swap3A_202 = arith.constant 3 : index
    %swap3A_203 = vector.load %arg5[%swap3A_199, %swap3A_200, %swap3A_201, %swap3A_202] : memref<1x1x1024x16xi32, #tpu.memory_space<vmem>>, vector<1x1x1024x1xi32>
    %swap3A_204 = vector.shape_cast %swap3A_203 : vector<1x1x1024x1xi32> to vector<1024x1xi32>
    %swap3A_205 = vector.shape_cast %convert_element_type3A_198 : vector<1024x1xi32> to vector<1x1x1024x1xi32>
    tpu.vector_store %arg5[%swap3A_199, %swap3A_200, %swap3A_201, %swap3A_202], %swap3A_205 {strides = array<i32>} : memref<1x1x1024x16xi32, #tpu.memory_space<vmem>>, vector<1x1x1024x1xi32>,
    %eq3A_206 = vector.broadcast %broadcast_in_dim3A_190 : vector<1024x1xf32> to vector<1024x1024xf32>
    %eq3A_207 = arith.cmpf oeq, %select_n3A_187, %eq3A_206 : vector<1024x1024xf32>
    %jit3A_208 = arith.constant 0x7F800000 : f32
    %broadcast_in_dim3A_209 = vector.broadcast %jit3A_208 : f32 to vector<1024x1024xf32>
    %select_n3A_210 = arith.select %eq3A_207, %broadcast_in_dim3A_209, %select_n3A_177 : vector<1024x1024xi1>, vector<1024x1024xf32>
    %reduce_min3A_211 = arith.constant dense<0x7F800000> : vector<1024xf32>
    %reduce_min3A_212 = vector.multi_reduction <minimumf>, %select_n3A_210, %reduce_min3A_211 [1] : vector<1024x1024xf32> to vector<1024xf32>
    %broadcast_in_dim3A_213 = vector.shape_cast %reduce_min3A_212 : vector<1024xf32> to vector<1024x1xf32>
    %eq3A_214 = vector.broadcast %broadcast_in_dim3A_213 : vector<1024x1xf32> to vector<1024x1024xf32>
    %eq3A_215 = arith.cmpf oeq, %select_n3A_210, %eq3A_214 : vector<1024x1024xf32>
    %jit3A_216 = arith.constant 2.048000e+03 : f32
    %broadcast_in_dim3A_217 = vector.shape_cast %convert_element_type3A_29 : vector<1x1024xf32> to vector<1x1024xf32>
    %broadcast_in_dim3A_218 = vector.broadcast %broadcast_in_dim3A_217 : vector<1x1024xf32> to vector<1024x1024xf32>
    %broadcast_in_dim3A_219 = vector.broadcast %jit3A_216 : f32 to vector<1024x1024xf32>
    %select_n3A_220 = arith.select %eq3A_215, %broadcast_in_dim3A_218, %broadcast_in_dim3A_219 : vector<1024x1024xi1>, vector<1024x1024xf32>
    %reduce_min3A_221 = arith.constant dense<0x7F800000> : vector<1024xf32>
    %reduce_min3A_222 = vector.multi_reduction <minimumf>, %select_n3A_220, %reduce_min3A_221 [1] : vector<1024x1024xf32> to vector<1024xf32>
    %broadcast_in_dim3A_223 = vector.shape_cast %reduce_min3A_222 : vector<1024xf32> to vector<1024x1xf32>
    %swap3A_224 = arith.constant 0 : index
    %swap3A_225 = arith.constant 0 : index
    %swap3A_226 = arith.constant 0 : index
    %swap3A_227 = arith.constant 4 : index
    %swap3A_228 = vector.load %arg4[%swap3A_224, %swap3A_225, %swap3A_226, %swap3A_227] : memref<1x1x1024x16xf32, #tpu.memory_space<vmem>>, vector<1x1x1024x1xf32>
    %swap3A_229 = vector.shape_cast %swap3A_228 : vector<1x1x1024x1xf32> to vector<1024x1xf32>
    %swap3A_230 = vector.shape_cast %broadcast_in_dim3A_213 : vector<1024x1xf32> to vector<1x1x1024x1xf32>
    tpu.vector_store %arg4[%swap3A_224, %swap3A_225, %swap3A_226, %swap3A_227], %swap3A_230 {strides = array<i32>} : memref<1x1x1024x16xf32, #tpu.memory_space<vmem>>, vector<1x1x1024x1xf32>,
    %convert_element_type3A_231 = arith.fptosi %broadcast_in_dim3A_223 : vector<1024x1xf32> to vector<1024x1xi32>
    %swap3A_232 = arith.constant 0 : index
    %swap3A_233 = arith.constant 0 : index
    %swap3A_234 = arith.constant 0 : index
    %swap3A_235 = arith.constant 4 : index
    %swap3A_236 = vector.load %arg5[%swap3A_232, %swap3A_233, %swap3A_234, %swap3A_235] : memref<1x1x1024x16xi32, #tpu.memory_space<vmem>>, vector<1x1x1024x1xi32>
    %swap3A_237 = vector.shape_cast %swap3A_236 : vector<1x1x1024x1xi32> to vector<1024x1xi32>
    %swap3A_238 = vector.shape_cast %convert_element_type3A_231 : vector<1024x1xi32> to vector<1x1x1024x1xi32>
    tpu.vector_store %arg5[%swap3A_232, %swap3A_233, %swap3A_234, %swap3A_235], %swap3A_238 {strides = array<i32>} : memref<1x1x1024x16xi32, #tpu.memory_space<vmem>>, vector<1x1x1024x1xi32>,
    %eq3A_239 = vector.broadcast %broadcast_in_dim3A_223 : vector<1024x1xf32> to vector<1024x1024xf32>
    %eq3A_240 = arith.cmpf oeq, %select_n3A_220, %eq3A_239 : vector<1024x1024xf32>
    %jit3A_241 = arith.constant 0x7F800000 : f32
    %broadcast_in_dim3A_242 = vector.broadcast %jit3A_241 : f32 to vector<1024x1024xf32>
    %select_n3A_243 = arith.select %eq3A_240, %broadcast_in_dim3A_242, %select_n3A_210 : vector<1024x1024xi1>, vector<1024x1024xf32>
    %reduce_min3A_244 = arith.constant dense<0x7F800000> : vector<1024xf32>
    %reduce_min3A_245 = vector.multi_reduction <minimumf>, %select_n3A_243, %reduce_min3A_244 [1] : vector<1024x1024xf32> to vector<1024xf32>
    %broadcast_in_dim3A_246 = vector.shape_cast %reduce_min3A_245 : vector<1024xf32> to vector<1024x1xf32>
    %eq3A_247 = vector.broadcast %broadcast_in_dim3A_246 : vector<1024x1xf32> to vector<1024x1024xf32>
    %eq3A_248 = arith.cmpf oeq, %select_n3A_243, %eq3A_247 : vector<1024x1024xf32>
    %jit3A_249 = arith.constant 2.048000e+03 : f32
    %broadcast_in_dim3A_250 = vector.shape_cast %convert_element_type3A_29 : vector<1x1024xf32> to vector<1x1024xf32>
    %broadcast_in_dim3A_251 = vector.broadcast %broadcast_in_dim3A_250 : vector<1x1024xf32> to vector<1024x1024xf32>
    %broadcast_in_dim3A_252 = vector.broadcast %jit3A_249 : f32 to vector<1024x1024xf32>
    %select_n3A_253 = arith.select %eq3A_248, %broadcast_in_dim3A_251, %broadcast_in_dim3A_252 : vector<1024x1024xi1>, vector<1024x1024xf32>
    %reduce_min3A_254 = arith.constant dense<0x7F800000> : vector<1024xf32>
    %reduce_min3A_255 = vector.multi_reduction <minimumf>, %select_n3A_253, %reduce_min3A_254 [1] : vector<1024x1024xf32> to vector<1024xf32>
    %broadcast_in_dim3A_256 = vector.shape_cast %reduce_min3A_255 : vector<1024xf32> to vector<1024x1xf32>
    %swap3A_257 = arith.constant 0 : index
    %swap3A_258 = arith.constant 0 : index
    %swap3A_259 = arith.constant 0 : index
    %swap3A_260 = arith.constant 5 : index
    %swap3A_261 = vector.load %arg4[%swap3A_257, %swap3A_258, %swap3A_259, %swap3A_260] : memref<1x1x1024x16xf32, #tpu.memory_space<vmem>>, vector<1x1x1024x1xf32>
    %swap3A_262 = vector.shape_cast %swap3A_261 : vector<1x1x1024x1xf32> to vector<1024x1xf32>
    %swap3A_263 = vector.shape_cast %broadcast_in_dim3A_246 : vector<1024x1xf32> to vector<1x1x1024x1xf32>
    tpu.vector_store %arg4[%swap3A_257, %swap3A_258, %swap3A_259, %swap3A_260], %swap3A_263 {strides = array<i32>} : memref<1x1x1024x16xf32, #tpu.memory_space<vmem>>, vector<1x1x1024x1xf32>,
    %convert_element_type3A_264 = arith.fptosi %broadcast_in_dim3A_256 : vector<1024x1xf32> to vector<1024x1xi32>
    %swap3A_265 = arith.constant 0 : index
    %swap3A_266 = arith.constant 0 : index
    %swap3A_267 = arith.constant 0 : index
    %swap3A_268 = arith.constant 5 : index
    %swap3A_269 = vector.load %arg5[%swap3A_265, %swap3A_266, %swap3A_267, %swap3A_268] : memref<1x1x1024x16xi32, #tpu.memory_space<vmem>>, vector<1x1x1024x1xi32>
    %swap3A_270 = vector.shape_cast %swap3A_269 : vector<1x1x1024x1xi32> to vector<1024x1xi32>
    %swap3A_271 = vector.shape_cast %convert_element_type3A_264 : vector<1024x1xi32> to vector<1x1x1024x1xi32>
    tpu.vector_store %arg5[%swap3A_265, %swap3A_266, %swap3A_267, %swap3A_268], %swap3A_271 {strides = array<i32>} : memref<1x1x1024x16xi32, #tpu.memory_space<vmem>>, vector<1x1x1024x1xi32>,
    %eq3A_272 = vector.broadcast %broadcast_in_dim3A_256 : vector<1024x1xf32> to vector<1024x1024xf32>
    %eq3A_273 = arith.cmpf oeq, %select_n3A_253, %eq3A_272 : vector<1024x1024xf32>
    %jit3A_274 = arith.constant 0x7F800000 : f32
    %broadcast_in_dim3A_275 = vector.broadcast %jit3A_274 : f32 to vector<1024x1024xf32>
    %select_n3A_276 = arith.select %eq3A_273, %broadcast_in_dim3A_275, %select_n3A_243 : vector<1024x1024xi1>, vector<1024x1024xf32>
    %reduce_min3A_277 = arith.constant dense<0x7F800000> : vector<1024xf32>
    %reduce_min3A_278 = vector.multi_reduction <minimumf>, %select_n3A_276, %reduce_min3A_277 [1] : vector<1024x1024xf32> to vector<1024xf32>
    %broadcast_in_dim3A_279 = vector.shape_cast %reduce_min3A_278 : vector<1024xf32> to vector<1024x1xf32>
    %eq3A_280 = vector.broadcast %broadcast_in_dim3A_279 : vector<1024x1xf32> to vector<1024x1024xf32>
    %eq3A_281 = arith.cmpf oeq, %select_n3A_276, %eq3A_280 : vector<1024x1024xf32>
    %jit3A_282 = arith.constant 2.048000e+03 : f32
    %broadcast_in_dim3A_283 = vector.shape_cast %convert_element_type3A_29 : vector<1x1024xf32> to vector<1x1024xf32>
    %broadcast_in_dim3A_284 = vector.broadcast %broadcast_in_dim3A_283 : vector<1x1024xf32> to vector<1024x1024xf32>
    %broadcast_in_dim3A_285 = vector.broadcast %jit3A_282 : f32 to vector<1024x1024xf32>
    %select_n3A_286 = arith.select %eq3A_281, %broadcast_in_dim3A_284, %broadcast_in_dim3A_285 : vector<1024x1024xi1>, vector<1024x1024xf32>
    %reduce_min3A_287 = arith.constant dense<0x7F800000> : vector<1024xf32>
    %reduce_min3A_288 = vector.multi_reduction <minimumf>, %select_n3A_286, %reduce_min3A_287 [1] : vector<1024x1024xf32> to vector<1024xf32>
    %broadcast_in_dim3A_289 = vector.shape_cast %reduce_min3A_288 : vector<1024xf32> to vector<1024x1xf32>
    %swap3A_290 = arith.constant 0 : index
    %swap3A_291 = arith.constant 0 : index
    %swap3A_292 = arith.constant 0 : index
    %swap3A_293 = arith.constant 6 : index
    %swap3A_294 = vector.load %arg4[%swap3A_290, %swap3A_291, %swap3A_292, %swap3A_293] : memref<1x1x1024x16xf32, #tpu.memory_space<vmem>>, vector<1x1x1024x1xf32>
    %swap3A_295 = vector.shape_cast %swap3A_294 : vector<1x1x1024x1xf32> to vector<1024x1xf32>
    %swap3A_296 = vector.shape_cast %broadcast_in_dim3A_279 : vector<1024x1xf32> to vector<1x1x1024x1xf32>
    tpu.vector_store %arg4[%swap3A_290, %swap3A_291, %swap3A_292, %swap3A_293], %swap3A_296 {strides = array<i32>} : memref<1x1x1024x16xf32, #tpu.memory_space<vmem>>, vector<1x1x1024x1xf32>,
    %convert_element_type3A_297 = arith.fptosi %broadcast_in_dim3A_289 : vector<1024x1xf32> to vector<1024x1xi32>
    %swap3A_298 = arith.constant 0 : index
    %swap3A_299 = arith.constant 0 : index
    %swap3A_300 = arith.constant 0 : index
    %swap3A_301 = arith.constant 6 : index
    %swap3A_302 = vector.load %arg5[%swap3A_298, %swap3A_299, %swap3A_300, %swap3A_301] : memref<1x1x1024x16xi32, #tpu.memory_space<vmem>>, vector<1x1x1024x1xi32>
    %swap3A_303 = vector.shape_cast %swap3A_302 : vector<1x1x1024x1xi32> to vector<1024x1xi32>
    %swap3A_304 = vector.shape_cast %convert_element_type3A_297 : vector<1024x1xi32> to vector<1x1x1024x1xi32>
    tpu.vector_store %arg5[%swap3A_298, %swap3A_299, %swap3A_300, %swap3A_301], %swap3A_304 {strides = array<i32>} : memref<1x1x1024x16xi32, #tpu.memory_space<vmem>>, vector<1x1x1024x1xi32>,
    %eq3A_305 = vector.broadcast %broadcast_in_dim3A_289 : vector<1024x1xf32> to vector<1024x1024xf32>
    %eq3A_306 = arith.cmpf oeq, %select_n3A_286, %eq3A_305 : vector<1024x1024xf32>
    %jit3A_307 = arith.constant 0x7F800000 : f32
    %broadcast_in_dim3A_308 = vector.broadcast %jit3A_307 : f32 to vector<1024x1024xf32>
    %select_n3A_309 = arith.select %eq3A_306, %broadcast_in_dim3A_308, %select_n3A_276 : vector<1024x1024xi1>, vector<1024x1024xf32>
    %reduce_min3A_310 = arith.constant dense<0x7F800000> : vector<1024xf32>
    %reduce_min3A_311 = vector.multi_reduction <minimumf>, %select_n3A_309, %reduce_min3A_310 [1] : vector<1024x1024xf32> to vector<1024xf32>
    %broadcast_in_dim3A_312 = vector.shape_cast %reduce_min3A_311 : vector<1024xf32> to vector<1024x1xf32>
    %eq3A_313 = vector.broadcast %broadcast_in_dim3A_312 : vector<1024x1xf32> to vector<1024x1024xf32>
    %eq3A_314 = arith.cmpf oeq, %select_n3A_309, %eq3A_313 : vector<1024x1024xf32>
    %jit3A_315 = arith.constant 2.048000e+03 : f32
    %broadcast_in_dim3A_316 = vector.shape_cast %convert_element_type3A_29 : vector<1x1024xf32> to vector<1x1024xf32>
    %broadcast_in_dim3A_317 = vector.broadcast %broadcast_in_dim3A_316 : vector<1x1024xf32> to vector<1024x1024xf32>
    %broadcast_in_dim3A_318 = vector.broadcast %jit3A_315 : f32 to vector<1024x1024xf32>
    %select_n3A_319 = arith.select %eq3A_314, %broadcast_in_dim3A_317, %broadcast_in_dim3A_318 : vector<1024x1024xi1>, vector<1024x1024xf32>
    %reduce_min3A_320 = arith.constant dense<0x7F800000> : vector<1024xf32>
    %reduce_min3A_321 = vector.multi_reduction <minimumf>, %select_n3A_319, %reduce_min3A_320 [1] : vector<1024x1024xf32> to vector<1024xf32>
    %broadcast_in_dim3A_322 = vector.shape_cast %reduce_min3A_321 : vector<1024xf32> to vector<1024x1xf32>
    %swap3A_323 = arith.constant 0 : index
    %swap3A_324 = arith.constant 0 : index
    %swap3A_325 = arith.constant 0 : index
    %swap3A_326 = arith.constant 7 : index
    %swap3A_327 = vector.load %arg4[%swap3A_323, %swap3A_324, %swap3A_325, %swap3A_326] : memref<1x1x1024x16xf32, #tpu.memory_space<vmem>>, vector<1x1x1024x1xf32>
    %swap3A_328 = vector.shape_cast %swap3A_327 : vector<1x1x1024x1xf32> to vector<1024x1xf32>
    %swap3A_329 = vector.shape_cast %broadcast_in_dim3A_312 : vector<1024x1xf32> to vector<1x1x1024x1xf32>
    tpu.vector_store %arg4[%swap3A_323, %swap3A_324, %swap3A_325, %swap3A_326], %swap3A_329 {strides = array<i32>} : memref<1x1x1024x16xf32, #tpu.memory_space<vmem>>, vector<1x1x1024x1xf32>,
    %convert_element_type3A_330 = arith.fptosi %broadcast_in_dim3A_322 : vector<1024x1xf32> to vector<1024x1xi32>
    %swap3A_331 = arith.constant 0 : index
    %swap3A_332 = arith.constant 0 : index
    %swap3A_333 = arith.constant 0 : index
    %swap3A_334 = arith.constant 7 : index
    %swap3A_335 = vector.load %arg5[%swap3A_331, %swap3A_332, %swap3A_333, %swap3A_334] : memref<1x1x1024x16xi32, #tpu.memory_space<vmem>>, vector<1x1x1024x1xi32>
    %swap3A_336 = vector.shape_cast %swap3A_335 : vector<1x1x1024x1xi32> to vector<1024x1xi32>
    %swap3A_337 = vector.shape_cast %convert_element_type3A_330 : vector<1024x1xi32> to vector<1x1x1024x1xi32>
    tpu.vector_store %arg5[%swap3A_331, %swap3A_332, %swap3A_333, %swap3A_334], %swap3A_337 {strides = array<i32>} : memref<1x1x1024x16xi32, #tpu.memory_space<vmem>>, vector<1x1x1024x1xi32>,
    %eq3A_338 = vector.broadcast %broadcast_in_dim3A_322 : vector<1024x1xf32> to vector<1024x1024xf32>
    %eq3A_339 = arith.cmpf oeq, %select_n3A_319, %eq3A_338 : vector<1024x1024xf32>
    %jit3A_340 = arith.constant 0x7F800000 : f32
    %broadcast_in_dim3A_341 = vector.broadcast %jit3A_340 : f32 to vector<1024x1024xf32>
    %select_n3A_342 = arith.select %eq3A_339, %broadcast_in_dim3A_341, %select_n3A_309 : vector<1024x1024xi1>, vector<1024x1024xf32>
    %reduce_min3A_343 = arith.constant dense<0x7F800000> : vector<1024xf32>
    %reduce_min3A_344 = vector.multi_reduction <minimumf>, %select_n3A_342, %reduce_min3A_343 [1] : vector<1024x1024xf32> to vector<1024xf32>
    %broadcast_in_dim3A_345 = vector.shape_cast %reduce_min3A_344 : vector<1024xf32> to vector<1024x1xf32>
    %eq3A_346 = vector.broadcast %broadcast_in_dim3A_345 : vector<1024x1xf32> to vector<1024x1024xf32>
    %eq3A_347 = arith.cmpf oeq, %select_n3A_342, %eq3A_346 : vector<1024x1024xf32>
    %jit3A_348 = arith.constant 2.048000e+03 : f32
    %broadcast_in_dim3A_349 = vector.shape_cast %convert_element_type3A_29 : vector<1x1024xf32> to vector<1x1024xf32>
    %broadcast_in_dim3A_350 = vector.broadcast %broadcast_in_dim3A_349 : vector<1x1024xf32> to vector<1024x1024xf32>
    %broadcast_in_dim3A_351 = vector.broadcast %jit3A_348 : f32 to vector<1024x1024xf32>
    %select_n3A_352 = arith.select %eq3A_347, %broadcast_in_dim3A_350, %broadcast_in_dim3A_351 : vector<1024x1024xi1>, vector<1024x1024xf32>
    %reduce_min3A_353 = arith.constant dense<0x7F800000> : vector<1024xf32>
    %reduce_min3A_354 = vector.multi_reduction <minimumf>, %select_n3A_352, %reduce_min3A_353 [1] : vector<1024x1024xf32> to vector<1024xf32>
    %broadcast_in_dim3A_355 = vector.shape_cast %reduce_min3A_354 : vector<1024xf32> to vector<1024x1xf32>
    %swap3A_356 = arith.constant 0 : index
    %swap3A_357 = arith.constant 0 : index
    %swap3A_358 = arith.constant 0 : index
    %swap3A_359 = arith.constant 8 : index
    %swap3A_360 = vector.load %arg4[%swap3A_356, %swap3A_357, %swap3A_358, %swap3A_359] : memref<1x1x1024x16xf32, #tpu.memory_space<vmem>>, vector<1x1x1024x1xf32>
    %swap3A_361 = vector.shape_cast %swap3A_360 : vector<1x1x1024x1xf32> to vector<1024x1xf32>
    %swap3A_362 = vector.shape_cast %broadcast_in_dim3A_345 : vector<1024x1xf32> to vector<1x1x1024x1xf32>
    tpu.vector_store %arg4[%swap3A_356, %swap3A_357, %swap3A_358, %swap3A_359], %swap3A_362 {strides = array<i32>} : memref<1x1x1024x16xf32, #tpu.memory_space<vmem>>, vector<1x1x1024x1xf32>,
    %convert_element_type3A_363 = arith.fptosi %broadcast_in_dim3A_355 : vector<1024x1xf32> to vector<1024x1xi32>
    %swap3A_364 = arith.constant 0 : index
    %swap3A_365 = arith.constant 0 : index
    %swap3A_366 = arith.constant 0 : index
    %swap3A_367 = arith.constant 8 : index
    %swap3A_368 = vector.load %arg5[%swap3A_364, %swap3A_365, %swap3A_366, %swap3A_367] : memref<1x1x1024x16xi32, #tpu.memory_space<vmem>>, vector<1x1x1024x1xi32>
    %swap3A_369 = vector.shape_cast %swap3A_368 : vector<1x1x1024x1xi32> to vector<1024x1xi32>
    %swap3A_370 = vector.shape_cast %convert_element_type3A_363 : vector<1024x1xi32> to vector<1x1x1024x1xi32>
    tpu.vector_store %arg5[%swap3A_364, %swap3A_365, %swap3A_366, %swap3A_367], %swap3A_370 {strides = array<i32>} : memref<1x1x1024x16xi32, #tpu.memory_space<vmem>>, vector<1x1x1024x1xi32>,
    %eq3A_371 = vector.broadcast %broadcast_in_dim3A_355 : vector<1024x1xf32> to vector<1024x1024xf32>
    %eq3A_372 = arith.cmpf oeq, %select_n3A_352, %eq3A_371 : vector<1024x1024xf32>
    %jit3A_373 = arith.constant 0x7F800000 : f32
    %broadcast_in_dim3A_374 = vector.broadcast %jit3A_373 : f32 to vector<1024x1024xf32>
    %select_n3A_375 = arith.select %eq3A_372, %broadcast_in_dim3A_374, %select_n3A_342 : vector<1024x1024xi1>, vector<1024x1024xf32>
    %reduce_min3A_376 = arith.constant dense<0x7F800000> : vector<1024xf32>
    %reduce_min3A_377 = vector.multi_reduction <minimumf>, %select_n3A_375, %reduce_min3A_376 [1] : vector<1024x1024xf32> to vector<1024xf32>
    %broadcast_in_dim3A_378 = vector.shape_cast %reduce_min3A_377 : vector<1024xf32> to vector<1024x1xf32>
    %eq3A_379 = vector.broadcast %broadcast_in_dim3A_378 : vector<1024x1xf32> to vector<1024x1024xf32>
    %eq3A_380 = arith.cmpf oeq, %select_n3A_375, %eq3A_379 : vector<1024x1024xf32>
    %jit3A_381 = arith.constant 2.048000e+03 : f32
    %broadcast_in_dim3A_382 = vector.shape_cast %convert_element_type3A_29 : vector<1x1024xf32> to vector<1x1024xf32>
    %broadcast_in_dim3A_383 = vector.broadcast %broadcast_in_dim3A_382 : vector<1x1024xf32> to vector<1024x1024xf32>
    %broadcast_in_dim3A_384 = vector.broadcast %jit3A_381 : f32 to vector<1024x1024xf32>
    %select_n3A_385 = arith.select %eq3A_380, %broadcast_in_dim3A_383, %broadcast_in_dim3A_384 : vector<1024x1024xi1>, vector<1024x1024xf32>
    %reduce_min3A_386 = arith.constant dense<0x7F800000> : vector<1024xf32>
    %reduce_min3A_387 = vector.multi_reduction <minimumf>, %select_n3A_385, %reduce_min3A_386 [1] : vector<1024x1024xf32> to vector<1024xf32>
    %broadcast_in_dim3A_388 = vector.shape_cast %reduce_min3A_387 : vector<1024xf32> to vector<1024x1xf32>
    %swap3A_389 = arith.constant 0 : index
    %swap3A_390 = arith.constant 0 : index
    %swap3A_391 = arith.constant 0 : index
    %swap3A_392 = arith.constant 9 : index
    %swap3A_393 = vector.load %arg4[%swap3A_389, %swap3A_390, %swap3A_391, %swap3A_392] : memref<1x1x1024x16xf32, #tpu.memory_space<vmem>>, vector<1x1x1024x1xf32>
    %swap3A_394 = vector.shape_cast %swap3A_393 : vector<1x1x1024x1xf32> to vector<1024x1xf32>
    %swap3A_395 = vector.shape_cast %broadcast_in_dim3A_378 : vector<1024x1xf32> to vector<1x1x1024x1xf32>
    tpu.vector_store %arg4[%swap3A_389, %swap3A_390, %swap3A_391, %swap3A_392], %swap3A_395 {strides = array<i32>} : memref<1x1x1024x16xf32, #tpu.memory_space<vmem>>, vector<1x1x1024x1xf32>,
    %convert_element_type3A_396 = arith.fptosi %broadcast_in_dim3A_388 : vector<1024x1xf32> to vector<1024x1xi32>
    %swap3A_397 = arith.constant 0 : index
    %swap3A_398 = arith.constant 0 : index
    %swap3A_399 = arith.constant 0 : index
    %swap3A_400 = arith.constant 9 : index
    %swap3A_401 = vector.load %arg5[%swap3A_397, %swap3A_398, %swap3A_399, %swap3A_400] : memref<1x1x1024x16xi32, #tpu.memory_space<vmem>>, vector<1x1x1024x1xi32>
    %swap3A_402 = vector.shape_cast %swap3A_401 : vector<1x1x1024x1xi32> to vector<1024x1xi32>
    %swap3A_403 = vector.shape_cast %convert_element_type3A_396 : vector<1024x1xi32> to vector<1x1x1024x1xi32>
    tpu.vector_store %arg5[%swap3A_397, %swap3A_398, %swap3A_399, %swap3A_400], %swap3A_403 {strides = array<i32>} : memref<1x1x1024x16xi32, #tpu.memory_space<vmem>>, vector<1x1x1024x1xi32>,
    %eq3A_404 = vector.broadcast %broadcast_in_dim3A_388 : vector<1024x1xf32> to vector<1024x1024xf32>
    %eq3A_405 = arith.cmpf oeq, %select_n3A_385, %eq3A_404 : vector<1024x1024xf32>
    %jit3A_406 = arith.constant 0x7F800000 : f32
    %broadcast_in_dim3A_407 = vector.broadcast %jit3A_406 : f32 to vector<1024x1024xf32>
    %select_n3A_408 = arith.select %eq3A_405, %broadcast_in_dim3A_407, %select_n3A_375 : vector<1024x1024xi1>, vector<1024x1024xf32>
    %reduce_min3A_409 = arith.constant dense<0x7F800000> : vector<1024xf32>
    %reduce_min3A_410 = vector.multi_reduction <minimumf>, %select_n3A_408, %reduce_min3A_409 [1] : vector<1024x1024xf32> to vector<1024xf32>
    %broadcast_in_dim3A_411 = vector.shape_cast %reduce_min3A_410 : vector<1024xf32> to vector<1024x1xf32>
    %eq3A_412 = vector.broadcast %broadcast_in_dim3A_411 : vector<1024x1xf32> to vector<1024x1024xf32>
    %eq3A_413 = arith.cmpf oeq, %select_n3A_408, %eq3A_412 : vector<1024x1024xf32>
    %jit3A_414 = arith.constant 2.048000e+03 : f32
    %broadcast_in_dim3A_415 = vector.shape_cast %convert_element_type3A_29 : vector<1x1024xf32> to vector<1x1024xf32>
    %broadcast_in_dim3A_416 = vector.broadcast %broadcast_in_dim3A_415 : vector<1x1024xf32> to vector<1024x1024xf32>
    %broadcast_in_dim3A_417 = vector.broadcast %jit3A_414 : f32 to vector<1024x1024xf32>
    %select_n3A_418 = arith.select %eq3A_413, %broadcast_in_dim3A_416, %broadcast_in_dim3A_417 : vector<1024x1024xi1>, vector<1024x1024xf32>
    %reduce_min3A_419 = arith.constant dense<0x7F800000> : vector<1024xf32>
    %reduce_min3A_420 = vector.multi_reduction <minimumf>, %select_n3A_418, %reduce_min3A_419 [1] : vector<1024x1024xf32> to vector<1024xf32>
    %broadcast_in_dim3A_421 = vector.shape_cast %reduce_min3A_420 : vector<1024xf32> to vector<1024x1xf32>
    %swap3A_422 = arith.constant 0 : index
    %swap3A_423 = arith.constant 0 : index
    %swap3A_424 = arith.constant 0 : index
    %swap3A_425 = arith.constant 10 : index
    %swap3A_426 = vector.load %arg4[%swap3A_422, %swap3A_423, %swap3A_424, %swap3A_425] : memref<1x1x1024x16xf32, #tpu.memory_space<vmem>>, vector<1x1x1024x1xf32>
    %swap3A_427 = vector.shape_cast %swap3A_426 : vector<1x1x1024x1xf32> to vector<1024x1xf32>
    %swap3A_428 = vector.shape_cast %broadcast_in_dim3A_411 : vector<1024x1xf32> to vector<1x1x1024x1xf32>
    tpu.vector_store %arg4[%swap3A_422, %swap3A_423, %swap3A_424, %swap3A_425], %swap3A_428 {strides = array<i32>} : memref<1x1x1024x16xf32, #tpu.memory_space<vmem>>, vector<1x1x1024x1xf32>,
    %convert_element_type3A_429 = arith.fptosi %broadcast_in_dim3A_421 : vector<1024x1xf32> to vector<1024x1xi32>
    %swap3A_430 = arith.constant 0 : index
    %swap3A_431 = arith.constant 0 : index
    %swap3A_432 = arith.constant 0 : index
    %swap3A_433 = arith.constant 10 : index
    %swap3A_434 = vector.load %arg5[%swap3A_430, %swap3A_431, %swap3A_432, %swap3A_433] : memref<1x1x1024x16xi32, #tpu.memory_space<vmem>>, vector<1x1x1024x1xi32>
    %swap3A_435 = vector.shape_cast %swap3A_434 : vector<1x1x1024x1xi32> to vector<1024x1xi32>
    %swap3A_436 = vector.shape_cast %convert_element_type3A_429 : vector<1024x1xi32> to vector<1x1x1024x1xi32>
    tpu.vector_store %arg5[%swap3A_430, %swap3A_431, %swap3A_432, %swap3A_433], %swap3A_436 {strides = array<i32>} : memref<1x1x1024x16xi32, #tpu.memory_space<vmem>>, vector<1x1x1024x1xi32>,
    %eq3A_437 = vector.broadcast %broadcast_in_dim3A_421 : vector<1024x1xf32> to vector<1024x1024xf32>
    %eq3A_438 = arith.cmpf oeq, %select_n3A_418, %eq3A_437 : vector<1024x1024xf32>
    %jit3A_439 = arith.constant 0x7F800000 : f32
    %broadcast_in_dim3A_440 = vector.broadcast %jit3A_439 : f32 to vector<1024x1024xf32>
    %select_n3A_441 = arith.select %eq3A_438, %broadcast_in_dim3A_440, %select_n3A_408 : vector<1024x1024xi1>, vector<1024x1024xf32>
    %reduce_min3A_442 = arith.constant dense<0x7F800000> : vector<1024xf32>
    %reduce_min3A_443 = vector.multi_reduction <minimumf>, %select_n3A_441, %reduce_min3A_442 [1] : vector<1024x1024xf32> to vector<1024xf32>
    %broadcast_in_dim3A_444 = vector.shape_cast %reduce_min3A_443 : vector<1024xf32> to vector<1024x1xf32>
    %eq3A_445 = vector.broadcast %broadcast_in_dim3A_444 : vector<1024x1xf32> to vector<1024x1024xf32>
    %eq3A_446 = arith.cmpf oeq, %select_n3A_441, %eq3A_445 : vector<1024x1024xf32>
    %jit3A_447 = arith.constant 2.048000e+03 : f32
    %broadcast_in_dim3A_448 = vector.shape_cast %convert_element_type3A_29 : vector<1x1024xf32> to vector<1x1024xf32>
    %broadcast_in_dim3A_449 = vector.broadcast %broadcast_in_dim3A_448 : vector<1x1024xf32> to vector<1024x1024xf32>
    %broadcast_in_dim3A_450 = vector.broadcast %jit3A_447 : f32 to vector<1024x1024xf32>
    %select_n3A_451 = arith.select %eq3A_446, %broadcast_in_dim3A_449, %broadcast_in_dim3A_450 : vector<1024x1024xi1>, vector<1024x1024xf32>
    %reduce_min3A_452 = arith.constant dense<0x7F800000> : vector<1024xf32>
    %reduce_min3A_453 = vector.multi_reduction <minimumf>, %select_n3A_451, %reduce_min3A_452 [1] : vector<1024x1024xf32> to vector<1024xf32>
    %broadcast_in_dim3A_454 = vector.shape_cast %reduce_min3A_453 : vector<1024xf32> to vector<1024x1xf32>
    %swap3A_455 = arith.constant 0 : index
    %swap3A_456 = arith.constant 0 : index
    %swap3A_457 = arith.constant 0 : index
    %swap3A_458 = arith.constant 11 : index
    %swap3A_459 = vector.load %arg4[%swap3A_455, %swap3A_456, %swap3A_457, %swap3A_458] : memref<1x1x1024x16xf32, #tpu.memory_space<vmem>>, vector<1x1x1024x1xf32>
    %swap3A_460 = vector.shape_cast %swap3A_459 : vector<1x1x1024x1xf32> to vector<1024x1xf32>
    %swap3A_461 = vector.shape_cast %broadcast_in_dim3A_444 : vector<1024x1xf32> to vector<1x1x1024x1xf32>
    tpu.vector_store %arg4[%swap3A_455, %swap3A_456, %swap3A_457, %swap3A_458], %swap3A_461 {strides = array<i32>} : memref<1x1x1024x16xf32, #tpu.memory_space<vmem>>, vector<1x1x1024x1xf32>,
    %convert_element_type3A_462 = arith.fptosi %broadcast_in_dim3A_454 : vector<1024x1xf32> to vector<1024x1xi32>
    %swap3A_463 = arith.constant 0 : index
    %swap3A_464 = arith.constant 0 : index
    %swap3A_465 = arith.constant 0 : index
    %swap3A_466 = arith.constant 11 : index
    %swap3A_467 = vector.load %arg5[%swap3A_463, %swap3A_464, %swap3A_465, %swap3A_466] : memref<1x1x1024x16xi32, #tpu.memory_space<vmem>>, vector<1x1x1024x1xi32>
    %swap3A_468 = vector.shape_cast %swap3A_467 : vector<1x1x1024x1xi32> to vector<1024x1xi32>
    %swap3A_469 = vector.shape_cast %convert_element_type3A_462 : vector<1024x1xi32> to vector<1x1x1024x1xi32>
    tpu.vector_store %arg5[%swap3A_463, %swap3A_464, %swap3A_465, %swap3A_466], %swap3A_469 {strides = array<i32>} : memref<1x1x1024x16xi32, #tpu.memory_space<vmem>>, vector<1x1x1024x1xi32>,
    %eq3A_470 = vector.broadcast %broadcast_in_dim3A_454 : vector<1024x1xf32> to vector<1024x1024xf32>
    %eq3A_471 = arith.cmpf oeq, %select_n3A_451, %eq3A_470 : vector<1024x1024xf32>
    %jit3A_472 = arith.constant 0x7F800000 : f32
    %broadcast_in_dim3A_473 = vector.broadcast %jit3A_472 : f32 to vector<1024x1024xf32>
    %select_n3A_474 = arith.select %eq3A_471, %broadcast_in_dim3A_473, %select_n3A_441 : vector<1024x1024xi1>, vector<1024x1024xf32>
    %reduce_min3A_475 = arith.constant dense<0x7F800000> : vector<1024xf32>
    %reduce_min3A_476 = vector.multi_reduction <minimumf>, %select_n3A_474, %reduce_min3A_475 [1] : vector<1024x1024xf32> to vector<1024xf32>
    %broadcast_in_dim3A_477 = vector.shape_cast %reduce_min3A_476 : vector<1024xf32> to vector<1024x1xf32>
    %eq3A_478 = vector.broadcast %broadcast_in_dim3A_477 : vector<1024x1xf32> to vector<1024x1024xf32>
    %eq3A_479 = arith.cmpf oeq, %select_n3A_474, %eq3A_478 : vector<1024x1024xf32>
    %jit3A_480 = arith.constant 2.048000e+03 : f32
    %broadcast_in_dim3A_481 = vector.shape_cast %convert_element_type3A_29 : vector<1x1024xf32> to vector<1x1024xf32>
    %broadcast_in_dim3A_482 = vector.broadcast %broadcast_in_dim3A_481 : vector<1x1024xf32> to vector<1024x1024xf32>
    %broadcast_in_dim3A_483 = vector.broadcast %jit3A_480 : f32 to vector<1024x1024xf32>
    %select_n3A_484 = arith.select %eq3A_479, %broadcast_in_dim3A_482, %broadcast_in_dim3A_483 : vector<1024x1024xi1>, vector<1024x1024xf32>
    %reduce_min3A_485 = arith.constant dense<0x7F800000> : vector<1024xf32>
    %reduce_min3A_486 = vector.multi_reduction <minimumf>, %select_n3A_484, %reduce_min3A_485 [1] : vector<1024x1024xf32> to vector<1024xf32>
    %broadcast_in_dim3A_487 = vector.shape_cast %reduce_min3A_486 : vector<1024xf32> to vector<1024x1xf32>
    %swap3A_488 = arith.constant 0 : index
    %swap3A_489 = arith.constant 0 : index
    %swap3A_490 = arith.constant 0 : index
    %swap3A_491 = arith.constant 12 : index
    %swap3A_492 = vector.load %arg4[%swap3A_488, %swap3A_489, %swap3A_490, %swap3A_491] : memref<1x1x1024x16xf32, #tpu.memory_space<vmem>>, vector<1x1x1024x1xf32>
    %swap3A_493 = vector.shape_cast %swap3A_492 : vector<1x1x1024x1xf32> to vector<1024x1xf32>
    %swap3A_494 = vector.shape_cast %broadcast_in_dim3A_477 : vector<1024x1xf32> to vector<1x1x1024x1xf32>
    tpu.vector_store %arg4[%swap3A_488, %swap3A_489, %swap3A_490, %swap3A_491], %swap3A_494 {strides = array<i32>} : memref<1x1x1024x16xf32, #tpu.memory_space<vmem>>, vector<1x1x1024x1xf32>,
    %convert_element_type3A_495 = arith.fptosi %broadcast_in_dim3A_487 : vector<1024x1xf32> to vector<1024x1xi32>
    %swap3A_496 = arith.constant 0 : index
    %swap3A_497 = arith.constant 0 : index
    %swap3A_498 = arith.constant 0 : index
    %swap3A_499 = arith.constant 12 : index
    %swap3A_500 = vector.load %arg5[%swap3A_496, %swap3A_497, %swap3A_498, %swap3A_499] : memref<1x1x1024x16xi32, #tpu.memory_space<vmem>>, vector<1x1x1024x1xi32>
    %swap3A_501 = vector.shape_cast %swap3A_500 : vector<1x1x1024x1xi32> to vector<1024x1xi32>
    %swap3A_502 = vector.shape_cast %convert_element_type3A_495 : vector<1024x1xi32> to vector<1x1x1024x1xi32>
    tpu.vector_store %arg5[%swap3A_496, %swap3A_497, %swap3A_498, %swap3A_499], %swap3A_502 {strides = array<i32>} : memref<1x1x1024x16xi32, #tpu.memory_space<vmem>>, vector<1x1x1024x1xi32>,
    %eq3A_503 = vector.broadcast %broadcast_in_dim3A_487 : vector<1024x1xf32> to vector<1024x1024xf32>
    %eq3A_504 = arith.cmpf oeq, %select_n3A_484, %eq3A_503 : vector<1024x1024xf32>
    %jit3A_505 = arith.constant 0x7F800000 : f32
    %broadcast_in_dim3A_506 = vector.broadcast %jit3A_505 : f32 to vector<1024x1024xf32>
    %select_n3A_507 = arith.select %eq3A_504, %broadcast_in_dim3A_506, %select_n3A_474 : vector<1024x1024xi1>, vector<1024x1024xf32>
    %reduce_min3A_508 = arith.constant dense<0x7F800000> : vector<1024xf32>
    %reduce_min3A_509 = vector.multi_reduction <minimumf>, %select_n3A_507, %reduce_min3A_508 [1] : vector<1024x1024xf32> to vector<1024xf32>
    %broadcast_in_dim3A_510 = vector.shape_cast %reduce_min3A_509 : vector<1024xf32> to vector<1024x1xf32>
    %eq3A_511 = vector.broadcast %broadcast_in_dim3A_510 : vector<1024x1xf32> to vector<1024x1024xf32>
    %eq3A_512 = arith.cmpf oeq, %select_n3A_507, %eq3A_511 : vector<1024x1024xf32>
    %jit3A_513 = arith.constant 2.048000e+03 : f32
    %broadcast_in_dim3A_514 = vector.shape_cast %convert_element_type3A_29 : vector<1x1024xf32> to vector<1x1024xf32>
    %broadcast_in_dim3A_515 = vector.broadcast %broadcast_in_dim3A_514 : vector<1x1024xf32> to vector<1024x1024xf32>
    %broadcast_in_dim3A_516 = vector.broadcast %jit3A_513 : f32 to vector<1024x1024xf32>
    %select_n3A_517 = arith.select %eq3A_512, %broadcast_in_dim3A_515, %broadcast_in_dim3A_516 : vector<1024x1024xi1>, vector<1024x1024xf32>
    %reduce_min3A_518 = arith.constant dense<0x7F800000> : vector<1024xf32>
    %reduce_min3A_519 = vector.multi_reduction <minimumf>, %select_n3A_517, %reduce_min3A_518 [1] : vector<1024x1024xf32> to vector<1024xf32>
    %broadcast_in_dim3A_520 = vector.shape_cast %reduce_min3A_519 : vector<1024xf32> to vector<1024x1xf32>
    %swap3A_521 = arith.constant 0 : index
    %swap3A_522 = arith.constant 0 : index
    %swap3A_523 = arith.constant 0 : index
    %swap3A_524 = arith.constant 13 : index
    %swap3A_525 = vector.load %arg4[%swap3A_521, %swap3A_522, %swap3A_523, %swap3A_524] : memref<1x1x1024x16xf32, #tpu.memory_space<vmem>>, vector<1x1x1024x1xf32>
    %swap3A_526 = vector.shape_cast %swap3A_525 : vector<1x1x1024x1xf32> to vector<1024x1xf32>
    %swap3A_527 = vector.shape_cast %broadcast_in_dim3A_510 : vector<1024x1xf32> to vector<1x1x1024x1xf32>
    tpu.vector_store %arg4[%swap3A_521, %swap3A_522, %swap3A_523, %swap3A_524], %swap3A_527 {strides = array<i32>} : memref<1x1x1024x16xf32, #tpu.memory_space<vmem>>, vector<1x1x1024x1xf32>,
    %convert_element_type3A_528 = arith.fptosi %broadcast_in_dim3A_520 : vector<1024x1xf32> to vector<1024x1xi32>
    %swap3A_529 = arith.constant 0 : index
    %swap3A_530 = arith.constant 0 : index
    %swap3A_531 = arith.constant 0 : index
    %swap3A_532 = arith.constant 13 : index
    %swap3A_533 = vector.load %arg5[%swap3A_529, %swap3A_530, %swap3A_531, %swap3A_532] : memref<1x1x1024x16xi32, #tpu.memory_space<vmem>>, vector<1x1x1024x1xi32>
    %swap3A_534 = vector.shape_cast %swap3A_533 : vector<1x1x1024x1xi32> to vector<1024x1xi32>
    %swap3A_535 = vector.shape_cast %convert_element_type3A_528 : vector<1024x1xi32> to vector<1x1x1024x1xi32>
    tpu.vector_store %arg5[%swap3A_529, %swap3A_530, %swap3A_531, %swap3A_532], %swap3A_535 {strides = array<i32>} : memref<1x1x1024x16xi32, #tpu.memory_space<vmem>>, vector<1x1x1024x1xi32>,
    %eq3A_536 = vector.broadcast %broadcast_in_dim3A_520 : vector<1024x1xf32> to vector<1024x1024xf32>
    %eq3A_537 = arith.cmpf oeq, %select_n3A_517, %eq3A_536 : vector<1024x1024xf32>
    %jit3A_538 = arith.constant 0x7F800000 : f32
    %broadcast_in_dim3A_539 = vector.broadcast %jit3A_538 : f32 to vector<1024x1024xf32>
    %select_n3A_540 = arith.select %eq3A_537, %broadcast_in_dim3A_539, %select_n3A_507 : vector<1024x1024xi1>, vector<1024x1024xf32>
    %reduce_min3A_541 = arith.constant dense<0x7F800000> : vector<1024xf32>
    %reduce_min3A_542 = vector.multi_reduction <minimumf>, %select_n3A_540, %reduce_min3A_541 [1] : vector<1024x1024xf32> to vector<1024xf32>
    %broadcast_in_dim3A_543 = vector.shape_cast %reduce_min3A_542 : vector<1024xf32> to vector<1024x1xf32>
    %eq3A_544 = vector.broadcast %broadcast_in_dim3A_543 : vector<1024x1xf32> to vector<1024x1024xf32>
    %eq3A_545 = arith.cmpf oeq, %select_n3A_540, %eq3A_544 : vector<1024x1024xf32>
    %jit3A_546 = arith.constant 2.048000e+03 : f32
    %broadcast_in_dim3A_547 = vector.shape_cast %convert_element_type3A_29 : vector<1x1024xf32> to vector<1x1024xf32>
    %broadcast_in_dim3A_548 = vector.broadcast %broadcast_in_dim3A_547 : vector<1x1024xf32> to vector<1024x1024xf32>
    %broadcast_in_dim3A_549 = vector.broadcast %jit3A_546 : f32 to vector<1024x1024xf32>
    %select_n3A_550 = arith.select %eq3A_545, %broadcast_in_dim3A_548, %broadcast_in_dim3A_549 : vector<1024x1024xi1>, vector<1024x1024xf32>
    %reduce_min3A_551 = arith.constant dense<0x7F800000> : vector<1024xf32>
    %reduce_min3A_552 = vector.multi_reduction <minimumf>, %select_n3A_550, %reduce_min3A_551 [1] : vector<1024x1024xf32> to vector<1024xf32>
    %broadcast_in_dim3A_553 = vector.shape_cast %reduce_min3A_552 : vector<1024xf32> to vector<1024x1xf32>
    %swap3A_554 = arith.constant 0 : index
    %swap3A_555 = arith.constant 0 : index
    %swap3A_556 = arith.constant 0 : index
    %swap3A_557 = arith.constant 14 : index
    %swap3A_558 = vector.load %arg4[%swap3A_554, %swap3A_555, %swap3A_556, %swap3A_557] : memref<1x1x1024x16xf32, #tpu.memory_space<vmem>>, vector<1x1x1024x1xf32>
    %swap3A_559 = vector.shape_cast %swap3A_558 : vector<1x1x1024x1xf32> to vector<1024x1xf32>
    %swap3A_560 = vector.shape_cast %broadcast_in_dim3A_543 : vector<1024x1xf32> to vector<1x1x1024x1xf32>
    tpu.vector_store %arg4[%swap3A_554, %swap3A_555, %swap3A_556, %swap3A_557], %swap3A_560 {strides = array<i32>} : memref<1x1x1024x16xf32, #tpu.memory_space<vmem>>, vector<1x1x1024x1xf32>,
    %convert_element_type3A_561 = arith.fptosi %broadcast_in_dim3A_553 : vector<1024x1xf32> to vector<1024x1xi32>
    %swap3A_562 = arith.constant 0 : index
    %swap3A_563 = arith.constant 0 : index
    %swap3A_564 = arith.constant 0 : index
    %swap3A_565 = arith.constant 14 : index
    %swap3A_566 = vector.load %arg5[%swap3A_562, %swap3A_563, %swap3A_564, %swap3A_565] : memref<1x1x1024x16xi32, #tpu.memory_space<vmem>>, vector<1x1x1024x1xi32>
    %swap3A_567 = vector.shape_cast %swap3A_566 : vector<1x1x1024x1xi32> to vector<1024x1xi32>
    %swap3A_568 = vector.shape_cast %convert_element_type3A_561 : vector<1024x1xi32> to vector<1x1x1024x1xi32>
    tpu.vector_store %arg5[%swap3A_562, %swap3A_563, %swap3A_564, %swap3A_565], %swap3A_568 {strides = array<i32>} : memref<1x1x1024x16xi32, #tpu.memory_space<vmem>>, vector<1x1x1024x1xi32>,
    %eq3A_569 = vector.broadcast %broadcast_in_dim3A_553 : vector<1024x1xf32> to vector<1024x1024xf32>
    %eq3A_570 = arith.cmpf oeq, %select_n3A_550, %eq3A_569 : vector<1024x1024xf32>
    %jit3A_571 = arith.constant 0x7F800000 : f32
    %broadcast_in_dim3A_572 = vector.broadcast %jit3A_571 : f32 to vector<1024x1024xf32>
    %select_n3A_573 = arith.select %eq3A_570, %broadcast_in_dim3A_572, %select_n3A_540 : vector<1024x1024xi1>, vector<1024x1024xf32>
    %reduce_min3A_574 = arith.constant dense<0x7F800000> : vector<1024xf32>
    %reduce_min3A_575 = vector.multi_reduction <minimumf>, %select_n3A_573, %reduce_min3A_574 [1] : vector<1024x1024xf32> to vector<1024xf32>
    %broadcast_in_dim3A_576 = vector.shape_cast %reduce_min3A_575 : vector<1024xf32> to vector<1024x1xf32>
    %eq3A_577 = vector.broadcast %broadcast_in_dim3A_576 : vector<1024x1xf32> to vector<1024x1024xf32>
    %eq3A_578 = arith.cmpf oeq, %select_n3A_573, %eq3A_577 : vector<1024x1024xf32>
    %jit3A_579 = arith.constant 2.048000e+03 : f32
    %broadcast_in_dim3A_580 = vector.shape_cast %convert_element_type3A_29 : vector<1x1024xf32> to vector<1x1024xf32>
    %broadcast_in_dim3A_581 = vector.broadcast %broadcast_in_dim3A_580 : vector<1x1024xf32> to vector<1024x1024xf32>
    %broadcast_in_dim3A_582 = vector.broadcast %jit3A_579 : f32 to vector<1024x1024xf32>
    %select_n3A_583 = arith.select %eq3A_578, %broadcast_in_dim3A_581, %broadcast_in_dim3A_582 : vector<1024x1024xi1>, vector<1024x1024xf32>
    %reduce_min3A_584 = arith.constant dense<0x7F800000> : vector<1024xf32>
    %reduce_min3A_585 = vector.multi_reduction <minimumf>, %select_n3A_583, %reduce_min3A_584 [1] : vector<1024x1024xf32> to vector<1024xf32>
    %broadcast_in_dim3A_586 = vector.shape_cast %reduce_min3A_585 : vector<1024xf32> to vector<1024x1xf32>
    %swap3A_587 = arith.constant 0 : index
    %swap3A_588 = arith.constant 0 : index
    %swap3A_589 = arith.constant 0 : index
    %swap3A_590 = arith.constant 15 : index
    %swap3A_591 = vector.load %arg4[%swap3A_587, %swap3A_588, %swap3A_589, %swap3A_590] : memref<1x1x1024x16xf32, #tpu.memory_space<vmem>>, vector<1x1x1024x1xf32>
    %swap3A_592 = vector.shape_cast %swap3A_591 : vector<1x1x1024x1xf32> to vector<1024x1xf32>
    %swap3A_593 = vector.shape_cast %broadcast_in_dim3A_576 : vector<1024x1xf32> to vector<1x1x1024x1xf32>
    tpu.vector_store %arg4[%swap3A_587, %swap3A_588, %swap3A_589, %swap3A_590], %swap3A_593 {strides = array<i32>} : memref<1x1x1024x16xf32, #tpu.memory_space<vmem>>, vector<1x1x1024x1xf32>,
    %convert_element_type3A_594 = arith.fptosi %broadcast_in_dim3A_586 : vector<1024x1xf32> to vector<1024x1xi32>
    %swap3A_595 = arith.constant 0 : index
    %swap3A_596 = arith.constant 0 : index
    %swap3A_597 = arith.constant 0 : index
    %swap3A_598 = arith.constant 15 : index
    %swap3A_599 = vector.load %arg5[%swap3A_595, %swap3A_596, %swap3A_597, %swap3A_598] : memref<1x1x1024x16xi32, #tpu.memory_space<vmem>>, vector<1x1x1024x1xi32>
    %swap3A_600 = vector.shape_cast %swap3A_599 : vector<1x1x1024x1xi32> to vector<1024x1xi32>
    %swap3A_601 = vector.shape_cast %convert_element_type3A_594 : vector<1024x1xi32> to vector<1x1x1024x1xi32>
    tpu.vector_store %arg5[%swap3A_595, %swap3A_596, %swap3A_597, %swap3A_598], %swap3A_601 {strides = array<i32>} : memref<1x1x1024x16xi32, #tpu.memory_space<vmem>>, vector<1x1x1024x1xi32>,
    return
  }
  func.func @transform_0(%arg0: i32, %arg1: i32) -> (i32, i32, i32, i32) {
    %c0_i32 = arith.constant 0 : i32
    %c0_i32_0 = arith.constant 0 : i32
    %c0_i32_1 = arith.constant 0 : i32
    return %arg0, %arg1, %c0_i32, %c0_i32_0 : i32, i32, i32, i32
  }
  func.func @transform_1(%arg0: i32, %arg1: i32) -> (i32, i32, i32, i32) {
    %c0_i32 = arith.constant 0 : i32
    %c0_i32_0 = arith.constant 0 : i32
    %c0_i32_1 = arith.constant 0 : i32
    return %arg0, %arg1, %c0_i32, %c0_i32_0 : i32, i32, i32, i32
  }
  func.func @transform_2(%arg0: i32, %arg1: i32) -> (i32, i32, i32, i32) {
    %c0_i32 = arith.constant 0 : i32
    %c0_i32_0 = arith.constant 0 : i32
    %c0_i32_1 = arith.constant 0 : i32
    return %arg0, %arg1, %c0_i32, %c0_i32_0 : i32, i32, i32, i32
  }
  func.func @transform_3(%arg0: i32, %arg1: i32) -> (i32, i32, i32, i32) {
    %c0_i32 = arith.constant 0 : i32
    %c0_i32_0 = arith.constant 0 : i32
    %c0_i32_1 = arith.constant 0 : i32
    return %arg0, %arg1, %c0_i32, %c0_i32_0 : i32, i32, i32, i32
  }
}

</mosaic_0001>

<sc_bundles>
// kernel: kernel.4.cloned.1.call-start
scs
__scs_entry_jumppad:
0x0: {  	(pc) =	sbr.rel $0x88, $3  }
0x1: {  	(tag) =	ssettag $0x0;
	lr =	simm.s32 $0x1  }
0x2: {  	[smem:$0x3FA0] =	sst lr;
	_ =	strace $0xD0000000  }
0x3: {  	_ = 	snop  }
0x4: {  	_ = 	snop  }
0x5: {  	_ = 	snop  }
0x6: {  	_ = 	snop  }
0x7: {  	_ = 	snop  }
__scs_overlays_trampoline_lowered:
0x8: {  	[smem:$0x3FAF] =	sst s0  }
0x9: {  	[smem:$0x3FB0] =	sst s1  }
0xa: {  	[smem:$0x3FB1] =	sst s2  }
0xb: {  	[smem:$0x3FB2] =	sst s3  }
0xc: {  	[smem:$0x3FB3] =	sst s4  }
0xd: {  	[smem:$0x3FB4] =	sst s5  }
0xe: {  	[smem:$0x3FB5] =	sst s6  }
0xf: {  	[smem:$0x3FB6] =	sst s7  }
0x10: {  	[smem:$0x3FB7] =	sst s8  }
0x11: {  	[smem:$0x3FB8] =	sst s9;
	s0 =	simm.s32 @!p0 $0x0  }
0x12: {  	s1 =	sld [smem:$0x3F9E];
	s0 =	simm.s32 @p0 $0x1  }
0x13: {  	[smem:$0x3FB9] =	sst s0;
	s0 =	simm.s32 @!p1 $0x0  }
0x14: {  	s2 =	sld [smem:$0x3F9D];
	s0 =	simm.s32 @p1 $0x1  }
0x15: {  	[smem:$0x3FBA] =	sst s0;
	s0 =	simm.s32 @!p2 $0x0  }
0x16: {  	s3 =	sld [smem:$0x3FDB];
	s0 =	simm.s32 @p2 $0x1  }
0x17: {  	s4 =	simm.s32 $0x1BF5;
	[smem:$0x3FBC] =	sst s0  }
0x18: {  	s0 =	sld [smem:$0x3F9F];
	_ =	swait.ge [sflag:s4], $0x0  }
0x19: {  	s7 =	sld [smem:$0x3FA0]  }
0x1a: {  	s8 =	sadd.s32 $0xFFFFE003, lr  }
0x1b: {  	s9 =	sadd.s32 $0xFFFFFEF7, lr;
	s5 =	simm.s32 $0xFFFFFFFF;
	p2 =	slt.u32 s8, $0xFFFFF086  }
0x1c: {  	p1 =	slt.u32 s9, $0xF7A;
	s5 =	simm.s32 @!p2 $0x0  }
0x1d: {  	s5 =	simm.s32 @p1 $0x1;
	p0 =	seq.s32 s7, s2  }
0x1e: {  	s7 =	smul.u32 @!p0 $0xF7A, s2;
	p2 =	seq.s32 @!p0 s5, $0x0  }
0x1f: {  	s9 =	smul.u32 $0xF7A, s1;
	s8 =	simm.s32 @!p0 $0x1BF5;
	p2 =	por !p2, p0  }
0x20: {  	[sflag:s8] =	ssyncset.s32 @!p0 $0xFFFFF086;
	s6 =	sadd.s32 @!p0 s3, s7;
	s7 =	simm.s32 @!p0 $0x108  }
0x21: {  	s3 =	sadd.s32 s3, s9;
	s6 =	sadd.s32 @!p0 $0x88, s6;
	s7 =	simm.s32 @p2 $0x1082  }
0x22: {  	[simem:s7], [sflag:s8] =	dma.local @!p0 [hbm:s6], $0xF7A  }
0x23: {  	s9 =	sor.u32 $0xD0000000, s2;
	s6 =	simm.s32 $0x108;
	_ =	swait.ge @!p0 [sflag:s8], $0x0  }
0x24: {  	s3 =	sadd.s32 $0x88, s3;
	s6 =	simm.s32 @!p1 $0x1082;
	[sflag:s4] =	ssyncset.s32 $0xFFFFF086  }
0x25: {  	[simem:s6], [sflag:s4] =	dma.local [hbm:s3], $0xF7A  }
0x26: {  	[smem:$0x3FA0] =	sst s1;
	(tag) =	ssettag s2;
	_ =	strace s9  }
0x27: {  	s1 =	sld [smem:$0x3FB0]  }
0x28: {  	s2 =	sld [smem:$0x3FB1]  }
0x29: {  	s4 =	sld [smem:$0x3FB3]  }
0x2a: {  	p0 =	seq.s32 s5, $0x0;
	s5 =	sld [smem:$0x3FB4]  }
0x2b: {  	s6 =	sld [smem:$0x3FB5]  }
0x2c: {  	s7 =	sld [smem:$0x3FB6]  }
0x2d: {  	s3 =	simm.s32 $0x108;
	s8 =	sld [smem:$0x3FB7]  }
0x2e: {  	s3 =	simm.s32 @!p0 $0x1082;
	s9 =	sld [smem:$0x3FB8]  }
0x2f: {  	lr =	sadd.s32 s0, s3;
	s0 =	sld [smem:$0x3FAF]  }
0x30: {  	s3 =	sld [smem:$0x3FB2]  }
0x31: {  	[smem:$0x3FBB] =	sst s10  }
0x32: {  	s10 =	sld [smem:$0x3FB9];
	_ =	sdelay $0x3  }
0x33: {  	p0 =	seq.s32 s10, $0x1;
	s10 =	sld [smem:$0x3FBB];
	_ =	sdelay $0x3  }
0x34: {  	[smem:$0x3FBB] =	sst s10  }
0x35: {  	s10 =	sld [smem:$0x3FBA];
	_ =	sdelay $0x3  }
0x36: {  	p1 =	seq.s32 s10, $0x1;
	s10 =	sld [smem:$0x3FBB];
	_ =	sdelay $0x3  }
0x37: {  	[smem:$0x3FBB] =	sst s10  }
0x38: {  	s10 =	sld [smem:$0x3FBC]  }
0x39: {  	_ = 	snop;
	(pc) =	sbr.ind lr, $3  }
0x3a: {  	_ = 	snop  }
0x3b: {  	_ = 	snop  }
0x3c: {  	p2 =	seq.s32 s10, $0x1;
	s10 =	sld [smem:$0x3FBB]  }
0x3d: {  	_ =	shalt  }
0x3e: {  	_ =	shalt  }
0x3f: {  	_ =	shalt  }
0x40: {  	_ =	shalt  }
0x41: {  	_ =	shalt  }
0x42: {  	_ =	shalt  }
0x43: {  	_ =	shalt  }
0x44: {  	_ =	shalt  }
0x45: {  	_ =	shalt  }
0x46: {  	_ =	shalt  }
0x47: {  	_ =	shalt  }
0x48: {  	_ =	shalt  }
0x49: {  	_ =	shalt  }
0x4a: {  	_ =	shalt  }
0x4b: {  	_ =	shalt  }
0x4c: {  	_ =	shalt  }
0x4d: {  	_ =	shalt  }
0x4e: {  	_ =	shalt  }
0x4f: {  	_ =	shalt  }
0x50: {  	_ =	shalt  }
0x51: {  	_ =	shalt  }
0x52: {  	_ =	shalt  }
0x53: {  	_ =	shalt  }
0x54: {  	_ =	shalt  }
0x55: {  	_ =	shalt  }
0x56: {  	_ =	shalt  }
0x57: {  	_ =	shalt  }
0x58: {  	_ =	shalt  }
0x59: {  	_ =	shalt  }
0x5a: {  	_ =	shalt  }
0x5b: {  	_ =	shalt  }
0x5c: {  	_ =	shalt  }
0x5d: {  	_ =	shalt  }
0x5e: {  	_ =	shalt  }
0x5f: {  	_ =	shalt  }
0x60: {  	_ =	shalt  }
0x61: {  	_ =	shalt  }
0x62: {  	_ =	shalt  }
0x63: {  	_ =	shalt  }
0x64: {  	_ =	shalt  }
0x65: {  	_ =	shalt  }
0x66: {  	_ =	shalt  }
0x67: {  	_ =	shalt  }
0x68: {  	_ =	shalt  }
0x69: {  	_ =	shalt  }
0x6a: {  	_ =	shalt  }
0x6b: {  	_ =	shalt  }
0x6c: {  	_ =	shalt  }
0x6d: {  	_ =	shalt  }
0x6e: {  	_ =	shalt  }
0x6f: {  	_ =	shalt  }
0x70: {  	_ =	shalt  }
0x71: {  	_ =	shalt  }
0x72: {  	_ =	shalt  }
0x73: {  	_ =	shalt  }
0x74: {  	_ =	shalt  }
0x75: {  	_ =	shalt  }
0x76: {  	_ =	shalt  }
0x77: {  	_ =	shalt  }
0x78: {  	_ =	shalt  }
0x79: {  	_ =	shalt  }
0x7a: {  	_ =	shalt  }
0x7b: {  	_ =	shalt  }
0x7c: {  	_ =	shalt  }
0x7d: {  	_ =	shalt  }
0x7e: {  	_ =	shalt  }
0x7f: {  	_ =	shalt  }
0x80: {  	_ =	shalt  }
0x81: {  	_ =	shalt  }
0x82: {  	_ =	shalt  }
0x83: {  	_ =	shalt  }
0x84: {  	_ =	shalt  }
0x85: {  	_ =	shalt  }
0x86: {  	_ =	shalt  }
0x87: {  	_ =	shalt  }
.Lfunc_end0:
.L_simem_size_0:
called_computation.2_lowered:
.L_overlay_start_0:
0x88: {  	s2 =	sld [smem:$0x3FD9]  }
0x89: {  	s3 =	sld [smem:$0x3FFE];
	_ =	sdelay $0x1  }
0x8a: {  	s1 =	srdreg.scid  }
0x8b: {  	s0 =	sand.u32 $0x1, s1  }
0x8c: {  	s14 =	sshll.u32 s0, $0xA;
	s2 =	sadd.s32 s3, s2  }
0x8d: {  	s2 =	sadd.s32 s2, s14  }
0x8e: {  	[smem:$0x3FC7] =	sst s2  }
0x8f: {  	_ = 	snop  }
0x90: {  	s2 =	sld [smem:$0x3FD0];
	_ =	sdelay $0x2  }
0x91: {  	s15 =	simm.s32 $0xB;
	s4 =	simm.s32 $0x10  }
0x92: {  	[smem:s4], [sflag:s15] =	dma.local [hbm:s2], $0x1  }
0x93: {  	_ =	swait.eq [sflag:s15], $0x1  }
0x94: {  	s16 =	sld [smem:$0x10];
	[sflag:s15] =	ssyncset.done $0x0  }
0x95: {  	s17 =	sld [smem:$0x12];
	[sflag:s15] =	ssyncadd.s32 $0xFFFFFFFF  }
0x96: {  	s18 =	sld [smem:$0x14];
	(tm) =	ssettm $0x1  }
0x97: {  	s5 =	sld [smem:$0x3FFB];
	_ =	sdelay $0x3  }
0x98: {  	_ =	strace s5  }
0x99: {  	s5 =	sld [smem:$0x3FFC];
	_ =	sdelay $0x3  }
0x9a: {  	_ =	strace s5  }
0x9b: {  	s5 =	sld [smem:$0x3FFD];
	_ =	sdelay $0x3  }
0x9c: {  	_ =	strace s5  }
0x9d: {  	_ =	strace $0x8FFFFFFF  }
0x9e: {  	s19 =	sld [smem:$0x3FDB];
	_ =	sdelay $0x1  }
0x9f: {  	s6 =	simm.s32 $_scs_section_size  }
0xa0: {  	s7 =	simm.s32 $_size__tile_overlayer_lowered;
	s8 =	simm.s32 $_tile_overlayer_lowered  }
0xa1: {  	s22 =	simm.s32 $0x1BFF;
	s21 =	sshll.u32 s8, $0x1;
	s5 =	sadd.s32 s6, s19  }
0xa2: {  	s9 =	simm.s32 $0x0;
	s20 =	sshll.u32 s7, $0x1;
	s7 =	sadd.s32 s21, s5  }
0xa3: {  	[timem:s9], [sflag:s22] =	dma.local [hbm:s7], s20  }
0xa4: {  	_ =	swait.ge [sflag:s22], s20  }
0xa5: {  	s6 =	ssub.s32 $0x0, s20;
	[sflag:s22] =	ssyncset.done $0x0  }
0xa6: {  	[sflag:s22] =	ssyncadd.s32 s6;
	_ =	sdelay $0x1  }
0xa7: {  	s23 =	simm.s32 $0x1B8B  }
0xa8: {  	_ =	swait.ge [sflag:s23], $0x1  }
0xa9: {  	[sflag:s23] =	ssyncset.done $0x0  }
0xaa: {  	s25 =	simm.s32 $0x1B8E;
	s24 =	sld [smem:$0x3FFE];
	[sflag:s23] =	ssyncadd.s32 $0xFFFFFFFF  }
0xab: {  	s26 =	simm.s32 $execute0_lowered;
	[smem:$0x3FD2] =	sst s25  }
0xac: {  	s7 =	sshll.u32 s26, $0x1;
	_ =	strace $0x80000046;
	[dreg:$0x1] =	wrdreg $0xFFFFFFFF  }
0xad: {  	s28 =	simm.s32 $_size_execute0_lowered;
	s5 =	sadd.s32 s5, s7;
	[dreg:$0x0] =	wrdreg $0x0  }
0xae: {  	s7 =	sshll.u32 s28, $0x1;
	[dreg:$0x2] =	wrdreg s5  }
0xaf: {  	[dreg:$0x3] =	wrdreg s7  }
0xb0: {  	[dreg:$0x4] =	wrdreg $0xC0  }
0xb1: {  	_ =	task [dreg:s9], $0x5FFFF  }
0xb2: {  	[dreg:$0x1] =	wrdreg $0xFFFFFFFF  }
0xb3: {  	[dreg:$0x0] =	wrdreg $0x60  }
0xb4: {  	[dreg:$0x2] =	wrdreg s16  }
0xb5: {  	[dreg:$0x3] =	wrdreg s17  }
0xb6: {  	[dreg:$0x4] =	wrdreg s18  }
0xb7: {  	[dreg:$0x5] =	wrdreg s24  }
0xb8: {  	[dreg:$0x6] =	wrdreg $0x9  }
0xb9: {  	_ =	task.clear_ibuf [dreg:s9], $0x7FFFF;
	_ =	strace $0x90000046  }
0xba: {  	s29 =	simm.s32 $0x9;
	_ =	strace $0x80000048  }
0xbb: {  	_ =	swait.ge [sflag:s29], $0x1  }
0xbc: {  	[sflag:s29] =	ssyncadd.s32 $0xFFFFFFFF  }
0xbd: {  	_ =	strace $0x90000048  }
0xbe: {  	_ =	sfence  }
0xbf: {  	s30 =	sld [smem:$0x0];
	_ =	sdelay $0x2  }
0xc0: {  	s31 =	sshll.u32 s1, $0xD;
	s1 =	sshrl.u32 s1, $0x2  }
0xc1: {  	s3 =	sand.u32 $0x4000, s31;
	s1 =	sadd.s32 s1, s30  }
0xc2: {  	s0 =	sor.u32 s3, s0;
	s1 =	sshll.u32 s1, $0x11  }
0xc3: {  	s0 =	sor.u32 s1, s0  }
0xc4: {  	s0 =	sadd.s32 $0x8F2B, s0  }
0xc5: {  	[sflag:s0] =	ssyncadd.remote.s32 $0x1  }
0xc6: {  	_ =	sfence.sel $0xFFFF  }
0xc7: {  	[dreg:$0x0] =	wrdreg $0xFFFFFFFF;
	(pc) =	sbr.abs _section_cstart, $3  }
0xc8: {  	[dreg:$0x1] =	wrdreg $0xFFFFFFFF  }
0xc9: {  	_ =	task.clear_ibuf [dreg:s9], $0x2FFFF;
	_ =	strace $0x9FFFFFFF  }
0xca: {  	(tm) =	ssettm $0x7FFFFFFF  }
0xcb: {  	_ =	shalt  }
tec
execute0_lowered:
.L_overlay_start_1:
0x0: {  	(tag) =	ssettag $0x1  }
0x1: {  	s1 =	rddreg [dreg:$0x0]  }
0x2: {  	s5 =	rddreg [dreg:$0x1]  }
0x3: {  	s0 =	srdreg.scid;
	s7 =	rddreg [dreg:$0x2]  }
0x4: {  	s2 =	stileid.u32;
	s25 =	rddreg [dreg:$0x3]  }
0x5: {  	s6 =	simm.s32 $0x1;
	s10 =	simm.s32 $0x380;
	s0 =	sand.u32 $0x1, s0  }
0x6: {  	s2 =	sshll.u32 s2, $0x4;
	s3 =	sshll.u32 s0, $0x3;
	s0 =	ssub.s32 $0x2, s0  }
0x7: {  	s11 =	sadd.s32 $0x1400, s25;
	s4 =	sor.u32 s3, s2;
	s26 =	sshrl.u32 s0, $0x1  }
0x8: {  	s2 =	sand.u32 $0x18, s4;
	s8 =	sshrl.u32 s4, $0x3;
	s0 =	ssub.s32 s0, s26  }
0x9: {  	p0 =	sne.s32 s2, $0x0;
	s2 =	simm.s32 $0x0;
	s9 =	smul.u32 $0xC00, s8  }
0xa: {  	s8 =	smul.u32 $0xC000, s8;
	s6 =	simm.s32 @!p0 $0x0;
	[smem:$0x7FF] =	sst s2  }
0xb: {  	s10 =	simm.s32 @!p0 $0x0;
	s6 =	ssub.s32 s4, s6;
	_ =	strace $0x80000047  }
0xc: {  	s3 =	sadd.s32 s1, s9;
	s12 =	sadd.s32 s7, s8;
	s13 =	sadd.s32 s11, s8  }
0xd: {  	s14 =	sor.u32 $0x10, s8;
	s16 =	sor.u32 $0x20, s8;
	s18 =	sor.u32 $0x30, s8  }
0xe: {  	s20 =	sor.u32 $0x40, s8;
	s22 =	sor.u32 $0x50, s8;
	s24 =	sor.u32 $0x60, s8  }
0xf: {  	s26 =	sor.u32 $0x70, s8;
	s6 =	sshrl.u32 s6, $0x3;
	[dreg:$0x6] =	wrdreg s12  }
0x10: {  	[dreg:$0x7] =	wrdreg s13;
	s9 =	sadd.s32 $0x10, s3;
	s15 =	sadd.s32 s7, s14  }
0x11: {  	s17 =	sadd.s32 s7, s16;
	s19 =	sadd.s32 s7, s18;
	[dreg:$0x8] =	wrdreg s15  }
0x12: {  	s21 =	sadd.s32 s7, s20;
	s23 =	sadd.s32 s7, s22;
	[dreg:$0xa] =	wrdreg s17  }
0x13: {  	s25 =	sadd.s32 s7, s24;
	s29 =	sadd.s32 $0x30, s3;
	[dreg:$0xc] =	wrdreg s19  }
0x14: {  	s31 =	sadd.s32 $0x40, s3;
	s12 =	simm.s32 $0x80;
	[dreg:$0xe] =	wrdreg s21  }
0x15: {  	s13 =	simm.s32 $0x400;
	s6 =	smul.u32 $0x6000, s6;
	[dreg:$0x10] =	wrdreg s23  }
0x16: {  	[dreg:$0x12] =	wrdreg s25;
	s23 =	sadd.s32 s11, s26;
	s25 =	smax.u32 s0, $0x1  }
0x17: {  	s0 =	sadd.s32 $0x50, s3;
	s15 =	simm.s32 $0x1800;
	s6 =	sor.u32 s10, s6  }
0x18: {  	s17 =	simm.s32 $0x11800;
	s10 =	sshll.u32 s4, $0xB;
	s6 =	sshrl.u32 s6, $0x3  }
0x19: {  	s4 =	simm.s32 $0x1;
	s1 =	sadd.s32 s1, s6;
	s6 =	sadd.s32 s5, s10  }
0x1a: {  	s5 =	sadd.s32 s11, s16;
	s10 =	sadd.s32 $0x70, s3;
	[dreg:$0x5] =	wrdreg s1  }
0x1b: {  	s16 =	simm.s32 $0x5800;
	s1 =	sadd.s32 s11, s14;
	[dreg:$0xb] =	wrdreg s5  }
0x1c: {  	s5 =	sadd.s32 s11, s20;
	s28 =	sadd.s32 $0x20, s6;
	s30 =	sadd.s32 $0x30, s6  }
0x1d: {  	s8 =	sadd.s32 $0x60, s6;
	s14 =	simm.s32 $0xC00;
	[dreg:$0x9] =	wrdreg s1  }
0x1e: {  	s1 =	sadd.s32 s11, s18;
	[dreg:$0xf] =	wrdreg s5;
	s5 =	sadd.s32 s11, s24  }
0x1f: {  	s24 =	sadd.s32 $0x10, s6;
	s18 =	simm.s32 $0x0;
	[dreg:$0xd] =	wrdreg s1  }
0x20: {  	s1 =	sadd.s32 s11, s22;
	[dreg:$0x13] =	wrdreg s5;
	s22 =	sadd.s32 s7, s26  }
0x21: {  	v0 =	vlaneseq.u32;
	s26 =	sadd.s32 $0x20, s3;
	s5 =	sadd.s32 $0x50, s6;
	s7 =	sadd.s32 $0x60, s3  }
0x22: {  	v0 =	vmul.u32 $0x3, v0;
	s11 =	sadd.s32 $0x70, s6;
	[dreg:$0x11] =	wrdreg s1;
	s1 =	sadd.s32 $0x40, s6  }
.LBB2_1:
0x23: {  	[tilespmem:s2], [sflag:$0x1] =	stream.strided.gather [hbm4b:s3+s12], $0xC00, s13, s12, $0x38;
	[tilespmem:$0x1D800] =	vst v63  }
0x24: {  	_ =	swait.ge [sflag:s4], $0xC00  }
0x25: {  	[sflag:s4] =	ssyncset.done $0x0  }
0x26: {  	s19 =	rddreg [dreg:$0x5];
	[sflag:s4] =	ssyncadd.s32 $0xFFFFF400  }
0x27: {  	[tilespmem:s14], [sflag:$0x1] =	stream.strided.gather [hbm4b:s19+s12], $0xC00, s13, s12, $0x38;
	[tilespmem:$0x1D800] =	vst v63  }
0x28: {  	_ =	swait.ge [sflag:s4], $0xC00  }
0x29: {  	[sflag:s4] =	ssyncset.done $0x0  }
0x2a: {  	[sflag:s4] =	ssyncadd.s32 $0xFFFFF400  }
0x2b: {  	[tilespmem:s15], [sflag:$0x1] =	stream.strided.gather [hbm4b:s6+s12], $0x4000, s13, s12, $0x38;
	[tilespmem:$0x1D800] =	vst v63  }
0x2c: {  	_ =	swait.ge [sflag:s4], $0x4000  }
0x2d: {  	[sflag:s4] =	ssyncset.done $0x0  }
0x2e: {  	s20 =	simm.s32 $0x1810;
	s19 =	simm.s32 $0x32;
	[sflag:s4] =	ssyncadd.s32 $0xFFFFC000  }
.LBB2_2:
0x2f: {  	v1 =	vld [tilespmem:s20+$0xFFFFFFF0];
	_ =	sdelay $0x4  }
0x30: {  	v1 =	vmul.u32 $0x3, v1;
	_ =	sdelay $0x4  }
0x31: {  	s21 =	sadd.s32 $0xFFFFFFCE, s19  }
0x32: {  	v2 =	vadd.s32 s21, v0;
	v3 =	vld.idx.msk [tilespmem:v1+s2+$0x0], $0xffff;
	_ =	sdelay $0x4  }
0x33: {  	[tilespmem:v2+s16+$0x0] =	vst.idx.msk $0xffff, v3  }
0x34: {  	v3 =	vld.idx.msk [tilespmem:v1+s14+$0x0], $0xffff  }
0x35: {  	v4 =	vadd.s32 $0x1, v1;
	_ =	sdelay $0x3  }
0x36: {  	s21 =	sadd.s32 $0xFFFFFFCF, s19;
	[tilespmem:v2+s17+$0x0] =	vst.idx.msk $0xffff, v3  }
0x37: {  	v2 =	vadd.s32 s21, v0;
	v3 =	vld.idx.msk [tilespmem:v4+s2+$0x0], $0xffff;
	_ =	sdelay $0x4  }
0x38: {  	[tilespmem:v2+s16+$0x0] =	vst.idx.msk $0xffff, v3  }
0x39: {  	v3 =	vld.idx.msk [tilespmem:v4+s14+$0x0], $0xffff  }
0x3a: {  	v1 =	vadd.s32 $0x2, v1;
	_ =	sdelay $0x3  }
0x3b: {  	s21 =	sadd.s32 $0xFFFFFFD0, s19;
	[tilespmem:v2+s17+$0x0] =	vst.idx.msk $0xffff, v3  }
0x3c: {  	v2 =	vadd.s32 s21, v0;
	v3 =	vld.idx.msk [tilespmem:v1+s2+$0x0], $0xffff;
	_ =	sdelay $0x4  }
0x3d: {  	[tilespmem:v2+s16+$0x0] =	vst.idx.msk $0xffff, v3  }
0x3e: {  	v1 =	vld.idx.msk [tilespmem:v1+s14+$0x0], $0xffff;
	_ =	sdelay $0x4  }
0x3f: {  	[tilespmem:v2+s17+$0x0] =	vst.idx.msk $0xffff, v1  }
0x40: {  	v1 =	vld [tilespmem:s20+$0x0];
	_ =	sdelay $0x4  }
0x41: {  	v1 =	vmul.u32 $0x3, v1;
	_ =	sdelay $0x4  }
0x42: {  	s21 =	sadd.s32 $0xFFFFFFFE, s19  }
0x43: {  	v2 =	vadd.s32 s21, v0;
	v3 =	vld.idx.msk [tilespmem:v1+s2+$0x0], $0xffff;
	_ =	sdelay $0x4  }
0x44: {  	[tilespmem:v2+s16+$0x0] =	vst.idx.msk $0xffff, v3  }
0x45: {  	v3 =	vld.idx.msk [tilespmem:v1+s14+$0x0], $0xffff  }
0x46: {  	v63 =	vadd.s32 $0x1, v1;
	_ =	sdelay $0x3  }
0x47: {  	s21 =	sadd.s32 $0xFFFFFFFF, s19;
	[tilespmem:v2+s17+$0x0] =	vst.idx.msk $0xffff, v3  }
0x48: {  	v2 =	vadd.s32 s21, v0;
	v3 =	vld.idx.msk [tilespmem:v63+s2+$0x0], $0xffff;
	_ =	sdelay $0x4  }
0x49: {  	[tilespmem:v2+s16+$0x0] =	vst.idx.msk $0xffff, v3  }
0x4a: {  	v3 =	vld.idx.msk [tilespmem:v63+s14+$0x0], $0xffff  }
0x4b: {  	v1 =	vadd.s32 $0x2, v1;
	_ =	sdelay $0x3  }
0x4c: {  	[tilespmem:v2+s17+$0x0] =	vst.idx.msk $0xffff, v3  }
0x4d: {  	v2 =	vadd.s32 s19, v0;
	v3 =	vld.idx.msk [tilespmem:v1+s2+$0x0], $0xffff;
	_ =	sdelay $0x4  }
0x4e: {  	[tilespmem:v2+s16+$0x0] =	vst.idx.msk $0xffff, v3  }
0x4f: {  	p0 =	sne.s32 s19, $0xBFD2;
	v1 =	vld.idx.msk [tilespmem:v1+s14+$0x0], $0xffff  }
.Ltmp0:
0x50: {  	_ = 	snop;
	(pc) =	sbr.rel @p0 .LBB2_2-.Ltmp0, $2  }
0x51: {  	_ =	sdelay $0x2  }
0x52: {  	s20 =	sadd.s32 $0x20, s20;
	s19 =	sadd.s32 $0x60, s19;
	[tilespmem:v2+s17+$0x0] =	vst.idx.msk $0xffff, v1  }
0x53: {  	s19 =	rddreg [dreg:$0x6]  }
0x54: {  	[hbm4b:s19+s12] =	stream.strided.scatter [tilespmem:s16], [sflag:$0x1], $0xC000, s13, s12, $0x38;
	[tilespmem:$0x1D800] =	vst v63  }
0x55: {  	_ =	swait.ge [sflag:s4], $0xC000  }
0x56: {  	[sflag:s4] =	ssyncset.done $0x0  }
0x57: {  	s21 =	rddreg [dreg:$0x7];
	[sflag:s4] =	ssyncadd.s32 $0xFFFF4000  }
0x58: {  	[hbm4b:s21+s12] =	stream.strided.scatter [tilespmem:s17], [sflag:$0x1], $0xC000, s13, s12, $0x38;
	[tilespmem:$0x1D800] =	vst v63  }
0x59: {  	_ =	swait.ge [sflag:s4], $0xC000  }
0x5a: {  	[sflag:s4] =	ssyncset.done $0x0  }
0x5b: {  	[sflag:s4] =	ssyncadd.s32 $0xFFFF4000  }
0x5c: {  	[tilespmem:s2], [sflag:$0x1] =	stream.strided.gather [hbm4b:s9+s12], $0xC00, s13, s12, $0x38;
	[tilespmem:$0x1D800] =	vst v63  }
0x5d: {  	_ =	swait.ge [sflag:s4], $0xC00  }
0x5e: {  	[sflag:s4] =	ssyncset.done $0x0  }
0x5f: {  	[sflag:s4] =	ssyncadd.s32 $0xFFFFF400  }
0x60: {  	[tilespmem:s14], [sflag:$0x1] =	stream.strided.gather [hbm4b:s3+s12], $0xC00, s13, s12, $0x38;
	[tilespmem:$0x1D800] =	vst v63  }
0x61: {  	_ =	swait.ge [sflag:s4], $0xC00  }
0x62: {  	[sflag:s4] =	ssyncset.done $0x0  }
0x63: {  	[sflag:s4] =	ssyncadd.s32 $0xFFFFF400  }
0x64: {  	[tilespmem:s15], [sflag:$0x1] =	stream.strided.gather [hbm4b:s24+s12], $0x4000, s13, s12, $0x38;
	[tilespmem:$0x1D800] =	vst v63  }
0x65: {  	_ =	swait.ge [sflag:s4], $0x4000  }
0x66: {  	[sflag:s4] =	ssyncset.done $0x0  }
0x67: {  	s20 =	simm.s32 $0x1810;
	s19 =	simm.s32 $0x32;
	[sflag:s4] =	ssyncadd.s32 $0xFFFFC000  }
.LBB2_4:
0x68: {  	v1 =	vld [tilespmem:s20+$0xFFFFFFF0];
	_ =	sdelay $0x4  }
0x69: {  	v1 =	vmul.u32 $0x3, v1;
	_ =	sdelay $0x4  }
0x6a: {  	s21 =	sadd.s32 $0xFFFFFFCE, s19  }
0x6b: {  	v2 =	vadd.s32 s21, v0;
	v3 =	vld.idx.msk [tilespmem:v1+s2+$0x0], $0xffff;
	_ =	sdelay $0x4  }
0x6c: {  	[tilespmem:v2+s16+$0x0] =	vst.idx.msk $0xffff, v3  }
0x6d: {  	v3 =	vld.idx.msk [tilespmem:v1+s14+$0x0], $0xffff  }
0x6e: {  	v4 =	vadd.s32 $0x1, v1;
	_ =	sdelay $0x3  }
0x6f: {  	s21 =	sadd.s32 $0xFFFFFFCF, s19;
	[tilespmem:v2+s17+$0x0] =	vst.idx.msk $0xffff, v3  }
0x70: {  	v2 =	vadd.s32 s21, v0;
	v3 =	vld.idx.msk [tilespmem:v4+s2+$0x0], $0xffff;
	_ =	sdelay $0x4  }
0x71: {  	[tilespmem:v2+s16+$0x0] =	vst.idx.msk $0xffff, v3  }
0x72: {  	v3 =	vld.idx.msk [tilespmem:v4+s14+$0x0], $0xffff  }
0x73: {  	v1 =	vadd.s32 $0x2, v1;
	_ =	sdelay $0x3  }
0x74: {  	s21 =	sadd.s32 $0xFFFFFFD0, s19;
	[tilespmem:v2+s17+$0x0] =	vst.idx.msk $0xffff, v3  }
0x75: {  	v2 =	vadd.s32 s21, v0;
	v3 =	vld.idx.msk [tilespmem:v1+s2+$0x0], $0xffff;
	_ =	sdelay $0x4  }
0x76: {  	[tilespmem:v2+s16+$0x0] =	vst.idx.msk $0xffff, v3  }
0x77: {  	v1 =	vld.idx.msk [tilespmem:v1+s14+$0x0], $0xffff;
	_ =	sdelay $0x4  }
0x78: {  	[tilespmem:v2+s17+$0x0] =	vst.idx.msk $0xffff, v1  }
0x79: {  	v1 =	vld [tilespmem:s20+$0x0];
	_ =	sdelay $0x4  }
0x7a: {  	v1 =	vmul.u32 $0x3, v1;
	_ =	sdelay $0x4  }
0x7b: {  	s21 =	sadd.s32 $0xFFFFFFFE, s19  }
0x7c: {  	v2 =	vadd.s32 s21, v0;
	v3 =	vld.idx.msk [tilespmem:v1+s2+$0x0], $0xffff;
	_ =	sdelay $0x4  }
0x7d: {  	[tilespmem:v2+s16+$0x0] =	vst.idx.msk $0xffff, v3  }
0x7e: {  	v3 =	vld.idx.msk [tilespmem:v1+s14+$0x0], $0xffff  }
0x7f: {  	v63 =	vadd.s32 $0x1, v1;
	_ =	sdelay $0x3  }
0x80: {  	s21 =	sadd.s32 $0xFFFFFFFF, s19;
	[tilespmem:v2+s17+$0x0] =	vst.idx.msk $0xffff, v3  }
0x81: {  	v2 =	vadd.s32 s21, v0;
	v3 =	vld.idx.msk [tilespmem:v63+s2+$0x0], $0xffff;
	_ =	sdelay $0x4  }
0x82: {  	[tilespmem:v2+s16+$0x0] =	vst.idx.msk $0xffff, v3  }
0x83: {  	v3 =	vld.idx.msk [tilespmem:v63+s14+$0x0], $0xffff  }
0x84: {  	v1 =	vadd.s32 $0x2, v1;
	_ =	sdelay $0x3  }
0x85: {  	[tilespmem:v2+s17+$0x0] =	vst.idx.msk $0xffff, v3  }
0x86: {  	v2 =	vadd.s32 s19, v0;
	v3 =	vld.idx.msk [tilespmem:v1+s2+$0x0], $0xffff;
	_ =	sdelay $0x4  }
0x87: {  	[tilespmem:v2+s16+$0x0] =	vst.idx.msk $0xffff, v3  }
0x88: {  	p0 =	sne.s32 s19, $0xBFD2;
	v1 =	vld.idx.msk [tilespmem:v1+s14+$0x0], $0xffff  }
.Ltmp1:
0x89: {  	_ = 	snop;
	(pc) =	sbr.rel @p0 .LBB2_4-.Ltmp1, $2  }
0x8a: {  	_ =	sdelay $0x2  }
0x8b: {  	s20 =	sadd.s32 $0x20, s20;
	s19 =	sadd.s32 $0x60, s19;
	[tilespmem:v2+s17+$0x0] =	vst.idx.msk $0xffff, v1  }
0x8c: {  	s19 =	rddreg [dreg:$0x8]  }
0x8d: {  	[hbm4b:s19+s12] =	stream.strided.scatter [tilespmem:s16], [sflag:$0x1], $0xC000, s13, s12, $0x38;
	[tilespmem:$0x1D800] =	vst v63  }
0x8e: {  	_ =	swait.ge [sflag:s4], $0xC000  }
0x8f: {  	[sflag:s4] =	ssyncset.done $0x0  }
0x90: {  	s21 =	rddreg [dreg:$0x9];
	[sflag:s4] =	ssyncadd.s32 $0xFFFF4000  }
0x91: {  	[hbm4b:s21+s12] =	stream.strided.scatter [tilespmem:s17], [sflag:$0x1], $0xC000, s13, s12, $0x38;
	[tilespmem:$0x1D800] =	vst v63  }
0x92: {  	_ =	swait.ge [sflag:s4], $0xC000  }
0x93: {  	[sflag:s4] =	ssyncset.done $0x0  }
0x94: {  	[sflag:s4] =	ssyncadd.s32 $0xFFFF4000  }
0x95: {  	[tilespmem:s2], [sflag:$0x1] =	stream.strided.gather [hbm4b:s26+s12], $0xC00, s13, s12, $0x38;
	[tilespmem:$0x1D800] =	vst v63  }
0x96: {  	_ =	swait.ge [sflag:s4], $0xC00  }
0x97: {  	[sflag:s4] =	ssyncset.done $0x0  }
0x98: {  	[sflag:s4] =	ssyncadd.s32 $0xFFFFF400  }
0x99: {  	[tilespmem:s14], [sflag:$0x1] =	stream.strided.gather [hbm4b:s9+s12], $0xC00, s13, s12, $0x38;
	[tilespmem:$0x1D800] =	vst v63  }
0x9a: {  	_ =	swait.ge [sflag:s4], $0xC00  }
0x9b: {  	[sflag:s4] =	ssyncset.done $0x0  }
0x9c: {  	[sflag:s4] =	ssyncadd.s32 $0xFFFFF400  }
0x9d: {  	[tilespmem:s15], [sflag:$0x1] =	stream.strided.gather [hbm4b:s28+s12], $0x4000, s13, s12, $0x38;
	[tilespmem:$0x1D800] =	vst v63  }
0x9e: {  	_ =	swait.ge [sflag:s4], $0x4000  }
0x9f: {  	[sflag:s4] =	ssyncset.done $0x0  }
0xa0: {  	s20 =	simm.s32 $0x1810;
	s19 =	simm.s32 $0x32;
	[sflag:s4] =	ssyncadd.s32 $0xFFFFC000  }
.LBB2_6:
0xa1: {  	v1 =	vld [tilespmem:s20+$0xFFFFFFF0];
	_ =	sdelay $0x4  }
0xa2: {  	v1 =	vmul.u32 $0x3, v1;
	_ =	sdelay $0x4  }
0xa3: {  	s21 =	sadd.s32 $0xFFFFFFCE, s19  }
0xa4: {  	v2 =	vadd.s32 s21, v0;
	v3 =	vld.idx.msk [tilespmem:v1+s2+$0x0], $0xffff;
	_ =	sdelay $0x4  }
0xa5: {  	[tilespmem:v2+s16+$0x0] =	vst.idx.msk $0xffff, v3  }
0xa6: {  	v3 =	vld.idx.msk [tilespmem:v1+s14+$0x0], $0xffff  }
0xa7: {  	v4 =	vadd.s32 $0x1, v1;
	_ =	sdelay $0x3  }
0xa8: {  	s21 =	sadd.s32 $0xFFFFFFCF, s19;
	[tilespmem:v2+s17+$0x0] =	vst.idx.msk $0xffff, v3  }
0xa9: {  	v2 =	vadd.s32 s21, v0;
	v3 =	vld.idx.msk [tilespmem:v4+s2+$0x0], $0xffff;
	_ =	sdelay $0x4  }
0xaa: {  	[tilespmem:v2+s16+$0x0] =	vst.idx.msk $0xffff, v3  }
0xab: {  	v3 =	vld.idx.msk [tilespmem:v4+s14+$0x0], $0xffff  }
0xac: {  	v1 =	vadd.s32 $0x2, v1;
	_ =	sdelay $0x3  }
0xad: {  	s21 =	sadd.s32 $0xFFFFFFD0, s19;
	[tilespmem:v2+s17+$0x0] =	vst.idx.msk $0xffff, v3  }
0xae: {  	v2 =	vadd.s32 s21, v0;
	v3 =	vld.idx.msk [tilespmem:v1+s2+$0x0], $0xffff;
	_ =	sdelay $0x4  }
0xaf: {  	[tilespmem:v2+s16+$0x0] =	vst.idx.msk $0xffff, v3  }
0xb0: {  	v1 =	vld.idx.msk [tilespmem:v1+s14+$0x0], $0xffff;
	_ =	sdelay $0x4  }
0xb1: {  	[tilespmem:v2+s17+$0x0] =	vst.idx.msk $0xffff, v1  }
0xb2: {  	v1 =	vld [tilespmem:s20+$0x0];
	_ =	sdelay $0x4  }
0xb3: {  	v1 =	vmul.u32 $0x3, v1;
	_ =	sdelay $0x4  }
0xb4: {  	s21 =	sadd.s32 $0xFFFFFFFE, s19  }
0xb5: {  	v2 =	vadd.s32 s21, v0;
	v3 =	vld.idx.msk [tilespmem:v1+s2+$0x0], $0xffff;
	_ =	sdelay $0x4  }
0xb6: {  	[tilespmem:v2+s16+$0x0] =	vst.idx.msk $0xffff, v3  }
0xb7: {  	v3 =	vld.idx.msk [tilespmem:v1+s14+$0x0], $0xffff  }
0xb8: {  	v63 =	vadd.s32 $0x1, v1;
	_ =	sdelay $0x3  }
0xb9: {  	s21 =	sadd.s32 $0xFFFFFFFF, s19;
	[tilespmem:v2+s17+$0x0] =	vst.idx.msk $0xffff, v3  }
0xba: {  	v2 =	vadd.s32 s21, v0;
	v3 =	vld.idx.msk [tilespmem:v63+s2+$0x0], $0xffff;
	_ =	sdelay $0x4  }
0xbb: {  	[tilespmem:v2+s16+$0x0] =	vst.idx.msk $0xffff, v3  }
0xbc: {  	v3 =	vld.idx.msk [tilespmem:v63+s14+$0x0], $0xffff  }
0xbd: {  	v1 =	vadd.s32 $0x2, v1;
	_ =	sdelay $0x3  }
0xbe: {  	[tilespmem:v2+s17+$0x0] =	vst.idx.msk $0xffff, v3  }
0xbf: {  	v2 =	vadd.s32 s19, v0;
	v3 =	vld.idx.msk [tilespmem:v1+s2+$0x0], $0xffff;
	_ =	sdelay $0x4  }
0xc0: {  	[tilespmem:v2+s16+$0x0] =	vst.idx.msk $0xffff, v3  }
0xc1: {  	p0 =	sne.s32 s19, $0xBFD2;
	v1 =	vld.idx.msk [tilespmem:v1+s14+$0x0], $0xffff  }
.Ltmp2:
0xc2: {  	_ = 	snop;
	(pc) =	sbr.rel @p0 .LBB2_6-.Ltmp2, $2  }
0xc3: {  	_ =	sdelay $0x2  }
0xc4: {  	s20 =	sadd.s32 $0x20, s20;
	s19 =	sadd.s32 $0x60, s19;
	[tilespmem:v2+s17+$0x0] =	vst.idx.msk $0xffff, v1  }
0xc5: {  	s19 =	rddreg [dreg:$0xa]  }
0xc6: {  	[hbm4b:s19+s12] =	stream.strided.scatter [tilespmem:s16], [sflag:$0x1], $0xC000, s13, s12, $0x38;
	[tilespmem:$0x1D800] =	vst v63  }
0xc7: {  	_ =	swait.ge [sflag:s4], $0xC000  }
0xc8: {  	[sflag:s4] =	ssyncset.done $0x0  }
0xc9: {  	s21 =	rddreg [dreg:$0xb];
	[sflag:s4] =	ssyncadd.s32 $0xFFFF4000  }
0xca: {  	[hbm4b:s21+s12] =	stream.strided.scatter [tilespmem:s17], [sflag:$0x1], $0xC000, s13, s12, $0x38;
	[tilespmem:$0x1D800] =	vst v63  }
0xcb: {  	_ =	swait.ge [sflag:s4], $0xC000  }
0xcc: {  	[sflag:s4] =	ssyncset.done $0x0  }
0xcd: {  	[sflag:s4] =	ssyncadd.s32 $0xFFFF4000  }
0xce: {  	[tilespmem:s2], [sflag:$0x1] =	stream.strided.gather [hbm4b:s29+s12], $0xC00, s13, s12, $0x38;
	[tilespmem:$0x1D800] =	vst v63  }
0xcf: {  	_ =	swait.ge [sflag:s4], $0xC00  }
0xd0: {  	[sflag:s4] =	ssyncset.done $0x0  }
0xd1: {  	[sflag:s4] =	ssyncadd.s32 $0xFFFFF400  }
0xd2: {  	[tilespmem:s14], [sflag:$0x1] =	stream.strided.gather [hbm4b:s26+s12], $0xC00, s13, s12, $0x38;
	[tilespmem:$0x1D800] =	vst v63  }
0xd3: {  	_ =	swait.ge [sflag:s4], $0xC00  }
0xd4: {  	[sflag:s4] =	ssyncset.done $0x0  }
0xd5: {  	[sflag:s4] =	ssyncadd.s32 $0xFFFFF400  }
0xd6: {  	[tilespmem:s15], [sflag:$0x1] =	stream.strided.gather [hbm4b:s30+s12], $0x4000, s13, s12, $0x38;
	[tilespmem:$0x1D800] =	vst v63  }
0xd7: {  	_ =	swait.ge [sflag:s4], $0x4000  }
0xd8: {  	[sflag:s4] =	ssyncset.done $0x0  }
0xd9: {  	s20 =	simm.s32 $0x1810;
	s19 =	simm.s32 $0x32;
	[sflag:s4] =	ssyncadd.s32 $0xFFFFC000  }
.LBB2_8:
0xda: {  	v1 =	vld [tilespmem:s20+$0xFFFFFFF0];
	_ =	sdelay $0x4  }
0xdb: {  	v1 =	vmul.u32 $0x3, v1;
	_ =	sdelay $0x4  }
0xdc: {  	s21 =	sadd.s32 $0xFFFFFFCE, s19  }
0xdd: {  	v2 =	vadd.s32 s21, v0;
	v3 =	vld.idx.msk [tilespmem:v1+s2+$0x0], $0xffff;
	_ =	sdelay $0x4  }
0xde: {  	[tilespmem:v2+s16+$0x0] =	vst.idx.msk $0xffff, v3  }
0xdf: {  	v3 =	vld.idx.msk [tilespmem:v1+s14+$0x0], $0xffff  }
0xe0: {  	v4 =	vadd.s32 $0x1, v1;
	_ =	sdelay $0x3  }
0xe1: {  	s21 =	sadd.s32 $0xFFFFFFCF, s19;
	[tilespmem:v2+s17+$0x0] =	vst.idx.msk $0xffff, v3  }
0xe2: {  	v2 =	vadd.s32 s21, v0;
	v3 =	vld.idx.msk [tilespmem:v4+s2+$0x0], $0xffff;
	_ =	sdelay $0x4  }
0xe3: {  	[tilespmem:v2+s16+$0x0] =	vst.idx.msk $0xffff, v3  }
0xe4: {  	v3 =	vld.idx.msk [tilespmem:v4+s14+$0x0], $0xffff  }
0xe5: {  	v1 =	vadd.s32 $0x2, v1;
	_ =	sdelay $0x3  }
0xe6: {  	s21 =	sadd.s32 $0xFFFFFFD0, s19;
	[tilespmem:v2+s17+$0x0] =	vst.idx.msk $0xffff, v3  }
0xe7: {  	v2 =	vadd.s32 s21, v0;
	v3 =	vld.idx.msk [tilespmem:v1+s2+$0x0], $0xffff;
	_ =	sdelay $0x4  }
0xe8: {  	[tilespmem:v2+s16+$0x0] =	vst.idx.msk $0xffff, v3  }
0xe9: {  	v1 =	vld.idx.msk [tilespmem:v1+s14+$0x0], $0xffff;
	_ =	sdelay $0x4  }
0xea: {  	[tilespmem:v2+s17+$0x0] =	vst.idx.msk $0xffff, v1  }
0xeb: {  	v1 =	vld [tilespmem:s20+$0x0];
	_ =	sdelay $0x4  }
0xec: {  	v1 =	vmul.u32 $0x3, v1;
	_ =	sdelay $0x4  }
0xed: {  	s21 =	sadd.s32 $0xFFFFFFFE, s19  }
0xee: {  	v2 =	vadd.s32 s21, v0;
	v3 =	vld.idx.msk [tilespmem:v1+s2+$0x0], $0xffff;
	_ =	sdelay $0x4  }
0xef: {  	[tilespmem:v2+s16+$0x0] =	vst.idx.msk $0xffff, v3  }
0xf0: {  	v3 =	vld.idx.msk [tilespmem:v1+s14+$0x0], $0xffff  }
0xf1: {  	v63 =	vadd.s32 $0x1, v1;
	_ =	sdelay $0x3  }
0xf2: {  	s21 =	sadd.s32 $0xFFFFFFFF, s19;
	[tilespmem:v2+s17+$0x0] =	vst.idx.msk $0xffff, v3  }
0xf3: {  	v2 =	vadd.s32 s21, v0;
	v3 =	vld.idx.msk [tilespmem:v63+s2+$0x0], $0xffff;
	_ =	sdelay $0x4  }
0xf4: {  	[tilespmem:v2+s16+$0x0] =	vst.idx.msk $0xffff, v3  }
0xf5: {  	v3 =	vld.idx.msk [tilespmem:v63+s14+$0x0], $0xffff  }
0xf6: {  	v1 =	vadd.s32 $0x2, v1;
	_ =	sdelay $0x3  }
0xf7: {  	[tilespmem:v2+s17+$0x0] =	vst.idx.msk $0xffff, v3  }
0xf8: {  	v2 =	vadd.s32 s19, v0;
	v3 =	vld.idx.msk [tilespmem:v1+s2+$0x0], $0xffff;
	_ =	sdelay $0x4  }
0xf9: {  	[tilespmem:v2+s16+$0x0] =	vst.idx.msk $0xffff, v3  }
0xfa: {  	p0 =	sne.s32 s19, $0xBFD2;
	v1 =	vld.idx.msk [tilespmem:v1+s14+$0x0], $0xffff  }
.Ltmp3:
0xfb: {  	_ = 	snop;
	(pc) =	sbr.rel @p0 .LBB2_8-.Ltmp3, $2  }
0xfc: {  	_ =	sdelay $0x2  }
0xfd: {  	s20 =	sadd.s32 $0x20, s20;
	s19 =	sadd.s32 $0x60, s19;
	[tilespmem:v2+s17+$0x0] =	vst.idx.msk $0xffff, v1  }
0xfe: {  	s19 =	rddreg [dreg:$0xc]  }
0xff: {  	[hbm4b:s19+s12] =	stream.strided.scatter [tilespmem:s16], [sflag:$0x1], $0xC000, s13, s12, $0x38;
	[tilespmem:$0x1D800] =	vst v63  }
0x100: {  	_ =	swait.ge [sflag:s4], $0xC000  }
0x101: {  	[sflag:s4] =	ssyncset.done $0x0  }
0x102: {  	s21 =	rddreg [dreg:$0xd];
	[sflag:s4] =	ssyncadd.s32 $0xFFFF4000  }
0x103: {  	[hbm4b:s21+s12] =	stream.strided.scatter [tilespmem:s17], [sflag:$0x1], $0xC000, s13, s12, $0x38;
	[tilespmem:$0x1D800] =	vst v63  }
0x104: {  	_ =	swait.ge [sflag:s4], $0xC000  }
0x105: {  	[sflag:s4] =	ssyncset.done $0x0  }
0x106: {  	[sflag:s4] =	ssyncadd.s32 $0xFFFF4000  }
0x107: {  	[tilespmem:s2], [sflag:$0x1] =	stream.strided.gather [hbm4b:s31+s12], $0xC00, s13, s12, $0x38;
	[tilespmem:$0x1D800] =	vst v63  }
0x108: {  	_ =	swait.ge [sflag:s4], $0xC00  }
0x109: {  	[sflag:s4] =	ssyncset.done $0x0  }
0x10a: {  	[sflag:s4] =	ssyncadd.s32 $0xFFFFF400  }
0x10b: {  	[tilespmem:s14], [sflag:$0x1] =	stream.strided.gather [hbm4b:s29+s12], $0xC00, s13, s12, $0x38;
	[tilespmem:$0x1D800] =	vst v63  }
0x10c: {  	_ =	swait.ge [sflag:s4], $0xC00  }
0x10d: {  	[sflag:s4] =	ssyncset.done $0x0  }
0x10e: {  	[sflag:s4] =	ssyncadd.s32 $0xFFFFF400  }
0x10f: {  	[tilespmem:s15], [sflag:$0x1] =	stream.strided.gather [hbm4b:s1+s12], $0x4000, s13, s12, $0x38;
	[tilespmem:$0x1D800] =	vst v63  }
0x110: {  	_ =	swait.ge [sflag:s4], $0x4000  }
0x111: {  	[sflag:s4] =	ssyncset.done $0x0  }
0x112: {  	s20 =	simm.s32 $0x1810;
	s19 =	simm.s32 $0x32;
	[sflag:s4] =	ssyncadd.s32 $0xFFFFC000  }
.LBB2_10:
0x113: {  	v1 =	vld [tilespmem:s20+$0xFFFFFFF0];
	_ =	sdelay $0x4  }
0x114: {  	v1 =	vmul.u32 $0x3, v1;
	_ =	sdelay $0x4  }
0x115: {  	s21 =	sadd.s32 $0xFFFFFFCE, s19  }
0x116: {  	v2 =	vadd.s32 s21, v0;
	v3 =	vld.idx.msk [tilespmem:v1+s2+$0x0], $0xffff;
	_ =	sdelay $0x4  }
0x117: {  	[tilespmem:v2+s16+$0x0] =	vst.idx.msk $0xffff, v3  }
0x118: {  	v3 =	vld.idx.msk [tilespmem:v1+s14+$0x0], $0xffff  }
0x119: {  	v4 =	vadd.s32 $0x1, v1;
	_ =	sdelay $0x3  }
0x11a: {  	s21 =	sadd.s32 $0xFFFFFFCF, s19;
	[tilespmem:v2+s17+$0x0] =	vst.idx.msk $0xffff, v3  }
0x11b: {  	v2 =	vadd.s32 s21, v0;
	v3 =	vld.idx.msk [tilespmem:v4+s2+$0x0], $0xffff;
	_ =	sdelay $0x4  }
0x11c: {  	[tilespmem:v2+s16+$0x0] =	vst.idx.msk $0xffff, v3  }
0x11d: {  	v3 =	vld.idx.msk [tilespmem:v4+s14+$0x0], $0xffff  }
0x11e: {  	v1 =	vadd.s32 $0x2, v1;
	_ =	sdelay $0x3  }
0x11f: {  	s21 =	sadd.s32 $0xFFFFFFD0, s19;
	[tilespmem:v2+s17+$0x0] =	vst.idx.msk $0xffff, v3  }
0x120: {  	v2 =	vadd.s32 s21, v0;
	v3 =	vld.idx.msk [tilespmem:v1+s2+$0x0], $0xffff;
	_ =	sdelay $0x4  }
0x121: {  	[tilespmem:v2+s16+$0x0] =	vst.idx.msk $0xffff, v3  }
0x122: {  	v1 =	vld.idx.msk [tilespmem:v1+s14+$0x0], $0xffff;
	_ =	sdelay $0x4  }
0x123: {  	[tilespmem:v2+s17+$0x0] =	vst.idx.msk $0xffff, v1  }
0x124: {  	v1 =	vld [tilespmem:s20+$0x0];
	_ =	sdelay $0x4  }
0x125: {  	v1 =	vmul.u32 $0x3, v1;
	_ =	sdelay $0x4  }
0x126: {  	s21 =	sadd.s32 $0xFFFFFFFE, s19  }
0x127: {  	v2 =	vadd.s32 s21, v0;
	v3 =	vld.idx.msk [tilespmem:v1+s2+$0x0], $0xffff;
	_ =	sdelay $0x4  }
0x128: {  	[tilespmem:v2+s16+$0x0] =	vst.idx.msk $0xffff, v3  }
0x129: {  	v3 =	vld.idx.msk [tilespmem:v1+s14+$0x0], $0xffff  }
0x12a: {  	v63 =	vadd.s32 $0x1, v1;
	_ =	sdelay $0x3  }
0x12b: {  	s21 =	sadd.s32 $0xFFFFFFFF, s19;
	[tilespmem:v2+s17+$0x0] =	vst.idx.msk $0xffff, v3  }
0x12c: {  	v2 =	vadd.s32 s21, v0;
	v3 =	vld.idx.msk [tilespmem:v63+s2+$0x0], $0xffff;
	_ =	sdelay $0x4  }
0x12d: {  	[tilespmem:v2+s16+$0x0] =	vst.idx.msk $0xffff, v3  }
0x12e: {  	v3 =	vld.idx.msk [tilespmem:v63+s14+$0x0], $0xffff  }
0x12f: {  	v1 =	vadd.s32 $0x2, v1;
	_ =	sdelay $0x3  }
0x130: {  	[tilespmem:v2+s17+$0x0] =	vst.idx.msk $0xffff, v3  }
0x131: {  	v2 =	vadd.s32 s19, v0;
	v3 =	vld.idx.msk [tilespmem:v1+s2+$0x0], $0xffff;
	_ =	sdelay $0x4  }
0x132: {  	[tilespmem:v2+s16+$0x0] =	vst.idx.msk $0xffff, v3  }
0x133: {  	p0 =	sne.s32 s19, $0xBFD2;
	v1 =	vld.idx.msk [tilespmem:v1+s14+$0x0], $0xffff  }
.Ltmp4:
0x134: {  	_ = 	snop;
	(pc) =	sbr.rel @p0 .LBB2_10-.Ltmp4, $2  }
0x135: {  	_ =	sdelay $0x2  }
0x136: {  	s20 =	sadd.s32 $0x20, s20;
	s19 =	sadd.s32 $0x60, s19;
	[tilespmem:v2+s17+$0x0] =	vst.idx.msk $0xffff, v1  }
0x137: {  	s19 =	rddreg [dreg:$0xe]  }
0x138: {  	[hbm4b:s19+s12] =	stream.strided.scatter [tilespmem:s16], [sflag:$0x1], $0xC000, s13, s12, $0x38;
	[tilespmem:$0x1D800] =	vst v63  }
0x139: {  	_ =	swait.ge [sflag:s4], $0xC000  }
0x13a: {  	[sflag:s4] =	ssyncset.done $0x0  }
0x13b: {  	s21 =	rddreg [dreg:$0xf];
	[sflag:s4] =	ssyncadd.s32 $0xFFFF4000  }
0x13c: {  	[hbm4b:s21+s12] =	stream.strided.scatter [tilespmem:s17], [sflag:$0x1], $0xC000, s13, s12, $0x38;
	[tilespmem:$0x1D800] =	vst v63  }
0x13d: {  	_ =	swait.ge [sflag:s4], $0xC000  }
0x13e: {  	[sflag:s4] =	ssyncset.done $0x0  }
0x13f: {  	[sflag:s4] =	ssyncadd.s32 $0xFFFF4000  }
0x140: {  	[tilespmem:s2], [sflag:$0x1] =	stream.strided.gather [hbm4b:s0+s12], $0xC00, s13, s12, $0x38;
	[tilespmem:$0x1D800] =	vst v63  }
0x141: {  	_ =	swait.ge [sflag:s4], $0xC00  }
0x142: {  	[sflag:s4] =	ssyncset.done $0x0  }
0x143: {  	[sflag:s4] =	ssyncadd.s32 $0xFFFFF400  }
0x144: {  	[tilespmem:s14], [sflag:$0x1] =	stream.strided.gather [hbm4b:s31+s12], $0xC00, s13, s12, $0x38;
	[tilespmem:$0x1D800] =	vst v63  }
0x145: {  	_ =	swait.ge [sflag:s4], $0xC00  }
0x146: {  	[sflag:s4] =	ssyncset.done $0x0  }
0x147: {  	[sflag:s4] =	ssyncadd.s32 $0xFFFFF400  }
0x148: {  	[tilespmem:s15], [sflag:$0x1] =	stream.strided.gather [hbm4b:s5+s12], $0x4000, s13, s12, $0x38;
	[tilespmem:$0x1D800] =	vst v63  }
0x149: {  	_ =	swait.ge [sflag:s4], $0x4000  }
0x14a: {  	[sflag:s4] =	ssyncset.done $0x0  }
0x14b: {  	s20 =	simm.s32 $0x1810;
	s19 =	simm.s32 $0x32;
	[sflag:s4] =	ssyncadd.s32 $0xFFFFC000  }
.LBB2_12:
0x14c: {  	v1 =	vld [tilespmem:s20+$0xFFFFFFF0];
	_ =	sdelay $0x4  }
0x14d: {  	v1 =	vmul.u32 $0x3, v1;
	_ =	sdelay $0x4  }
0x14e: {  	s21 =	sadd.s32 $0xFFFFFFCE, s19  }
0x14f: {  	v2 =	vadd.s32 s21, v0;
	v3 =	vld.idx.msk [tilespmem:v1+s2+$0x0], $0xffff;
	_ =	sdelay $0x4  }
0x150: {  	[tilespmem:v2+s16+$0x0] =	vst.idx.msk $0xffff, v3  }
0x151: {  	v3 =	vld.idx.msk [tilespmem:v1+s14+$0x0], $0xffff  }
0x152: {  	v4 =	vadd.s32 $0x1, v1;
	_ =	sdelay $0x3  }
0x153: {  	s21 =	sadd.s32 $0xFFFFFFCF, s19;
	[tilespmem:v2+s17+$0x0] =	vst.idx.msk $0xffff, v3  }
0x154: {  	v2 =	vadd.s32 s21, v0;
	v3 =	vld.idx.msk [tilespmem:v4+s2+$0x0], $0xffff;
	_ =	sdelay $0x4  }
0x155: {  	[tilespmem:v2+s16+$0x0] =	vst.idx.msk $0xffff, v3  }
0x156: {  	v3 =	vld.idx.msk [tilespmem:v4+s14+$0x0], $0xffff  }
0x157: {  	v1 =	vadd.s32 $0x2, v1;
	_ =	sdelay $0x3  }
0x158: {  	s21 =	sadd.s32 $0xFFFFFFD0, s19;
	[tilespmem:v2+s17+$0x0] =	vst.idx.msk $0xffff, v3  }
0x159: {  	v2 =	vadd.s32 s21, v0;
	v3 =	vld.idx.msk [tilespmem:v1+s2+$0x0], $0xffff;
	_ =	sdelay $0x4  }
0x15a: {  	[tilespmem:v2+s16+$0x0] =	vst.idx.msk $0xffff, v3  }
0x15b: {  	v1 =	vld.idx.msk [tilespmem:v1+s14+$0x0], $0xffff;
	_ =	sdelay $0x4  }
0x15c: {  	[tilespmem:v2+s17+$0x0] =	vst.idx.msk $0xffff, v1  }
0x15d: {  	v1 =	vld [tilespmem:s20+$0x0];
	_ =	sdelay $0x4  }
0x15e: {  	v1 =	vmul.u32 $0x3, v1;
	_ =	sdelay $0x4  }
0x15f: {  	s21 =	sadd.s32 $0xFFFFFFFE, s19  }
0x160: {  	v2 =	vadd.s32 s21, v0;
	v3 =	vld.idx.msk [tilespmem:v1+s2+$0x0], $0xffff;
	_ =	sdelay $0x4  }
0x161: {  	[tilespmem:v2+s16+$0x0] =	vst.idx.msk $0xffff, v3  }
0x162: {  	v3 =	vld.idx.msk [tilespmem:v1+s14+$0x0], $0xffff  }
0x163: {  	v63 =	vadd.s32 $0x1, v1;
	_ =	sdelay $0x3  }
0x164: {  	s21 =	sadd.s32 $0xFFFFFFFF, s19;
	[tilespmem:v2+s17+$0x0] =	vst.idx.msk $0xffff, v3  }
0x165: {  	v2 =	vadd.s32 s21, v0;
	v3 =	vld.idx.msk [tilespmem:v63+s2+$0x0], $0xffff;
	_ =	sdelay $0x4  }
0x166: {  	[tilespmem:v2+s16+$0x0] =	vst.idx.msk $0xffff, v3  }
0x167: {  	v3 =	vld.idx.msk [tilespmem:v63+s14+$0x0], $0xffff  }
0x168: {  	v1 =	vadd.s32 $0x2, v1;
	_ =	sdelay $0x3  }
0x169: {  	[tilespmem:v2+s17+$0x0] =	vst.idx.msk $0xffff, v3  }
0x16a: {  	v2 =	vadd.s32 s19, v0;
	v3 =	vld.idx.msk [tilespmem:v1+s2+$0x0], $0xffff;
	_ =	sdelay $0x4  }
0x16b: {  	[tilespmem:v2+s16+$0x0] =	vst.idx.msk $0xffff, v3  }
0x16c: {  	p0 =	sne.s32 s19, $0xBFD2;
	v1 =	vld.idx.msk [tilespmem:v1+s14+$0x0], $0xffff  }
.Ltmp5:
0x16d: {  	_ = 	snop;
	(pc) =	sbr.rel @p0 .LBB2_12-.Ltmp5, $2  }
0x16e: {  	_ =	sdelay $0x2  }
0x16f: {  	s20 =	sadd.s32 $0x20, s20;
	s19 =	sadd.s32 $0x60, s19;
	[tilespmem:v2+s17+$0x0] =	vst.idx.msk $0xffff, v1  }
0x170: {  	s19 =	rddreg [dreg:$0x10]  }
0x171: {  	[hbm4b:s19+s12] =	stream.strided.scatter [tilespmem:s16], [sflag:$0x1], $0xC000, s13, s12, $0x38;
	[tilespmem:$0x1D800] =	vst v63  }
0x172: {  	_ =	swait.ge [sflag:s4], $0xC000  }
0x173: {  	[sflag:s4] =	ssyncset.done $0x0  }
0x174: {  	s21 =	rddreg [dreg:$0x11];
	[sflag:s4] =	ssyncadd.s32 $0xFFFF4000  }
0x175: {  	[hbm4b:s21+s12] =	stream.strided.scatter [tilespmem:s17], [sflag:$0x1], $0xC000, s13, s12, $0x38;
	[tilespmem:$0x1D800] =	vst v63  }
0x176: {  	_ =	swait.ge [sflag:s4], $0xC000  }
0x177: {  	[sflag:s4] =	ssyncset.done $0x0  }
0x178: {  	[sflag:s4] =	ssyncadd.s32 $0xFFFF4000  }
0x179: {  	[tilespmem:s2], [sflag:$0x1] =	stream.strided.gather [hbm4b:s7+s12], $0xC00, s13, s12, $0x38;
	[tilespmem:$0x1D800] =	vst v63  }
0x17a: {  	_ =	swait.ge [sflag:s4], $0xC00  }
0x17b: {  	[sflag:s4] =	ssyncset.done $0x0  }
0x17c: {  	[sflag:s4] =	ssyncadd.s32 $0xFFFFF400  }
0x17d: {  	[tilespmem:s14], [sflag:$0x1] =	stream.strided.gather [hbm4b:s0+s12], $0xC00, s13, s12, $0x38;
	[tilespmem:$0x1D800] =	vst v63  }
0x17e: {  	_ =	swait.ge [sflag:s4], $0xC00  }
0x17f: {  	[sflag:s4] =	ssyncset.done $0x0  }
0x180: {  	[sflag:s4] =	ssyncadd.s32 $0xFFFFF400  }
0x181: {  	[tilespmem:s15], [sflag:$0x1] =	stream.strided.gather [hbm4b:s8+s12], $0x4000, s13, s12, $0x38;
	[tilespmem:$0x1D800] =	vst v63  }
0x182: {  	_ =	swait.ge [sflag:s4], $0x4000  }
0x183: {  	[sflag:s4] =	ssyncset.done $0x0  }
0x184: {  	s20 =	simm.s32 $0x1810;
	s19 =	simm.s32 $0x32;
	[sflag:s4] =	ssyncadd.s32 $0xFFFFC000  }
.LBB2_14:
0x185: {  	v1 =	vld [tilespmem:s20+$0xFFFFFFF0];
	_ =	sdelay $0x4  }
0x186: {  	v1 =	vmul.u32 $0x3, v1;
	_ =	sdelay $0x4  }
0x187: {  	s21 =	sadd.s32 $0xFFFFFFCE, s19  }
0x188: {  	v2 =	vadd.s32 s21, v0;
	v3 =	vld.idx.msk [tilespmem:v1+s2+$0x0], $0xffff;
	_ =	sdelay $0x4  }
0x189: {  	[tilespmem:v2+s16+$0x0] =	vst.idx.msk $0xffff, v3  }
0x18a: {  	v3 =	vld.idx.msk [tilespmem:v1+s14+$0x0], $0xffff  }
0x18b: {  	v4 =	vadd.s32 $0x1, v1;
	_ =	sdelay $0x3  }
0x18c: {  	s21 =	sadd.s32 $0xFFFFFFCF, s19;
	[tilespmem:v2+s17+$0x0] =	vst.idx.msk $0xffff, v3  }
0x18d: {  	v2 =	vadd.s32 s21, v0;
	v3 =	vld.idx.msk [tilespmem:v4+s2+$0x0], $0xffff;
	_ =	sdelay $0x4  }
0x18e: {  	[tilespmem:v2+s16+$0x0] =	vst.idx.msk $0xffff, v3  }
0x18f: {  	v3 =	vld.idx.msk [tilespmem:v4+s14+$0x0], $0xffff  }
0x190: {  	v1 =	vadd.s32 $0x2, v1;
	_ =	sdelay $0x3  }
0x191: {  	s21 =	sadd.s32 $0xFFFFFFD0, s19;
	[tilespmem:v2+s17+$0x0] =	vst.idx.msk $0xffff, v3  }
0x192: {  	v2 =	vadd.s32 s21, v0;
	v3 =	vld.idx.msk [tilespmem:v1+s2+$0x0], $0xffff;
	_ =	sdelay $0x4  }
0x193: {  	[tilespmem:v2+s16+$0x0] =	vst.idx.msk $0xffff, v3  }
0x194: {  	v1 =	vld.idx.msk [tilespmem:v1+s14+$0x0], $0xffff;
	_ =	sdelay $0x4  }
0x195: {  	[tilespmem:v2+s17+$0x0] =	vst.idx.msk $0xffff, v1  }
0x196: {  	v1 =	vld [tilespmem:s20+$0x0];
	_ =	sdelay $0x4  }
0x197: {  	v1 =	vmul.u32 $0x3, v1;
	_ =	sdelay $0x4  }
0x198: {  	s21 =	sadd.s32 $0xFFFFFFFE, s19  }
0x199: {  	v2 =	vadd.s32 s21, v0;
	v3 =	vld.idx.msk [tilespmem:v1+s2+$0x0], $0xffff;
	_ =	sdelay $0x4  }
0x19a: {  	[tilespmem:v2+s16+$0x0] =	vst.idx.msk $0xffff, v3  }
0x19b: {  	v3 =	vld.idx.msk [tilespmem:v1+s14+$0x0], $0xffff  }
0x19c: {  	v63 =	vadd.s32 $0x1, v1;
	_ =	sdelay $0x3  }
0x19d: {  	s21 =	sadd.s32 $0xFFFFFFFF, s19;
	[tilespmem:v2+s17+$0x0] =	vst.idx.msk $0xffff, v3  }
0x19e: {  	v2 =	vadd.s32 s21, v0;
	v3 =	vld.idx.msk [tilespmem:v63+s2+$0x0], $0xffff;
	_ =	sdelay $0x4  }
0x19f: {  	[tilespmem:v2+s16+$0x0] =	vst.idx.msk $0xffff, v3  }
0x1a0: {  	v3 =	vld.idx.msk [tilespmem:v63+s14+$0x0], $0xffff  }
0x1a1: {  	v1 =	vadd.s32 $0x2, v1;
	_ =	sdelay $0x3  }
0x1a2: {  	[tilespmem:v2+s17+$0x0] =	vst.idx.msk $0xffff, v3  }
0x1a3: {  	v2 =	vadd.s32 s19, v0;
	v3 =	vld.idx.msk [tilespmem:v1+s2+$0x0], $0xffff;
	_ =	sdelay $0x4  }
0x1a4: {  	[tilespmem:v2+s16+$0x0] =	vst.idx.msk $0xffff, v3  }
0x1a5: {  	p0 =	sne.s32 s19, $0xBFD2;
	v1 =	vld.idx.msk [tilespmem:v1+s14+$0x0], $0xffff  }
.Ltmp6:
0x1a6: {  	_ = 	snop;
	(pc) =	sbr.rel @p0 .LBB2_14-.Ltmp6, $2  }
0x1a7: {  	_ =	sdelay $0x2  }
0x1a8: {  	s20 =	sadd.s32 $0x20, s20;
	s19 =	sadd.s32 $0x60, s19;
	[tilespmem:v2+s17+$0x0] =	vst.idx.msk $0xffff, v1  }
0x1a9: {  	s19 =	rddreg [dreg:$0x12]  }
0x1aa: {  	[hbm4b:s19+s12] =	stream.strided.scatter [tilespmem:s16], [sflag:$0x1], $0xC000, s13, s12, $0x38;
	[tilespmem:$0x1D800] =	vst v63  }
0x1ab: {  	_ =	swait.ge [sflag:s4], $0xC000  }
0x1ac: {  	[sflag:s4] =	ssyncset.done $0x0  }
0x1ad: {  	s21 =	rddreg [dreg:$0x13];
	[sflag:s4] =	ssyncadd.s32 $0xFFFF4000  }
0x1ae: {  	[hbm4b:s21+s12] =	stream.strided.scatter [tilespmem:s17], [sflag:$0x1], $0xC000, s13, s12, $0x38;
	[tilespmem:$0x1D800] =	vst v63  }
0x1af: {  	_ =	swait.ge [sflag:s4], $0xC000  }
0x1b0: {  	[sflag:s4] =	ssyncset.done $0x0  }
0x1b1: {  	[sflag:s4] =	ssyncadd.s32 $0xFFFF4000  }
0x1b2: {  	[tilespmem:s2], [sflag:$0x1] =	stream.strided.gather [hbm4b:s10+s12], $0xC00, s13, s12, $0x38;
	[tilespmem:$0x1D800] =	vst v63  }
0x1b3: {  	_ =	swait.ge [sflag:s4], $0xC00  }
0x1b4: {  	[sflag:s4] =	ssyncset.done $0x0  }
0x1b5: {  	[sflag:s4] =	ssyncadd.s32 $0xFFFFF400  }
0x1b6: {  	[tilespmem:s14], [sflag:$0x1] =	stream.strided.gather [hbm4b:s7+s12], $0xC00, s13, s12, $0x38;
	[tilespmem:$0x1D800] =	vst v63  }
0x1b7: {  	_ =	swait.ge [sflag:s4], $0xC00  }
0x1b8: {  	[sflag:s4] =	ssyncset.done $0x0  }
0x1b9: {  	[sflag:s4] =	ssyncadd.s32 $0xFFFFF400  }
0x1ba: {  	[tilespmem:s15], [sflag:$0x1] =	stream.strided.gather [hbm4b:s11+s12], $0x4000, s13, s12, $0x38;
	[tilespmem:$0x1D800] =	vst v63  }
0x1bb: {  	_ =	swait.ge [sflag:s4], $0x4000  }
0x1bc: {  	[sflag:s4] =	ssyncset.done $0x0  }
0x1bd: {  	s20 =	simm.s32 $0x1810;
	s19 =	simm.s32 $0x32;
	[sflag:s4] =	ssyncadd.s32 $0xFFFFC000  }
.LBB2_16:
0x1be: {  	v1 =	vld [tilespmem:s20+$0xFFFFFFF0];
	_ =	sdelay $0x4  }
0x1bf: {  	v1 =	vmul.u32 $0x3, v1;
	_ =	sdelay $0x4  }
0x1c0: {  	s21 =	sadd.s32 $0xFFFFFFCE, s19  }
0x1c1: {  	v2 =	vadd.s32 s21, v0;
	v3 =	vld.idx.msk [tilespmem:v1+s2+$0x0], $0xffff;
	_ =	sdelay $0x4  }
0x1c2: {  	[tilespmem:v2+s16+$0x0] =	vst.idx.msk $0xffff, v3  }
0x1c3: {  	v3 =	vld.idx.msk [tilespmem:v1+s14+$0x0], $0xffff  }
0x1c4: {  	v4 =	vadd.s32 $0x1, v1;
	_ =	sdelay $0x3  }
0x1c5: {  	s21 =	sadd.s32 $0xFFFFFFCF, s19;
	[tilespmem:v2+s17+$0x0] =	vst.idx.msk $0xffff, v3  }
0x1c6: {  	v2 =	vadd.s32 s21, v0;
	v3 =	vld.idx.msk [tilespmem:v4+s2+$0x0], $0xffff;
	_ =	sdelay $0x4  }
0x1c7: {  	[tilespmem:v2+s16+$0x0] =	vst.idx.msk $0xffff, v3  }
0x1c8: {  	v3 =	vld.idx.msk [tilespmem:v4+s14+$0x0], $0xffff  }
0x1c9: {  	v1 =	vadd.s32 $0x2, v1;
	_ =	sdelay $0x3  }
0x1ca: {  	s21 =	sadd.s32 $0xFFFFFFD0, s19;
	[tilespmem:v2+s17+$0x0] =	vst.idx.msk $0xffff, v3  }
0x1cb: {  	v2 =	vadd.s32 s21, v0;
	v3 =	vld.idx.msk [tilespmem:v1+s2+$0x0], $0xffff;
	_ =	sdelay $0x4  }
0x1cc: {  	[tilespmem:v2+s16+$0x0] =	vst.idx.msk $0xffff, v3  }
0x1cd: {  	v1 =	vld.idx.msk [tilespmem:v1+s14+$0x0], $0xffff;
	_ =	sdelay $0x4  }
0x1ce: {  	[tilespmem:v2+s17+$0x0] =	vst.idx.msk $0xffff, v1  }
0x1cf: {  	v1 =	vld [tilespmem:s20+$0x0];
	_ =	sdelay $0x4  }
0x1d0: {  	v1 =	vmul.u32 $0x3, v1;
	_ =	sdelay $0x4  }
0x1d1: {  	s21 =	sadd.s32 $0xFFFFFFFE, s19  }
0x1d2: {  	v2 =	vadd.s32 s21, v0;
	v3 =	vld.idx.msk [tilespmem:v1+s2+$0x0], $0xffff;
	_ =	sdelay $0x4  }
0x1d3: {  	[tilespmem:v2+s16+$0x0] =	vst.idx.msk $0xffff, v3  }
0x1d4: {  	v3 =	vld.idx.msk [tilespmem:v1+s14+$0x0], $0xffff  }
0x1d5: {  	v63 =	vadd.s32 $0x1, v1;
	_ =	sdelay $0x3  }
0x1d6: {  	s21 =	sadd.s32 $0xFFFFFFFF, s19;
	[tilespmem:v2+s17+$0x0] =	vst.idx.msk $0xffff, v3  }
0x1d7: {  	v2 =	vadd.s32 s21, v0;
	v3 =	vld.idx.msk [tilespmem:v63+s2+$0x0], $0xffff;
	_ =	sdelay $0x4  }
0x1d8: {  	[tilespmem:v2+s16+$0x0] =	vst.idx.msk $0xffff, v3  }
0x1d9: {  	v3 =	vld.idx.msk [tilespmem:v63+s14+$0x0], $0xffff  }
0x1da: {  	v1 =	vadd.s32 $0x2, v1;
	_ =	sdelay $0x3  }
0x1db: {  	[tilespmem:v2+s17+$0x0] =	vst.idx.msk $0xffff, v3  }
0x1dc: {  	v2 =	vadd.s32 s19, v0;
	v3 =	vld.idx.msk [tilespmem:v1+s2+$0x0], $0xffff;
	_ =	sdelay $0x4  }
0x1dd: {  	[tilespmem:v2+s16+$0x0] =	vst.idx.msk $0xffff, v3  }
0x1de: {  	p0 =	sne.s32 s19, $0xBFD2;
	v1 =	vld.idx.msk [tilespmem:v1+s14+$0x0], $0xffff  }
.Ltmp7:
0x1df: {  	_ = 	snop;
	(pc) =	sbr.rel @p0 .LBB2_16-.Ltmp7, $2  }
0x1e0: {  	_ =	sdelay $0x2  }
0x1e1: {  	s20 =	sadd.s32 $0x20, s20;
	s19 =	sadd.s32 $0x60, s19;
	[tilespmem:v2+s17+$0x0] =	vst.idx.msk $0xffff, v1  }
0x1e2: {  	[hbm4b:s22+s12] =	stream.strided.scatter [tilespmem:s16], [sflag:$0x1], $0xC000, s13, s12, $0x38;
	[tilespmem:$0x1D800] =	vst v63  }
0x1e3: {  	s18 =	sadd.s32 $0x1, s18;
	_ =	swait.ge [sflag:s4], $0xC000  }
0x1e4: {  	p0 =	sne.s32 s18, s25;
	[sflag:s4] =	ssyncset.done $0x0  }
.Ltmp8:
0x1e5: {  	[sflag:s4] =	ssyncadd.s32 $0xFFFF4000;
	(pc) =	sbr.rel @p0 .LBB2_1-.Ltmp8, $4  }
0x1e6: {  	[hbm4b:s23+s12] =	stream.strided.scatter [tilespmem:s17], [sflag:$0x1], $0xC000, s13, s12, $0x38;
	[tilespmem:$0x1D800] =	vst v63  }
0x1e7: {  	_ =	swait.ge [sflag:s4], $0xC000  }
0x1e8: {  	[sflag:s4] =	ssyncset.done $0x0  }
0x1e9: {  	[sflag:s4] =	ssyncadd.s32 $0xFFFF4000  }
0x1ea: {  	_ =	sfence.sel $0x180000  }
0x1eb: {  	[bflag:$0x0] =	sbarrier.arrive $0xFFFF  }
0x1ec: {  	_ =	strace $0x90000047  }
0x1ed: {  	s0 =	stileid.u32;
	[bflag:$0x2] =	sbarrier.arrive $0xFFFF  }
0x1ee: {  	p0 =	sne.s32 s0, $0x0;
	s0 =	rddreg [dreg:$0x4]  }
0x1ef: {  	s0 =	sadd.s32 @!p0 $0x100000, s0  }
0x1f0: {  	[sflag:s0] =	ssyncadd.tile.s32 @!p0 $0x1;
	_ =	shalt  }
.Lfunc_end2:
_tile_overlayer_lowered:
.L_overlay_start_2:
0x1f1: {  	(tag) =	ssettag $0x2  }
0x1f2: {  	s0 =	rddreg [dreg:$0x0];
	s2 =	stileid.u32  }
0x1f3: {  	s1 =	rddreg [dreg:$0x1];
	p0 =	sne.s32 s2, $0x0  }
0x1f4: {  	s3 =	rddreg [dreg:$0x2];
	[bflag:$0x3] =	sbarrier.arrive $0xFFFF;
	s2 =	simm.s32 @!p0 $0x1C01  }
0x1f5: {  	[timem:s3], [sflag:s2] =	dma.local @!p0 [hbm:s0], s1  }
0x1f6: {  	s0 =	simm.s32 @!p0 $0x1  }
0x1f7: {  	_ =	swait.ge @!p0 [sflag:s0], s1  }
0x1f8: {  	s1 =	ssub.s32 @!p0 $0x0, s1;
	[sflag:s0] =	ssyncset.done @!p0 $0x0  }
0x1f9: {  	[sflag:s0] =	ssyncadd.s32 @!p0 s1  }
0x1fa: {  	[bflag:$0x3] =	sbarrier.arrive $0xFFFF  }
0x1fb: {  	_ =	shalt  }

// kernel: sparse-core-data-format-call.1.cloned.1.call-start
scs
called_computation.1_lowered:
.L_overlay_start_0:
0x0: {  	s2 =	sld [smem:$0x3FD9]  }
0x1: {  	s3 =	sld [smem:$0x3FFE];
	_ =	sdelay $0x1  }
0x2: {  	s1 =	srdreg.scid  }
0x3: {  	s0 =	sand.u32 $0x1, s1  }
0x4: {  	s15 =	sshll.u32 s0, $0xA;
	s2 =	sadd.s32 s3, s2  }
0x5: {  	s2 =	sadd.s32 s2, s15  }
0x6: {  	[smem:$0x3FC7] =	sst s2  }
0x7: {  	_ = 	snop  }
0x8: {  	s2 =	sld [smem:$0x3FD0];
	_ =	sdelay $0x2  }
0x9: {  	s16 =	simm.s32 $0xB;
	s4 =	simm.s32 $0x10  }
0xa: {  	[smem:s4], [sflag:s16] =	dma.local [hbm:s2], $0x1  }
0xb: {  	_ =	swait.eq [sflag:s16], $0x1  }
0xc: {  	[sflag:s16] =	ssyncset.done $0x0  }
0xd: {  	[sflag:s16] =	ssyncadd.s32 $0xFFFFFFFF  }
0xe: {  	s17 =	sld [smem:$0x13];
	(tm) =	ssettm $0x1  }
0xf: {  	s18 =	sld [smem:$0x3FFB];
	_ =	sdelay $0x3  }
0x10: {  	_ =	strace s18  }
0x11: {  	s3 =	sld [smem:$0x3FFC];
	_ =	sdelay $0x3  }
0x12: {  	_ =	strace s3  }
0x13: {  	s3 =	sld [smem:$0x3FFD];
	_ =	sdelay $0x3  }
0x14: {  	_ =	strace s3  }
0x15: {  	_ =	strace $0x8FFFFFFF  }
0x16: {  	s19 =	sld [smem:$0x3FDB];
	_ =	sdelay $0x1  }
0x17: {  	s20 =	simm.s32 $_scs_section_size  }
0x18: {  	s5 =	simm.s32 $_size__tile_overlayer_lowered;
	s6 =	simm.s32 $_tile_overlayer_lowered  }
0x19: {  	s23 =	simm.s32 $0x1BFF;
	s22 =	sshll.u32 s6, $0x1;
	s3 =	sadd.s32 s20, s19  }
0x1a: {  	s7 =	simm.s32 $0x0;
	s21 =	sshll.u32 s5, $0x1;
	s5 =	sadd.s32 s22, s3  }
0x1b: {  	[timem:s7], [sflag:s23] =	dma.local [hbm:s5], s21  }
0x1c: {  	_ =	swait.ge [sflag:s23], s21  }
0x1d: {  	s4 =	ssub.s32 $0x0, s21;
	[sflag:s23] =	ssyncset.done $0x0  }
0x1e: {  	[sflag:s23] =	ssyncadd.s32 s4;
	_ =	sdelay $0x1  }
0x1f: {  	s24 =	simm.s32 $0x1B8B  }
0x20: {  	_ =	swait.ge [sflag:s24], $0x1  }
0x21: {  	[sflag:s24] =	ssyncset.done $0x0  }
0x22: {  	s26 =	simm.s32 $0x1B8E;
	s25 =	sld [smem:$0x3FFE];
	[sflag:s24] =	ssyncadd.s32 $0xFFFFFFFF  }
0x23: {  	s27 =	simm.s32 $execute0_lowered;
	[smem:$0x3FD2] =	sst s26  }
0x24: {  	s5 =	sshll.u32 s27, $0x1;
	_ =	strace $0x80000049;
	[dreg:$0x1] =	wrdreg $0xFFFFFFFF  }
0x25: {  	s28 =	simm.s32 $_size_execute0_lowered;
	s3 =	sadd.s32 s3, s5;
	[dreg:$0x0] =	wrdreg $0x0  }
0x26: {  	s5 =	sshll.u32 s28, $0x1;
	[dreg:$0x2] =	wrdreg s3  }
0x27: {  	[dreg:$0x3] =	wrdreg s5  }
0x28: {  	[dreg:$0x4] =	wrdreg $0xC0  }
0x29: {  	_ =	task [dreg:s7], $0x5FFFF  }
0x2a: {  	[dreg:$0x1] =	wrdreg $0xFFFFFFFF  }
0x2b: {  	[dreg:$0x0] =	wrdreg $0x60  }
0x2c: {  	[dreg:$0x2] =	wrdreg s25  }
0x2d: {  	[dreg:$0x3] =	wrdreg s17  }
0x2e: {  	[dreg:$0x4] =	wrdreg $0xA  }
0x2f: {  	_ =	task.clear_ibuf [dreg:s7], $0x5FFFF;
	_ =	strace $0x90000049  }
0x30: {  	s29 =	simm.s32 $0xA;
	_ =	strace $0x8000004B  }
0x31: {  	_ =	swait.ge [sflag:s29], $0x1  }
0x32: {  	[sflag:s29] =	ssyncadd.s32 $0xFFFFFFFF  }
0x33: {  	_ =	strace $0x9000004B  }
0x34: {  	_ =	sfence  }
0x35: {  	s30 =	sld [smem:$0x0];
	_ =	sdelay $0x2  }
0x36: {  	s31 =	sshll.u32 s1, $0xD;
	s1 =	sshrl.u32 s1, $0x2  }
0x37: {  	s3 =	sand.u32 $0x4000, s31;
	s1 =	sadd.s32 s1, s30  }
0x38: {  	s0 =	sor.u32 s3, s0;
	s1 =	sshll.u32 s1, $0x11  }
0x39: {  	s0 =	sor.u32 s1, s0  }
0x3a: {  	s0 =	sadd.s32 $0x8F2B, s0  }
0x3b: {  	[sflag:s0] =	ssyncadd.remote.s32 $0x1  }
0x3c: {  	_ =	sfence.sel $0xFFFF  }
0x3d: {  	[dreg:$0x0] =	wrdreg $0xFFFFFFFF;
	(pc) =	sbr.abs _section_cstart, $3  }
0x3e: {  	[dreg:$0x1] =	wrdreg $0xFFFFFFFF  }
0x3f: {  	_ =	task.clear_ibuf [dreg:s7], $0x2FFFF;
	_ =	strace $0x9FFFFFFF  }
0x40: {  	(tm) =	ssettm $0x7FFFFFFF  }
0x41: {  	_ =	shalt  }
tec
execute0_lowered:
.L_overlay_start_1:
0x0: {  	(tag) =	ssettag $0x1  }
0x1: {  	s0 =	stileid.u32;
	s4 =	rddreg [dreg:$0x0]  }
0x2: {  	s3 =	rddreg [dreg:$0x1];
	s7 =	srdreg.scid;
	s8 =	simm.s32 $0x2  }
0x3: {  	s15 =	simm.s32 $0x0;
	s9 =	simm.s32 $0xC000;
	s17 =	simm.s32 $0x0  }
0x4: {  	s18 =	simm.s32 $0x0;
	s16 =	simm.s32 $0x0;
	s1 =	sshll.u32 s0, $0x7  }
0x5: {  	s10 =	simm.s32 $0x0;
	s11 =	simm.s32 $0x0;
	s2 =	sand.u32 $0x380, s1  }
0x6: {  	s14 =	simm.s32 $0x0;
	s4 =	sadd.s32 $0x1001400, s4;
	s5 =	ssub.s32 $0x400, s2  }
0x7: {  	s7 =	sshll.u32 s7, $0x4;
	s1 =	rddreg [dreg:$0x2];
	s6 =	sand.u32 $0x380, s5  }
0x8: {  	s7 =	sand.u32 $0x10, s7;
	p0 =	sne.s32 s6, $0x0;
	s6 =	simm.s32 $0x1  }
.Ltmp0:
0x9: {  	s5 =	sshrl.u32 s5, $0xA;
	s6 =	simm.s32 @!p0 $0x0;
	(pc) =	sbr.rel .LBB1_1-.Ltmp0, $4  }
0xa: {  	_ =	strace $0x8000004A;
	s7 =	sor.u32 s0, s7;
	s6 =	sadd.s32 s6, s5  }
0xb: {  	s7 =	sshrl.u32 s7, $0x3;
	s5 =	simm.s32 $0x1;
	s6 =	smul.u32 $0x60, s6  }
0xc: {  	s13 =	smov.u32 s2;
	s12 =	smov.u32 s7;
	[sflag:s5] =	ssyncpa.u1 $0x0  }
0xd: {  	p0 =	por $0x0, $0x0;
	[sflag:s8] =	ssyncpa.u1 $0x0;
	s8 =	sor.u32 $0x1, s6  }
.LBB1_4:
0xe: {  	s21 =	sshll.u32 s18, $0xA  }
0xf: {  	s22 =	sshll.u32 s16, $0x3;
	s28 =	sand.u32 $0x78, s16;
	s29 =	sshll.u32 s18, $0x7  }
0x10: {  	s15 =	smul.u32 $0x30000, s15;
	s17 =	sshll.u32 s17, $0xB;
	s30 =	sand.u32 $0x7, s16  }
0x11: {  	s21 =	sand.u32 $0x2000, s21;
	s22 =	sand.u32 $0x3C00, s22;
	s18 =	sand.u32 $0x380, s29  }
0x12: {  	s17 =	sadd.s32 s3, s17;
	s21 =	sadd.s32 s22, s21;
	s18 =	sor.u32 s28, s18  }
0x13: {  	s15 =	sadd.s32 s15, s17;
	s21 =	sshrl.u32 s21, $0x3;
	s18 =	sshrl.u32 s18, $0x3  }
0x14: {  	s16 =	sshll.u32 s30, $0x12;
	s31 =	sand.u32 $0x780, s21;
	s15 =	sadd.s32 s18, s15  }
0x15: {  	[tilespmem:s20+$0x0 ss:$0x81] =	vst.msk $0xffff, v0;
	s16 =	sor.u32 $0x80, s16;
	s15 =	sadd.s32 s31, s15  }
0x16: {  	[hbm4b:s15+s16] =	stream.strided.scatter [tilespmem:s19], [sflag:$0x2], $0x1000, s9, s16, $0x20;
	[tilespmem:$0x4040] =	vst v63  }
.LBB1_5:
0x17: {  	s19 =	sadd.s32 $0x1, s10  }
0x18: {  	s15 =	simm.s32 $0x1;
	p2 =	sgt.s32 s19, $0x7  }
0x19: {  	s15 =	simm.s32 @!p2 $0x0  }
0x1a: {  	s20 =	sadd.s32 s15, s11  }
0x1b: {  	s21 =	smov.u32 s12;
	s15 =	sadd.s32 $0x4, s12;
	p3 =	sgt.s32 s20, $0x2  }
0x1c: {  	s21 =	smov.u32 @p3 s15  }
0x1d: {  	s22 =	smov.u32 s13;
	s15 =	sadd.s32 $0x400, s13;
	p4 =	sgt.s32 s21, $0xF  }
0x1e: {  	p1 =	slt.u32 s14, $0x2;
	s22 =	smov.u32 @p4 s15  }
0x1f: {  	s17 =	smov.u32 s11;
	s19 =	simm.s32 @p2 $0x0;
	p2 =	sgt.s32 s22, $0x3FF  }
0x20: {  	s23 =	simm.s32 @!p1 $0x2;
	s22 =	smov.u32 @p2 s2;
	p2 =	sne.s32 s14, s8  }
.Ltmp1:
0x21: {  	s18 =	smov.u32 s12;
	_ =	swait.ge @!p1 [sflag:s23], $0x1000;
	(pc) =	sbr.rel @!p2 .LBB1_6-.Ltmp1, $4  }
0x22: {  	s16 =	smov.u32 s13;
	[sflag:s23] =	ssyncset.done @!p1 $0x0;
	s20 =	simm.s32 @p3 $0x0  }
0x23: {  	p0 =	por !p0, !p0;
	[sflag:s23] =	ssyncadd.s32 @!p1 $0xFFFFF000;
	s11 =	smov.u32 s20  }
0x24: {  	s21 =	smov.u32 @p4 s7;
	s15 =	smov.u32 s10;
	s10 =	smov.u32 s19  }
0x25: {  	s12 =	smov.u32 s21;
	s14 =	sadd.s32 $0x1, s14;
	s13 =	smov.u32 s22  }
.LBB1_1:
0x26: {  	p1 =	sge.u32 s14, s6  }
0x27: {  	s19 =	smul.u32 @!p1 $0x1800, s13  }
0x28: {  	s31 =	sadd.s32 $0xFFFFFFFF, s14;
	s21 =	smul.u32 @!p1 $0x180, s12  }
0x29: {  	s20 =	sxor.u32 @!p1 $0xFFFFFFFF, s14;
	s22 =	sshll.u32 @!p1 s11, $0x7;
	s19 =	sadd.s32 @!p1 s4, s19  }
0x2a: {  	s23 =	sshll.u32 @!p1 s10, $0x4;
	s20 =	sshll.u32 @!p1 s20, $0xC;
	s19 =	sadd.s32 @!p1 s21, s19  }
0x2b: {  	s20 =	sand.u32 @!p1 $0x1000, s20;
	s21 =	sand.u32 @!p1 $0x70, s23;
	s19 =	sadd.s32 @!p1 s22, s19  }
0x2c: {  	s22 =	simm.s32 @!p1 $0xC000;
	s19 =	sadd.s32 @!p1 s21, s19;
	s21 =	simm.s32 @!p1 $0x20  }
0x2d: {  	[tilespmem:s20], [sflag:$0x1] =	stream.strided.gather @!p1 [hbm4b:s19+s21], $0x1000, s22, s21, $0x38;
	[tilespmem:$0x4040] =	vst v63  }
0x2e: {  	p1 =	sge.u32 s31, s6  }
.Ltmp2:
0x2f: {  	_ = 	snop;
	(pc) =	sbr.rel @p1 .LBB1_5-.Ltmp2, $1  }
0x30: {  	_ =	sdelay $0x3  }
0x31: {  	s19 =	simm.s32 $0x1  }
0x32: {  	_ =	swait.ge [sflag:s5], $0x1000;
	s19 =	simm.s32 @!p0 $0x0  }
0x33: {  	[sflag:s5] =	ssyncset.done $0x0;
	s20 =	sshll.u32 s19, $0xC  }
0x34: {  	[sflag:s5] =	ssyncadd.s32 $0xFFFFF000;
	s23 =	sor.u32 $0x10, s20  }
0x35: {  	s19 =	smul.u32 $0x4080, s19;
	v1 =	vld [tilespmem:s23+$0x0]  }
0x36: {  	s30 =	sand.u32 $0x1, s14;
	v0 =	vld [tilespmem:s23+$0xFFFFFFF0]  }
0x37: {  	s20 =	smul.u32 $0x4080, s30;
	s19 =	sshrl.u32 s19, $0x2  }
0x38: {  	s21 =	sor.u32 $0x2000, s19  }
0x39: {  	s31 =	sshrl.u32 s20, $0x2;
	s20 =	sadd.s32 $0x0, s21  }
0x3a: {  	s22 =	simm.s32 $0x4;
	s23 =	sadd.s32 $0x20, s23;
	s19 =	sor.u32 $0x2000, s31;
	[tilespmem:s20+$0x810 ss:$0x81] =	vst.msk $0xffff, v1  }
.LBB1_3:
0x3b: {  	v1 =	vld [tilespmem:s23+$0x0];
	p1 =	sne.s32 s22, $0x1FC;
	[tilespmem:s20+$0x0 ss:$0x81] =	vst.msk $0xffff, v0;
	s20 =	smov.u32 s22;
	s22 =	sadd.s32 $0x4, s22  }
.Ltmp3:
0x3c: {  	v0 =	vld [tilespmem:s23+$0xFFFFFFF0];
	(pc) =	sbr.rel @p1 .LBB1_3-.Ltmp3, $4  }
0x3d: {  	_ = 	snop  }
0x3e: {  	s20 =	sshra.s32 s20, $0x2  }
0x3f: {  	s20 =	sadd.s32 s20, s21  }
0x40: {  	s23 =	sadd.s32 $0x20, s23;
	[tilespmem:s20+$0x810 ss:$0x81] =	vst.msk $0xffff, v1  }
.Ltmp4:
0x41: {  	_ = 	snop;
	(pc) =	sbr.rel .LBB1_4-.Ltmp4, $1  }
0x42: {  	_ =	sdelay $0x3  }
.LBB1_6:
0x43: {  	_ =	sfence.sel $0x180000  }
0x44: {  	s2 =	simm.s32 $0x1;
	[bflag:$0x0] =	sbarrier.arrive $0xFFFF  }
0x45: {  	s31 =	simm.s32 $0x2;
	[sflag:s2] =	ssyncpa.u1 $0x1  }
0x46: {  	[sflag:s31] =	ssyncpa.u1 $0x1  }
0x47: {  	p0 =	sne.s32 s0, $0x0;
	_ =	strace $0x9000004A  }
0x48: {  	s0 =	sadd.s32 @!p0 $0x100000, s1;
	[bflag:$0x2] =	sbarrier.arrive $0xFFFF  }
0x49: {  	[sflag:s0] =	ssyncadd.tile.s32 @!p0 $0x1;
	_ =	shalt  }
.Lfunc_end1:
_tile_overlayer_lowered:
.L_overlay_start_2:
0x4a: {  	(tag) =	ssettag $0x2  }
0x4b: {  	s0 =	rddreg [dreg:$0x0];
	s2 =	stileid.u32  }
0x4c: {  	s1 =	rddreg [dreg:$0x1];
	p0 =	sne.s32 s2, $0x0  }
0x4d: {  	s3 =	rddreg [dreg:$0x2];
	[bflag:$0x3] =	sbarrier.arrive $0xFFFF;
	s2 =	simm.s32 @!p0 $0x1C01  }
0x4e: {  	[timem:s3], [sflag:s2] =	dma.local @!p0 [hbm:s0], s1  }
0x4f: {  	s0 =	simm.s32 @!p0 $0x1  }
0x50: {  	_ =	swait.ge @!p0 [sflag:s0], s1  }
0x51: {  	s1 =	ssub.s32 @!p0 $0x0, s1;
	[sflag:s0] =	ssyncset.done @!p0 $0x0  }
0x52: {  	[sflag:s0] =	ssyncadd.s32 @!p0 s1  }
0x53: {  	[bflag:$0x3] =	sbarrier.arrive $0xFFFF  }
0x54: {  	_ =	shalt  }

// kernel: sparse-core-data-format-call.cloned.1.call-start
scs
called_computation_lowered:
.L_overlay_start_0:
0x0: {  	s2 =	sld [smem:$0x3FD9]  }
0x1: {  	s3 =	sld [smem:$0x3FFE];
	_ =	sdelay $0x1  }
0x2: {  	s1 =	srdreg.scid  }
0x3: {  	s0 =	sand.u32 $0x1, s1  }
0x4: {  	s16 =	sshll.u32 s0, $0xA;
	s2 =	sadd.s32 s3, s2  }
0x5: {  	s2 =	sadd.s32 s2, s16  }
0x6: {  	[smem:$0x3FC7] =	sst s2  }
0x7: {  	_ = 	snop  }
0x8: {  	s2 =	sld [smem:$0x3FD0];
	_ =	sdelay $0x2  }
0x9: {  	s17 =	simm.s32 $0xB;
	s4 =	simm.s32 $0x10  }
0xa: {  	[smem:s4], [sflag:s17] =	dma.local [hbm:s2], $0x1  }
0xb: {  	_ =	swait.eq [sflag:s17], $0x1  }
0xc: {  	[sflag:s17] =	ssyncset.done $0x0  }
0xd: {  	[sflag:s17] =	ssyncadd.s32 $0xFFFFFFFF  }
0xe: {  	s18 =	sld [smem:$0x14];
	(tm) =	ssettm $0x1  }
0xf: {  	s19 =	sld [smem:$0x3FFB];
	_ =	sdelay $0x3  }
0x10: {  	_ =	strace s19  }
0x11: {  	s2 =	sld [smem:$0x3FFC];
	_ =	sdelay $0x3  }
0x12: {  	_ =	strace s2  }
0x13: {  	s2 =	sld [smem:$0x3FFD];
	_ =	sdelay $0x3  }
0x14: {  	_ =	strace s2  }
0x15: {  	_ =	strace $0x8FFFFFFF  }
0x16: {  	s20 =	sld [smem:$0x3FDB];
	_ =	sdelay $0x1  }
0x17: {  	s21 =	simm.s32 $_scs_section_size  }
0x18: {  	s5 =	simm.s32 $_size__tile_overlayer_lowered;
	s6 =	simm.s32 $_tile_overlayer_lowered  }
0x19: {  	s7 =	simm.s32 $0x1BFF;
	s22 =	sshll.u32 s6, $0x1;
	s4 =	sadd.s32 s21, s20  }
0x1a: {  	s23 =	simm.s32 $0x0;
	s5 =	sshll.u32 s5, $0x1;
	s6 =	sadd.s32 s22, s4  }
0x1b: {  	[timem:s23], [sflag:s7] =	dma.local [hbm:s6], s5  }
0x1c: {  	_ =	swait.ge [sflag:s7], s5  }
0x1d: {  	s5 =	ssub.s32 $0x0, s5;
	[sflag:s7] =	ssyncset.done $0x0  }
0x1e: {  	[sflag:s7] =	ssyncadd.s32 s5;
	_ =	sdelay $0x1  }
0x1f: {  	s24 =	simm.s32 $0x1B8B  }
0x20: {  	_ =	swait.ge [sflag:s24], $0x1  }
0x21: {  	[sflag:s24] =	ssyncset.done $0x0  }
0x22: {  	[sflag:s24] =	ssyncadd.s32 $0xFFFFFFFF  }
0x23: {  	s5 =	sld [smem:$0x0]  }
0x24: {  	s6 =	sand.u32 $0xFFFFFFFE, s1  }
0x25: {  	p0 =	sne.s32 s1, s6  }
0x26: {  	s6 =	sshll.u32 @p0 s6, $0xE  }
0x27: {  	s6 =	sadd.s32 @p0 $0x11B8D, s6;
	s7 =	sshll.u32 @p0 s5, $0x11  }
0x28: {  	s6 =	sor.u32 @p0 s7, s6  }
0x29: {  	[sflag:s6] =	ssyncadd.remote.s32 @p0 $0x1;
	_ =	sdelay $0x1  }
0x2a: {  	s6 =	simm.s32 @p0 $0x1B8D  }
0x2b: {  	_ =	swait.eq @p0 [sflag:s6], $0x1  }
0x2c: {  	[sflag:s6] =	ssyncadd.s32 @p0 $0xFFFFFFFF  }
0x2d: {  	s7 =	sshll.u32 @!p0 s1, $0xE  }
0x2e: {  	s7 =	sor.u32 @!p0 $0x4000, s7;
	s6 =	simm.s32 @!p0 $0x1B8D  }
0x2f: {  	s5 =	sshll.u32 @!p0 s5, $0x11;
	s7 =	sadd.s32 @!p0 $0x11B8D, s7;
	_ =	swait.eq @!p0 [sflag:s6], $0x1  }
0x30: {  	s5 =	sor.u32 @!p0 s5, s7;
	[sflag:s6] =	ssyncadd.s32 @!p0 $0xFFFFFFFF  }
0x31: {  	s26 =	simm.s32 $0x1B8E;
	s25 =	sld [smem:$0x3FFE];
	[sflag:s5] =	ssyncadd.remote.s32 @!p0 $0x1  }
0x32: {  	s27 =	simm.s32 $execute0_lowered;
	[smem:$0x3FD2] =	sst s26  }
0x33: {  	s6 =	sshll.u32 s27, $0x1;
	_ =	strace $0x8000004C;
	[dreg:$0x1] =	wrdreg $0xFFFFFFFF  }
0x34: {  	s28 =	simm.s32 $_size_execute0_lowered;
	s4 =	sadd.s32 s4, s6;
	[dreg:$0x0] =	wrdreg $0x0  }
0x35: {  	s6 =	sshll.u32 s28, $0x1;
	[dreg:$0x2] =	wrdreg s4  }
0x36: {  	[dreg:$0x3] =	wrdreg s6  }
0x37: {  	[dreg:$0x4] =	wrdreg $0xC0  }
0x38: {  	_ =	task [dreg:s23], $0x5FFFF  }
0x39: {  	[dreg:$0x1] =	wrdreg $0xFFFFFFFF  }
0x3a: {  	[dreg:$0x0] =	wrdreg $0x60  }
0x3b: {  	[dreg:$0x2] =	wrdreg s25  }
0x3c: {  	[dreg:$0x3] =	wrdreg s18  }
0x3d: {  	[dreg:$0x4] =	wrdreg $0x9  }
0x3e: {  	_ =	task.clear_ibuf [dreg:s23], $0x5FFFF;
	_ =	strace $0x9000004C  }
0x3f: {  	s29 =	simm.s32 $0x9;
	_ =	strace $0x8000004E  }
0x40: {  	_ =	swait.ge [sflag:s29], $0x1  }
0x41: {  	[sflag:s29] =	ssyncadd.s32 $0xFFFFFFFF  }
0x42: {  	_ =	strace $0x9000004E  }
0x43: {  	_ =	sfence  }
0x44: {  	s30 =	sld [smem:$0x0];
	_ =	sdelay $0x2  }
0x45: {  	s31 =	sshll.u32 s1, $0xD;
	s1 =	sshrl.u32 s1, $0x2  }
0x46: {  	s4 =	sand.u32 $0x4000, s31;
	s1 =	sadd.s32 s1, s30  }
0x47: {  	s0 =	sor.u32 s4, s0;
	s1 =	sshll.u32 s1, $0x11  }
0x48: {  	s0 =	sor.u32 s1, s0  }
0x49: {  	s0 =	sadd.s32 $0x8F2B, s0  }
0x4a: {  	[sflag:s0] =	ssyncadd.remote.s32 $0x1  }
0x4b: {  	_ =	sfence.sel $0xFFFF  }
0x4c: {  	[dreg:$0x0] =	wrdreg $0xFFFFFFFF;
	(pc) =	sbr.abs _section_cstart, $3  }
0x4d: {  	[dreg:$0x1] =	wrdreg $0xFFFFFFFF  }
0x4e: {  	_ =	task.clear_ibuf [dreg:s23], $0x2FFFF;
	_ =	strace $0x9FFFFFFF  }
0x4f: {  	(tm) =	ssettm $0x7FFFFFFF  }
tec
execute0_lowered:
.L_overlay_start_1:
0x0: {  	(tag) =	ssettag $0x1  }
0x1: {  	s0 =	stileid.u32;
	s4 =	rddreg [dreg:$0x0]  }
0x2: {  	s3 =	rddreg [dreg:$0x1];
	s7 =	srdreg.scid;
	s8 =	simm.s32 $0x2  }
0x3: {  	s15 =	simm.s32 $0x0;
	s9 =	simm.s32 $0xC000;
	s17 =	simm.s32 $0x0  }
0x4: {  	s18 =	simm.s32 $0x0;
	s16 =	simm.s32 $0x0;
	s1 =	sshll.u32 s0, $0x7  }
0x5: {  	s10 =	simm.s32 $0x0;
	s11 =	simm.s32 $0x0;
	s2 =	sand.u32 $0x380, s1  }
0x6: {  	s14 =	simm.s32 $0x0;
	s4 =	sadd.s32 $0x1601400, s4;
	s5 =	ssub.s32 $0x400, s2  }
0x7: {  	s7 =	sshll.u32 s7, $0x4;
	s1 =	rddreg [dreg:$0x2];
	s6 =	sand.u32 $0x380, s5  }
0x8: {  	s7 =	sand.u32 $0x10, s7;
	p0 =	sne.s32 s6, $0x0;
	s6 =	simm.s32 $0x1  }
.Ltmp0:
0x9: {  	s5 =	sshrl.u32 s5, $0xA;
	s6 =	simm.s32 @!p0 $0x0;
	(pc) =	sbr.rel .LBB1_1-.Ltmp0, $4  }
0xa: {  	_ =	strace $0x8000004D;
	s7 =	sor.u32 s0, s7;
	s6 =	sadd.s32 s6, s5  }
0xb: {  	s7 =	sshrl.u32 s7, $0x3;
	s5 =	simm.s32 $0x1;
	s6 =	smul.u32 $0x60, s6  }
0xc: {  	s13 =	smov.u32 s2;
	s12 =	smov.u32 s7;
	[sflag:s5] =	ssyncpa.u1 $0x0  }
0xd: {  	p0 =	por $0x0, $0x0;
	[sflag:s8] =	ssyncpa.u1 $0x0;
	s8 =	sor.u32 $0x1, s6  }
.LBB1_4:
0xe: {  	s21 =	sshll.u32 s18, $0xA  }
0xf: {  	s22 =	sshll.u32 s16, $0x3;
	s28 =	sand.u32 $0x78, s16;
	s29 =	sshll.u32 s18, $0x7  }
0x10: {  	s15 =	smul.u32 $0x30000, s15;
	s17 =	sshll.u32 s17, $0xB;
	s30 =	sand.u32 $0x7, s16  }
0x11: {  	s21 =	sand.u32 $0x2000, s21;
	s22 =	sand.u32 $0x3C00, s22;
	s18 =	sand.u32 $0x380, s29  }
0x12: {  	s17 =	sadd.s32 s3, s17;
	s21 =	sadd.s32 s22, s21;
	s18 =	sor.u32 s28, s18  }
0x13: {  	s15 =	sadd.s32 s15, s17;
	s21 =	sshrl.u32 s21, $0x3;
	s18 =	sshrl.u32 s18, $0x3  }
0x14: {  	s16 =	sshll.u32 s30, $0x12;
	s31 =	sand.u32 $0x780, s21;
	s15 =	sadd.s32 s18, s15  }
0x15: {  	[tilespmem:s20+$0x0 ss:$0x81] =	vst.msk $0xffff, v0;
	s16 =	sor.u32 $0x80, s16;
	s15 =	sadd.s32 s31, s15  }
0x16: {  	[hbm4b:s15+s16] =	stream.strided.scatter [tilespmem:s19], [sflag:$0x2], $0x1000, s9, s16, $0x20;
	[tilespmem:$0x4040] =	vst v63  }
.LBB1_5:
0x17: {  	s19 =	sadd.s32 $0x1, s10  }
0x18: {  	s15 =	simm.s32 $0x1;
	p2 =	sgt.s32 s19, $0x7  }
0x19: {  	s15 =	simm.s32 @!p2 $0x0  }
0x1a: {  	s20 =	sadd.s32 s15, s11  }
0x1b: {  	s21 =	smov.u32 s12;
	s15 =	sadd.s32 $0x4, s12;
	p3 =	sgt.s32 s20, $0x2  }
0x1c: {  	s21 =	smov.u32 @p3 s15  }
0x1d: {  	s22 =	smov.u32 s13;
	s15 =	sadd.s32 $0x400, s13;
	p4 =	sgt.s32 s21, $0xF  }
0x1e: {  	p1 =	slt.u32 s14, $0x2;
	s22 =	smov.u32 @p4 s15  }
0x1f: {  	s17 =	smov.u32 s11;
	s19 =	simm.s32 @p2 $0x0;
	p2 =	sgt.s32 s22, $0x3FF  }
0x20: {  	s23 =	simm.s32 @!p1 $0x2;
	s22 =	smov.u32 @p2 s2;
	p2 =	sne.s32 s14, s8  }
.Ltmp1:
0x21: {  	s18 =	smov.u32 s12;
	_ =	swait.ge @!p1 [sflag:s23], $0x1000;
	(pc) =	sbr.rel @!p2 .LBB1_6-.Ltmp1, $4  }
0x22: {  	s16 =	smov.u32 s13;
	[sflag:s23] =	ssyncset.done @!p1 $0x0;
	s20 =	simm.s32 @p3 $0x0  }
0x23: {  	p0 =	por !p0, !p0;
	[sflag:s23] =	ssyncadd.s32 @!p1 $0xFFFFF000;
	s11 =	smov.u32 s20  }
0x24: {  	s21 =	smov.u32 @p4 s7;
	s15 =	smov.u32 s10;
	s10 =	smov.u32 s19  }
0x25: {  	s12 =	smov.u32 s21;
	s14 =	sadd.s32 $0x1, s14;
	s13 =	smov.u32 s22  }
.LBB1_1:
0x26: {  	p1 =	sge.u32 s14, s6  }
0x27: {  	s19 =	smul.u32 @!p1 $0x1800, s13  }
0x28: {  	s31 =	sadd.s32 $0xFFFFFFFF, s14;
	s21 =	smul.u32 @!p1 $0x180, s12  }
0x29: {  	s20 =	sxor.u32 @!p1 $0xFFFFFFFF, s14;
	s22 =	sshll.u32 @!p1 s11, $0x7;
	s19 =	sadd.s32 @!p1 s4, s19  }
0x2a: {  	s23 =	sshll.u32 @!p1 s10, $0x4;
	s20 =	sshll.u32 @!p1 s20, $0xC;
	s19 =	sadd.s32 @!p1 s21, s19  }
0x2b: {  	s20 =	sand.u32 @!p1 $0x1000, s20;
	s21 =	sand.u32 @!p1 $0x70, s23;
	s19 =	sadd.s32 @!p1 s22, s19  }
0x2c: {  	s22 =	simm.s32 @!p1 $0xC000;
	s19 =	sadd.s32 @!p1 s21, s19;
	s21 =	simm.s32 @!p1 $0x20  }
0x2d: {  	[tilespmem:s20], [sflag:$0x1] =	stream.strided.gather @!p1 [hbm4b:s19+s21], $0x1000, s22, s21, $0x38;
	[tilespmem:$0x4040] =	vst v63  }
0x2e: {  	p1 =	sge.u32 s31, s6  }
.Ltmp2:
0x2f: {  	_ = 	snop;
	(pc) =	sbr.rel @p1 .LBB1_5-.Ltmp2, $1  }
0x30: {  	_ =	sdelay $0x3  }
0x31: {  	s19 =	simm.s32 $0x1  }
0x32: {  	_ =	swait.ge [sflag:s5], $0x1000;
	s19 =	simm.s32 @!p0 $0x0  }
0x33: {  	[sflag:s5] =	ssyncset.done $0x0;
	s20 =	sshll.u32 s19, $0xC  }
0x34: {  	[sflag:s5] =	ssyncadd.s32 $0xFFFFF000;
	s23 =	sor.u32 $0x10, s20  }
0x35: {  	s19 =	smul.u32 $0x4080, s19;
	v1 =	vld [tilespmem:s23+$0x0]  }
0x36: {  	s30 =	sand.u32 $0x1, s14;
	v0 =	vld [tilespmem:s23+$0xFFFFFFF0]  }
0x37: {  	s20 =	smul.u32 $0x4080, s30;
	s19 =	sshrl.u32 s19, $0x2  }
0x38: {  	s21 =	sor.u32 $0x2000, s19  }
0x39: {  	s31 =	sshrl.u32 s20, $0x2;
	s20 =	sadd.s32 $0x0, s21  }
0x3a: {  	s22 =	simm.s32 $0x4;
	s23 =	sadd.s32 $0x20, s23;
	s19 =	sor.u32 $0x2000, s31;
	[tilespmem:s20+$0x810 ss:$0x81] =	vst.msk $0xffff, v1  }
.LBB1_3:
0x3b: {  	v1 =	vld [tilespmem:s23+$0x0];
	p1 =	sne.s32 s22, $0x1FC;
	[tilespmem:s20+$0x0 ss:$0x81] =	vst.msk $0xffff, v0;
	s20 =	smov.u32 s22;
	s22 =	sadd.s32 $0x4, s22  }
.Ltmp3:
0x3c: {  	v0 =	vld [tilespmem:s23+$0xFFFFFFF0];
	(pc) =	sbr.rel @p1 .LBB1_3-.Ltmp3, $4  }
0x3d: {  	_ = 	snop  }
0x3e: {  	s20 =	sshra.s32 s20, $0x2  }
0x3f: {  	s20 =	sadd.s32 s20, s21  }
0x40: {  	s23 =	sadd.s32 $0x20, s23;
	[tilespmem:s20+$0x810 ss:$0x81] =	vst.msk $0xffff, v1  }
.Ltmp4:
0x41: {  	_ = 	snop;
	(pc) =	sbr.rel .LBB1_4-.Ltmp4, $1  }
0x42: {  	_ =	sdelay $0x3  }
.LBB1_6:
0x43: {  	_ =	sfence.sel $0x180000  }
0x44: {  	s2 =	simm.s32 $0x1;
	[bflag:$0x0] =	sbarrier.arrive $0xFFFF  }
0x45: {  	s31 =	simm.s32 $0x2;
	[sflag:s2] =	ssyncpa.u1 $0x1  }
0x46: {  	[sflag:s31] =	ssyncpa.u1 $0x1  }
0x47: {  	p0 =	sne.s32 s0, $0x0;
	_ =	strace $0x9000004D  }
0x48: {  	s0 =	sadd.s32 @!p0 $0x100000, s1;
	[bflag:$0x2] =	sbarrier.arrive $0xFFFF  }
0x49: {  	[sflag:s0] =	ssyncadd.tile.s32 @!p0 $0x1;
	_ =	shalt  }
.Lfunc_end1:
_tile_overlayer_lowered:
.L_overlay_start_2:
0x4a: {  	(tag) =	ssettag $0x2  }
0x4b: {  	s0 =	rddreg [dreg:$0x0];
	s2 =	stileid.u32  }
0x4c: {  	s1 =	rddreg [dreg:$0x1];
	p0 =	sne.s32 s2, $0x0  }
0x4d: {  	s3 =	rddreg [dreg:$0x2];
	[bflag:$0x3] =	sbarrier.arrive $0xFFFF;
	s2 =	simm.s32 @!p0 $0x1C01  }
0x4e: {  	[timem:s3], [sflag:s2] =	dma.local @!p0 [hbm:s0], s1  }
0x4f: {  	s0 =	simm.s32 @!p0 $0x1  }
0x50: {  	_ =	swait.ge @!p0 [sflag:s0], s1  }
0x51: {  	s1 =	ssub.s32 @!p0 $0x0, s1;
	[sflag:s0] =	ssyncset.done @!p0 $0x0  }
0x52: {  	[sflag:s0] =	ssyncadd.s32 @!p0 s1  }
0x53: {  	[bflag:$0x3] =	sbarrier.arrive $0xFFFF  }
0x54: {  	_ =	shalt  }

</sc_bundles>
